<compile_context>
chip_gen: v7x
topology: tpu7x:2x2x1
jax: 0.10.2.dev20260603
libtpu: 0.0.44.dev20260713+nightly
codegen_flags: <defaults>
</compile_context>

<pallas_src>
import functools

import jax
import jax.numpy as jnp
from jax import lax
from jax.experimental import pallas as pl
from jax.experimental.pallas import tpu as pltpu
from jax.experimental.pallas import tpu_sc as plsc

N = 10000
NP = 10112
E = 320000
FEAT = 128
G = 128
NC = 2
NS = 16
NW = NC * NS
CHUNK = 128
NCH = 80
EP = NW * NCH * CHUNK
RPS = NP // NS


def _sc_agg_body(h_hbm, idx_hbm, out_hbm,
                 ib_a, ib_b, rows_a, rows_b, zv, acc_sh,
                 sem_a, sem_b, sem_ia, sem_ib, sem_z):
    c = lax.axis_index("c")
    s = lax.axis_index("s")
    wid = s * NC + c

    zero16 = jnp.zeros((16,), jnp.float32)

    @pl.loop(0, 64)
    def _zfill(r):
        for q in range(8):
            zv[r, pl.ds(q * 16, 16)] = zero16

    row0 = s * RPS
    for i in range(9):
        pltpu.async_copy(zv, acc_sh.at[pl.ds(row0 + i * 64, 64)], sem_z)
    pltpu.async_copy(zv.at[pl.ds(0, 56)],
                     acc_sh.at[pl.ds(row0 + 576, 56)], sem_z)

    def _fire_idx(p, ib, sem):
        return pltpu.async_copy(idx_hbm.at[wid, p], ib, sem)

    def _wait_idx(p, ib, sem):
        pltpu.make_async_copy(idx_hbm.at[wid, p], ib, sem).wait()

    def _fire_gather(ib, r, rows, sem):
        return pltpu.async_copy(h_hbm.at[ib.at[r]], rows, sem)

    def _drain(ib, r, rows, sem):
        pltpu.make_async_copy(h_hbm.at[ib.at[r - 1]], rows, sem).wait()
        pltpu.sync_copy(rows, acc_sh.at[ib.at[r]], add=True)

    npair = NCH // 2
    _fire_idx(0, ib_a, sem_ia)

    for i in range(9):
        pltpu.make_async_copy(zv, acc_sh.at[pl.ds(row0, 64)], sem_z).wait()
    pltpu.make_async_copy(zv.at[pl.ds(0, 56)],
                          acc_sh.at[pl.ds(row0, 56)], sem_z).wait()

    _wait_idx(0, ib_a, sem_ia)
    _fire_gather(ib_a, 0, rows_a, sem_a)
    _fire_idx(1, ib_b, sem_ib)
    plsc.subcore_barrier()

    def _pair(p, A, B, sa, sb, sia, sib):
        _fire_gather(A, 2, rows_b, sb)
        _drain(A, 1, rows_a, sa)
        _wait_idx(p + 1, B, sib)
        _fire_gather(B, 0, rows_a, sa)
        _drain(A, 3, rows_b, sb)
        _fire_idx(p + 2, A, sia)

    @pl.loop(0, npair // 2 - 1)
    def _edge(k):
        p = 2 * k
        _pair(p, ib_a, ib_b, sem_a, sem_b, sem_ia, sem_ib)
        _pair(p + 1, ib_b, ib_a, sem_a, sem_b, sem_ib, sem_ia)

    _fire_gather(ib_a, 2, rows_b, sem_b)
    _drain(ib_a, 1, rows_a, sem_a)
    _wait_idx(npair - 1, ib_b, sem_ib)
    _fire_gather(ib_b, 0, rows_a, sem_a)
    _drain(ib_a, 3, rows_b, sem_b)
    _fire_gather(ib_b, 2, rows_b, sem_b)
    _drain(ib_b, 1, rows_a, sem_a)
    _drain(ib_b, 3, rows_b, sem_b)

    plsc.subcore_barrier()
    pltpu.sync_copy(acc_sh.at[pl.ds(row0, RPS)],
                    out_hbm.at[c, pl.ds(row0, RPS)])


_sc_agg = functools.partial(
    pl.kernel,
    out_type=jax.ShapeDtypeStruct((NC, NP, FEAT), jnp.float32),
    mesh=plsc.VectorSubcoreMesh(core_axis_name="c", subcore_axis_name="s"),
    scratch_types=[
        pltpu.VMEM((4, CHUNK), jnp.int32),
        pltpu.VMEM((4, CHUNK), jnp.int32),
        pltpu.VMEM((CHUNK, FEAT), jnp.float32),
        pltpu.VMEM((CHUNK, FEAT), jnp.float32),
        pltpu.VMEM((64, FEAT), jnp.float32),
        pltpu.VMEM_SHARED((NP, FEAT), jnp.float32),
        pltpu.SemaphoreType.DMA,
        pltpu.SemaphoreType.DMA,
        pltpu.SemaphoreType.DMA,
        pltpu.SemaphoreType.DMA,
        pltpu.SemaphoreType.DMA,
    ],
)(_sc_agg_body)


def _tc_input_body(x_ref, w_ref, b_ref, o_ref):
    h = jnp.dot(x_ref[...], w_ref[...], preferred_element_type=jnp.float32)
    o_ref[0:N, :] = jnp.maximum(h + b_ref[...], 0.0)


def _tc_input(x, w0, b0):
    return pl.pallas_call(
        _tc_input_body,
        out_shape=jax.ShapeDtypeStruct((NP, FEAT), jnp.float32),
    )(x, w0, b0)


def _bn_relu(z, g, b):
    m = jnp.sum(z, axis=0, keepdims=True) * (1.0 / N)
    d = z - m
    v = jnp.sum(d * d, axis=0, keepdims=True) * (1.0 / N)
    return jnp.maximum(g * d * jax.lax.rsqrt(v + 1e-5) + b, 0.0)


def _tc_dense_body(h_ref, p_ref, eps_ref, w1_ref, b1_ref, g1_ref, be1_ref,
                   w2_ref, b2_ref, g2_ref, be2_ref, o_ref):
    h = h_ref[0:N, :]
    agg = p_ref[0, 0:N, :] + p_ref[1, 0:N, :]
    z = (1.0 + eps_ref[0, 0]) * h + agg
    z = jnp.dot(z, w1_ref[...], preferred_element_type=jnp.float32) + b1_ref[...]
    z = _bn_relu(z, g1_ref[...], be1_ref[...])
    z = jnp.dot(z, w2_ref[...], preferred_element_type=jnp.float32) + b2_ref[...]
    z = _bn_relu(z, g2_ref[...], be2_ref[...])
    o_ref[0:N, :] = z + h


def _tc_dense(h, parts, eps_l, w1, b1, g1, be1, w2, b2, g2, be2):
    return pl.pallas_call(
        _tc_dense_body,
        out_shape=jax.ShapeDtypeStruct((NP, FEAT), jnp.float32),
    )(h, parts, eps_l, w1, b1, g1, be1, w2, b2, g2, be2)


def _tc_last_body(h_ref, p_ref, eps_ref, w1_ref, b1_ref, g1_ref, be1_ref,
                  w2_ref, b2_ref, g2_ref, be2_ref,
                  batch_ref, wout_ref, bout_ref, o_ref):
    h = h_ref[0:N, :]
    agg = p_ref[0, 0:N, :] + p_ref[1, 0:N, :]
    z = (1.0 + eps_ref[0, 0]) * h + agg
    z = jnp.dot(z, w1_ref[...], preferred_element_type=jnp.float32) + b1_ref[...]
    z = _bn_relu(z, g1_ref[...], be1_ref[...])
    z = jnp.dot(z, w2_ref[...], preferred_element_type=jnp.float32) + b2_ref[...]
    z = _bn_relu(z, g2_ref[...], be2_ref[...])
    h = z + h
    ids = batch_ref[...]
    onehot = (ids == lax.broadcasted_iota(jnp.int32, (N, G), 1))
    onehot = onehot.astype(jnp.float32)
    cdims = (((0,), (0,)), ((), ()))
    sums = lax.dot_general(onehot, h, cdims,
                           preferred_element_type=jnp.float32)
    cnt = lax.dot_general(onehot, jnp.ones((N, 1), jnp.float32), cdims,
                          preferred_element_type=jnp.float32)
    pooled = sums / jnp.maximum(cnt, 1.0)
    o_ref[...] = jnp.dot(pooled, wout_ref[...],
                         preferred_element_type=jnp.float32) + bout_ref[...]


def _tc_last(h, parts, eps_l, w1, b1, g1, be1, w2, b2, g2, be2,
             batch2d, wout, bout):
    return pl.pallas_call(
        _tc_last_body,
        out_shape=jax.ShapeDtypeStruct((G, FEAT), jnp.float32),
    )(h, parts, eps_l, w1, b1, g1, be1, w2, b2, g2, be2,
      batch2d, wout, bout)


def kernel(x, edge_index, edge_attr, batch, W0, b0, eps, W1s, b1s, g1s, be1s,
           W2s, b2s, gs, bes, Wout, bout):
    ei = edge_index.astype(jnp.int32)
    padw = EP // NW - E // NW
    pad_rows = (N + (jnp.arange(padw, dtype=jnp.int32) % (NP - N)))
    pad_blk = jnp.broadcast_to(pad_rows, (NW, padw))
    src = jnp.concatenate([ei[0].reshape(NW, E // NW), pad_blk], 1)
    dst = jnp.concatenate([ei[1].reshape(NW, E // NW), pad_blk], 1)
    src = src.reshape(NW, NCH, CHUNK)
    dst = dst.reshape(NW, NCH, CHUNK)
    idx = jnp.stack([src[:, 0::2], dst[:, 0::2], src[:, 1::2], dst[:, 1::2]],
                    axis=2)

    h = _tc_input(x, W0, b0.reshape(1, FEAT))
    parts = _sc_agg(h, idx)
    h = _tc_dense(h, parts, eps[0].reshape(1, 1),
                  W1s[0], b1s[0].reshape(1, FEAT),
                  g1s[0].reshape(1, FEAT), be1s[0].reshape(1, FEAT),
                  W2s[0], b2s[0].reshape(1, FEAT),
                  gs[0].reshape(1, FEAT), bes[0].reshape(1, FEAT))
    parts = _sc_agg(h, idx)
    return _tc_last(h, parts, eps[1].reshape(1, 1),
                    W1s[1], b1s[1].reshape(1, FEAT),
                    g1s[1].reshape(1, FEAT), be1s[1].reshape(1, FEAT),
                    W2s[1], b2s[1].reshape(1, FEAT),
                    gs[1].reshape(1, FEAT), bes[1].reshape(1, FEAT),
                    batch.reshape(N, 1).astype(jnp.int32),
                    Wout, bout.reshape(1, FEAT))

# --- scband reference (transcript-rebuilt; emitter-appended) ---
"""Pipeline reference for scband-ginre-lu-53197464928892 (READ-ONLY COPY).

The authoritative reference and input builder live on the scoring server;
editing this copy changes nothing except your own understanding.
"""

import jax, jax.numpy as jnp
import numpy as np

N = 10000
E = 320000
IN = 128
EMB = 128
OUT = 128
L = 2
G = 128
D_EDGE = 16


def setup_inputs(seed: int = 0) -> dict:
    key = jax.random.key(seed)
    ks = list(jax.random.split(key, 24))
    k = iter(ks)
    s = 1.0 / np.sqrt(EMB)
    inp = {
        "x": jax.random.normal(next(k), (N, IN), dtype=jnp.float32),
        "edge_index": jax.random.randint(next(k), (2, E), 0, N),
        "edge_attr": jax.random.normal(next(k), (E, D_EDGE), dtype=jnp.float32),
        "batch": jnp.sort(jax.random.randint(next(k), (N,), 0, G)),
        "W0": jax.random.normal(next(k), (IN, EMB), dtype=jnp.float32) * (1.0 / np.sqrt(IN)),
        "b0": jnp.zeros((EMB,), jnp.float32),
        "eps": jnp.zeros((L,), jnp.float32),
        "W1s": jax.random.normal(next(k), (L, EMB, EMB), dtype=jnp.float32) * s,
        "b1s": jnp.zeros((L, EMB), jnp.float32),
        "g1s": jnp.ones((L, EMB), jnp.float32),
        "be1s": jnp.zeros((L, EMB), jnp.float32),
        "W2s": jax.random.normal(next(k), (L, EMB, EMB), dtype=jnp.float32) * s,
        "b2s": jnp.zeros((L, EMB), jnp.float32),
        "gs": jnp.ones((L, EMB), jnp.float32),
        "bes": jnp.zeros((L, EMB), jnp.float32),
        "Wout": jax.random.normal(next(k), (EMB, OUT), dtype=jnp.float32) * s,
        "bout": jnp.zeros((OUT,), jnp.float32),
    }
    return inp


def _bn(h, g, b):
    m = jnp.mean(h, axis=0)
    v = jnp.mean((h - m) ** 2, axis=0)
    return g * (h - m) / jnp.sqrt(v + 1e-5) + b


def reference(x, edge_index, edge_attr, batch, W0, b0, eps, W1s, b1s, g1s, be1s, W2s, b2s, gs, bes, Wout, bout):
    src = edge_index[0]
    dst = edge_index[1]
    # input projection + relu
    h = jax.nn.relu(x @ W0 + b0)
    for l in range(L):
        # GINConv: sum-aggregate neighbor messages (gather + scatter-add)
        agg = jnp.zeros((N, EMB), h.dtype).at[dst].add(h[src])
        z = (1.0 + eps[l]) * h + agg
        # mlp: Linear -> BatchNorm1d -> ReLU -> Linear
        z = z @ W1s[l] + b1s[l]
        z = jax.nn.relu(_bn(z, g1s[l], be1s[l]))
        z = z @ W2s[l] + b2s[l]
        # outer BatchNorm1d + ReLU + residual
        z = jax.nn.relu(_bn(z, gs[l], bes[l]))
        h = z + h
    # global mean pool over graphs
    sums = jax.ops.segment_sum(h, batch, num_segments=G)
    cnt = jax.ops.segment_sum(jnp.ones((N, 1), h.dtype), batch, num_segments=G)
    pooled = sums / jnp.maximum(cnt, 1.0)
    return pooled @ Wout + bout

if __name__ == "__main__":
    import jax
    _d = setup_inputs()
    print(jax.jit(kernel)(*tuple(_d.values())))

</pallas_src>

<mosaic_0001>
#map = affine_map<(d0, d1) -> (0, 0)>
#map1 = affine_map<(d0, d1) -> (0, 0, 0, 0)>
#map2 = affine_map<(d0, d1) -> (0, 0, 0)>
module attributes {stable_mosaic.version = 14 : i64} {
  func.func @_sc_agg_body(%arg0: i32, %arg1: i32, %arg2: memref<10112x128xf32, #tpu.memory_space<hbm>>, %arg3: memref<32x40x4x128xi32, #tpu.memory_space<hbm>>, %arg4: memref<2x10112x128xf32, #tpu.memory_space<hbm>>, %arg5: memref<4x128xi32, #tpu.memory_space<vmem>>, %arg6: memref<4x128xi32, #tpu.memory_space<vmem>>, %arg7: memref<128x128xf32, #tpu.memory_space<vmem>>, %arg8: memref<128x128xf32, #tpu.memory_space<vmem>>, %arg9: memref<64x128xf32, #tpu.memory_space<vmem>>, %arg10: memref<10112x128xf32, #tpu.memory_space<vmem_shared>>, %arg11: memref<!tpu.dma_semaphore, #tpu.memory_space<semaphore_mem>>, %arg12: memref<!tpu.dma_semaphore, #tpu.memory_space<semaphore_mem>>, %arg13: memref<!tpu.dma_semaphore, #tpu.memory_space<semaphore_mem>>, %arg14: memref<!tpu.dma_semaphore, #tpu.memory_space<semaphore_mem>>, %arg15: memref<!tpu.dma_semaphore, #tpu.memory_space<semaphore_mem>>) attributes {dimension_semantics = [#tpu.dimension_semantics<core_parallel>, #tpu.dimension_semantics<subcore_parallel>], iteration_bounds = array<i64: 2, 16>, scalar_prefetch = 0 : i64, scratch_operands = 11 : i64, tpu.core_type = #tpu.core_type<sc_vector_subcore>, window_params = [{transform_indices = #map}, {transform_indices = #map1}, {transform_indices = #map2}]} {
    %mul3A = arith.constant 2 : i32
    %mul3A_0 = arith.muli %arg1, %mul3A : i32
    %add3A = arith.addi %mul3A_0, %arg0 : i32
    %broadcast_in_dim3A = arith.constant 0.000000e+00 : f32
    %broadcast_in_dim3A_1 = vector.broadcast %broadcast_in_dim3A : f32 to vector<16xf32>
    %scan3A = arith.constant 0 : i32
    %scan3A_2 = arith.constant 64 : i32
    %scan3A_3 = arith.addi %scan3A, %scan3A_2 : i32
    %scan3A_4 = arith.constant 1 : i32
    scf.for %scan3A_219 = %scan3A to %scan3A_3 step %scan3A_4  : i32 {
      %mul3A_220 = arith.constant 1 : i32
      %mul3A_221 = arith.muli %scan3A_219, %mul3A_220 : i32
      %add3A_222 = arith.constant 0 : i32
      %add3A_223 = arith.addi %add3A_222, %mul3A_221 : i32
      %swap3A = arith.index_cast %add3A_223 : i32 to index
      %swap3A_224 = arith.constant 0 : index
      %swap3A_225 = tpu.vector_load %arg9[%swap3A, %swap3A_224] {strides = array<i32>} : memref<64x128xf32, #tpu.memory_space<vmem>>, vector<1x16xf32>,
      %swap3A_226 = vector.shape_cast %swap3A_225 : vector<1x16xf32> to vector<16xf32>
      %swap3A_227 = vector.shape_cast %broadcast_in_dim3A_1 : vector<16xf32> to vector<1x16xf32>
      tpu.vector_store %arg9[%swap3A, %swap3A_224], %swap3A_227 {strides = array<i32>} : memref<64x128xf32, #tpu.memory_space<vmem>>, vector<1x16xf32>,
      %swap3A_228 = arith.index_cast %add3A_223 : i32 to index
      %swap3A_229 = arith.constant 16 : index
      %swap3A_230 = tpu.vector_load %arg9[%swap3A_228, %swap3A_229] {strides = array<i32>} : memref<64x128xf32, #tpu.memory_space<vmem>>, vector<1x16xf32>,
      %swap3A_231 = vector.shape_cast %swap3A_230 : vector<1x16xf32> to vector<16xf32>
      %swap3A_232 = vector.shape_cast %broadcast_in_dim3A_1 : vector<16xf32> to vector<1x16xf32>
      tpu.vector_store %arg9[%swap3A_228, %swap3A_229], %swap3A_232 {strides = array<i32>} : memref<64x128xf32, #tpu.memory_space<vmem>>, vector<1x16xf32>,
      %swap3A_233 = arith.index_cast %add3A_223 : i32 to index
      %swap3A_234 = arith.constant 32 : index
      %swap3A_235 = tpu.vector_load %arg9[%swap3A_233, %swap3A_234] {strides = array<i32>} : memref<64x128xf32, #tpu.memory_space<vmem>>, vector<1x16xf32>,
      %swap3A_236 = vector.shape_cast %swap3A_235 : vector<1x16xf32> to vector<16xf32>
      %swap3A_237 = vector.shape_cast %broadcast_in_dim3A_1 : vector<16xf32> to vector<1x16xf32>
      tpu.vector_store %arg9[%swap3A_233, %swap3A_234], %swap3A_237 {strides = array<i32>} : memref<64x128xf32, #tpu.memory_space<vmem>>, vector<1x16xf32>,
      %swap3A_238 = arith.index_cast %add3A_223 : i32 to index
      %swap3A_239 = arith.constant 48 : index
      %swap3A_240 = tpu.vector_load %arg9[%swap3A_238, %swap3A_239] {strides = array<i32>} : memref<64x128xf32, #tpu.memory_space<vmem>>, vector<1x16xf32>,
      %swap3A_241 = vector.shape_cast %swap3A_240 : vector<1x16xf32> to vector<16xf32>
      %swap3A_242 = vector.shape_cast %broadcast_in_dim3A_1 : vector<16xf32> to vector<1x16xf32>
      tpu.vector_store %arg9[%swap3A_238, %swap3A_239], %swap3A_242 {strides = array<i32>} : memref<64x128xf32, #tpu.memory_space<vmem>>, vector<1x16xf32>,
      %swap3A_243 = arith.index_cast %add3A_223 : i32 to index
      %swap3A_244 = arith.constant 64 : index
      %swap3A_245 = tpu.vector_load %arg9[%swap3A_243, %swap3A_244] {strides = array<i32>} : memref<64x128xf32, #tpu.memory_space<vmem>>, vector<1x16xf32>,
      %swap3A_246 = vector.shape_cast %swap3A_245 : vector<1x16xf32> to vector<16xf32>
      %swap3A_247 = vector.shape_cast %broadcast_in_dim3A_1 : vector<16xf32> to vector<1x16xf32>
      tpu.vector_store %arg9[%swap3A_243, %swap3A_244], %swap3A_247 {strides = array<i32>} : memref<64x128xf32, #tpu.memory_space<vmem>>, vector<1x16xf32>,
      %swap3A_248 = arith.index_cast %add3A_223 : i32 to index
      %swap3A_249 = arith.constant 80 : index
      %swap3A_250 = tpu.vector_load %arg9[%swap3A_248, %swap3A_249] {strides = array<i32>} : memref<64x128xf32, #tpu.memory_space<vmem>>, vector<1x16xf32>,
      %swap3A_251 = vector.shape_cast %swap3A_250 : vector<1x16xf32> to vector<16xf32>
      %swap3A_252 = vector.shape_cast %broadcast_in_dim3A_1 : vector<16xf32> to vector<1x16xf32>
      tpu.vector_store %arg9[%swap3A_248, %swap3A_249], %swap3A_252 {strides = array<i32>} : memref<64x128xf32, #tpu.memory_space<vmem>>, vector<1x16xf32>,
      %swap3A_253 = arith.index_cast %add3A_223 : i32 to index
      %swap3A_254 = arith.constant 96 : index
      %swap3A_255 = tpu.vector_load %arg9[%swap3A_253, %swap3A_254] {strides = array<i32>} : memref<64x128xf32, #tpu.memory_space<vmem>>, vector<1x16xf32>,
      %swap3A_256 = vector.shape_cast %swap3A_255 : vector<1x16xf32> to vector<16xf32>
      %swap3A_257 = vector.shape_cast %broadcast_in_dim3A_1 : vector<16xf32> to vector<1x16xf32>
      tpu.vector_store %arg9[%swap3A_253, %swap3A_254], %swap3A_257 {strides = array<i32>} : memref<64x128xf32, #tpu.memory_space<vmem>>, vector<1x16xf32>,
      %swap3A_258 = arith.index_cast %add3A_223 : i32 to index
      %swap3A_259 = arith.constant 112 : index
      %swap3A_260 = tpu.vector_load %arg9[%swap3A_258, %swap3A_259] {strides = array<i32>} : memref<64x128xf32, #tpu.memory_space<vmem>>, vector<1x16xf32>,
      %swap3A_261 = vector.shape_cast %swap3A_260 : vector<1x16xf32> to vector<16xf32>
      %swap3A_262 = vector.shape_cast %broadcast_in_dim3A_1 : vector<16xf32> to vector<1x16xf32>
      tpu.vector_store %arg9[%swap3A_258, %swap3A_259], %swap3A_262 {strides = array<i32>} : memref<64x128xf32, #tpu.memory_space<vmem>>, vector<1x16xf32>,
    }
    %scan3A_5 = arith.constant 64 : i32
    %mul3A_6 = arith.constant 632 : i32
    %mul3A_7 = arith.muli %arg1, %mul3A_6 : i32
    %add3A_8 = arith.constant 0 : i32
    %add3A_9 = arith.addi %mul3A_7, %add3A_8 : i32
    %dma_start3A = arith.constant 0 : i32
    %dma_start3A_10 = tpu.memref_slice %arg10[%add3A_9, %dma_start3A] : memref<10112x128xf32, #tpu.memory_space<vmem_shared>> -> memref<64x128xf32, #tpu.memory_space<vmem_shared>>
    %dma_start3A_11 = arith.constant 0 : i32
    %dma_start3A_12 = tpu.memref_slice %arg10[%add3A_9, %dma_start3A_11] : memref<10112x128xf32, #tpu.memory_space<vmem_shared>> -> memref<64x128xf32, #tpu.memory_space<vmem_shared>>
    tpu.enqueue_dma source(%arg9 : memref<64x128xf32, #tpu.memory_space<vmem>>) target(%dma_start3A_12 : memref<64x128xf32, #tpu.memory_space<vmem_shared>>) target_semaphore(%arg15 : memref<!tpu.dma_semaphore, #tpu.memory_space<semaphore_mem>>)
    %add3A_13 = arith.constant 64 : i32
    %add3A_14 = arith.addi %mul3A_7, %add3A_13 : i32
    %dma_start3A_15 = arith.constant 0 : i32
    %dma_start3A_16 = tpu.memref_slice %arg10[%add3A_14, %dma_start3A_15] : memref<10112x128xf32, #tpu.memory_space<vmem_shared>> -> memref<64x128xf32, #tpu.memory_space<vmem_shared>>
    %dma_start3A_17 = arith.constant 0 : i32
    %dma_start3A_18 = tpu.memref_slice %arg10[%add3A_14, %dma_start3A_17] : memref<10112x128xf32, #tpu.memory_space<vmem_shared>> -> memref<64x128xf32, #tpu.memory_space<vmem_shared>>
    tpu.enqueue_dma source(%arg9 : memref<64x128xf32, #tpu.memory_space<vmem>>) target(%dma_start3A_18 : memref<64x128xf32, #tpu.memory_space<vmem_shared>>) target_semaphore(%arg15 : memref<!tpu.dma_semaphore, #tpu.memory_space<semaphore_mem>>)
    %add3A_19 = arith.constant 128 : i32
    %add3A_20 = arith.addi %mul3A_7, %add3A_19 : i32
    %dma_start3A_21 = arith.constant 0 : i32
    %dma_start3A_22 = tpu.memref_slice %arg10[%add3A_20, %dma_start3A_21] : memref<10112x128xf32, #tpu.memory_space<vmem_shared>> -> memref<64x128xf32, #tpu.memory_space<vmem_shared>>
    %dma_start3A_23 = arith.constant 0 : i32
    %dma_start3A_24 = tpu.memref_slice %arg10[%add3A_20, %dma_start3A_23] : memref<10112x128xf32, #tpu.memory_space<vmem_shared>> -> memref<64x128xf32, #tpu.memory_space<vmem_shared>>
    tpu.enqueue_dma source(%arg9 : memref<64x128xf32, #tpu.memory_space<vmem>>) target(%dma_start3A_24 : memref<64x128xf32, #tpu.memory_space<vmem_shared>>) target_semaphore(%arg15 : memref<!tpu.dma_semaphore, #tpu.memory_space<semaphore_mem>>)
    %add3A_25 = arith.constant 192 : i32
    %add3A_26 = arith.addi %mul3A_7, %add3A_25 : i32
    %dma_start3A_27 = arith.constant 0 : i32
    %dma_start3A_28 = tpu.memref_slice %arg10[%add3A_26, %dma_start3A_27] : memref<10112x128xf32, #tpu.memory_space<vmem_shared>> -> memref<64x128xf32, #tpu.memory_space<vmem_shared>>
    %dma_start3A_29 = arith.constant 0 : i32
    %dma_start3A_30 = tpu.memref_slice %arg10[%add3A_26, %dma_start3A_29] : memref<10112x128xf32, #tpu.memory_space<vmem_shared>> -> memref<64x128xf32, #tpu.memory_space<vmem_shared>>
    tpu.enqueue_dma source(%arg9 : memref<64x128xf32, #tpu.memory_space<vmem>>) target(%dma_start3A_30 : memref<64x128xf32, #tpu.memory_space<vmem_shared>>) target_semaphore(%arg15 : memref<!tpu.dma_semaphore, #tpu.memory_space<semaphore_mem>>)
    %add3A_31 = arith.constant 256 : i32
    %add3A_32 = arith.addi %mul3A_7, %add3A_31 : i32
    %dma_start3A_33 = arith.constant 0 : i32
    %dma_start3A_34 = tpu.memref_slice %arg10[%add3A_32, %dma_start3A_33] : memref<10112x128xf32, #tpu.memory_space<vmem_shared>> -> memref<64x128xf32, #tpu.memory_space<vmem_shared>>
    %dma_start3A_35 = arith.constant 0 : i32
    %dma_start3A_36 = tpu.memref_slice %arg10[%add3A_32, %dma_start3A_35] : memref<10112x128xf32, #tpu.memory_space<vmem_shared>> -> memref<64x128xf32, #tpu.memory_space<vmem_shared>>
    tpu.enqueue_dma source(%arg9 : memref<64x128xf32, #tpu.memory_space<vmem>>) target(%dma_start3A_36 : memref<64x128xf32, #tpu.memory_space<vmem_shared>>) target_semaphore(%arg15 : memref<!tpu.dma_semaphore, #tpu.memory_space<semaphore_mem>>)
    %add3A_37 = arith.constant 320 : i32
    %add3A_38 = arith.addi %mul3A_7, %add3A_37 : i32
    %dma_start3A_39 = arith.constant 0 : i32
    %dma_start3A_40 = tpu.memref_slice %arg10[%add3A_38, %dma_start3A_39] : memref<10112x128xf32, #tpu.memory_space<vmem_shared>> -> memref<64x128xf32, #tpu.memory_space<vmem_shared>>
    %dma_start3A_41 = arith.constant 0 : i32
    %dma_start3A_42 = tpu.memref_slice %arg10[%add3A_38, %dma_start3A_41] : memref<10112x128xf32, #tpu.memory_space<vmem_shared>> -> memref<64x128xf32, #tpu.memory_space<vmem_shared>>
    tpu.enqueue_dma source(%arg9 : memref<64x128xf32, #tpu.memory_space<vmem>>) target(%dma_start3A_42 : memref<64x128xf32, #tpu.memory_space<vmem_shared>>) target_semaphore(%arg15 : memref<!tpu.dma_semaphore, #tpu.memory_space<semaphore_mem>>)
    %add3A_43 = arith.constant 384 : i32
    %add3A_44 = arith.addi %mul3A_7, %add3A_43 : i32
    %dma_start3A_45 = arith.constant 0 : i32
    %dma_start3A_46 = tpu.memref_slice %arg10[%add3A_44, %dma_start3A_45] : memref<10112x128xf32, #tpu.memory_space<vmem_shared>> -> memref<64x128xf32, #tpu.memory_space<vmem_shared>>
    %dma_start3A_47 = arith.constant 0 : i32
    %dma_start3A_48 = tpu.memref_slice %arg10[%add3A_44, %dma_start3A_47] : memref<10112x128xf32, #tpu.memory_space<vmem_shared>> -> memref<64x128xf32, #tpu.memory_space<vmem_shared>>
    tpu.enqueue_dma source(%arg9 : memref<64x128xf32, #tpu.memory_space<vmem>>) target(%dma_start3A_48 : memref<64x128xf32, #tpu.memory_space<vmem_shared>>) target_semaphore(%arg15 : memref<!tpu.dma_semaphore, #tpu.memory_space<semaphore_mem>>)
    %add3A_49 = arith.constant 448 : i32
    %add3A_50 = arith.addi %mul3A_7, %add3A_49 : i32
    %dma_start3A_51 = arith.constant 0 : i32
    %dma_start3A_52 = tpu.memref_slice %arg10[%add3A_50, %dma_start3A_51] : memref<10112x128xf32, #tpu.memory_space<vmem_shared>> -> memref<64x128xf32, #tpu.memory_space<vmem_shared>>
    %dma_start3A_53 = arith.constant 0 : i32
    %dma_start3A_54 = tpu.memref_slice %arg10[%add3A_50, %dma_start3A_53] : memref<10112x128xf32, #tpu.memory_space<vmem_shared>> -> memref<64x128xf32, #tpu.memory_space<vmem_shared>>
    tpu.enqueue_dma source(%arg9 : memref<64x128xf32, #tpu.memory_space<vmem>>) target(%dma_start3A_54 : memref<64x128xf32, #tpu.memory_space<vmem_shared>>) target_semaphore(%arg15 : memref<!tpu.dma_semaphore, #tpu.memory_space<semaphore_mem>>)
    %add3A_55 = arith.constant 512 : i32
    %add3A_56 = arith.addi %mul3A_7, %add3A_55 : i32
    %dma_start3A_57 = arith.constant 0 : i32
    %dma_start3A_58 = tpu.memref_slice %arg10[%add3A_56, %dma_start3A_57] : memref<10112x128xf32, #tpu.memory_space<vmem_shared>> -> memref<64x128xf32, #tpu.memory_space<vmem_shared>>
    %dma_start3A_59 = arith.constant 0 : i32
    %dma_start3A_60 = tpu.memref_slice %arg10[%add3A_56, %dma_start3A_59] : memref<10112x128xf32, #tpu.memory_space<vmem_shared>> -> memref<64x128xf32, #tpu.memory_space<vmem_shared>>
    tpu.enqueue_dma source(%arg9 : memref<64x128xf32, #tpu.memory_space<vmem>>) target(%dma_start3A_60 : memref<64x128xf32, #tpu.memory_space<vmem_shared>>) target_semaphore(%arg15 : memref<!tpu.dma_semaphore, #tpu.memory_space<semaphore_mem>>)
    %add3A_61 = arith.constant 576 : i32
    %add3A_62 = arith.addi %mul3A_7, %add3A_61 : i32
    %dma_start3A_63 = arith.constant 0 : i32
    %dma_start3A_64 = arith.constant 0 : i32
    %dma_start3A_65 = tpu.memref_slice %arg9[%dma_start3A_63, %dma_start3A_64] : memref<64x128xf32, #tpu.memory_space<vmem>> -> memref<56x128xf32, #tpu.memory_space<vmem>>
    %dma_start3A_66 = arith.constant 0 : i32
    %dma_start3A_67 = tpu.memref_slice %arg10[%add3A_62, %dma_start3A_66] : memref<10112x128xf32, #tpu.memory_space<vmem_shared>> -> memref<56x128xf32, #tpu.memory_space<vmem_shared>>
    %dma_start3A_68 = arith.constant 0 : i32
    %dma_start3A_69 = tpu.memref_slice %arg10[%add3A_62, %dma_start3A_68] : memref<10112x128xf32, #tpu.memory_space<vmem_shared>> -> memref<56x128xf32, #tpu.memory_space<vmem_shared>>
    %dma_start3A_70 = arith.constant 0 : i32
    %dma_start3A_71 = arith.constant 0 : i32
    %dma_start3A_72 = tpu.memref_slice %arg9[%dma_start3A_70, %dma_start3A_71] : memref<64x128xf32, #tpu.memory_space<vmem>> -> memref<56x128xf32, #tpu.memory_space<vmem>>
    tpu.enqueue_dma source(%dma_start3A_72 : memref<56x128xf32, #tpu.memory_space<vmem>>) target(%dma_start3A_69 : memref<56x128xf32, #tpu.memory_space<vmem_shared>>) target_semaphore(%arg15 : memref<!tpu.dma_semaphore, #tpu.memory_space<semaphore_mem>>)
    %dma_start3A_73 = arith.constant 0 : i32
    %dma_start3A_74 = arith.constant 0 : i32
    %dma_start3A_75 = arith.constant 0 : i32
    %dma_start3A_76 = tpu.memref_slice %arg3[%add3A, %dma_start3A_73, %dma_start3A_74, %dma_start3A_75] : memref<32x40x4x128xi32, #tpu.memory_space<hbm>> -> memref<1x1x4x128xi32, #tpu.memory_space<hbm>>
    %dma_start3A_77 = tpu.memref_squeeze %dma_start3A_76 : memref<1x1x4x128xi32, #tpu.memory_space<hbm>> -> memref<4x128xi32, #tpu.memory_space<hbm>>
    %dma_start3A_78 = arith.constant 0 : i32
    %dma_start3A_79 = arith.constant 0 : i32
    %dma_start3A_80 = tpu.memref_slice %arg3[%add3A, %dma_start3A_73, %dma_start3A_78, %dma_start3A_79] : memref<32x40x4x128xi32, #tpu.memory_space<hbm>> -> memref<1x1x4x128xi32, #tpu.memory_space<hbm>>
    %dma_start3A_81 = tpu.memref_squeeze %dma_start3A_80 : memref<1x1x4x128xi32, #tpu.memory_space<hbm>> -> memref<4x128xi32, #tpu.memory_space<hbm>>
    tpu.enqueue_dma source(%dma_start3A_81 : memref<4x128xi32, #tpu.memory_space<hbm>>) target(%arg5 : memref<4x128xi32, #tpu.memory_space<vmem>>) target_semaphore(%arg13 : memref<!tpu.dma_semaphore, #tpu.memory_space<semaphore_mem>>)
    %dma_wait3A = arith.constant 0 : i32
    %dma_wait3A_82 = tpu.memref_slice %arg10[%mul3A_7, %dma_wait3A] : memref<10112x128xf32, #tpu.memory_space<vmem_shared>> -> memref<64x128xf32, #tpu.memory_space<vmem_shared>>
    %dma_wait3A_83 = arith.constant 0 : i32
    %dma_wait3A_84 = tpu.memref_slice %arg10[%mul3A_7, %dma_wait3A_83] : memref<10112x128xf32, #tpu.memory_space<vmem_shared>> -> memref<64x128xf32, #tpu.memory_space<vmem_shared>>
    tpu.wait_dma2 semaphore(%arg15 : memref<!tpu.dma_semaphore, #tpu.memory_space<semaphore_mem>>) src(%arg9 : memref<64x128xf32, #tpu.memory_space<vmem>>) dst(%dma_wait3A_84 : memref<64x128xf32, #tpu.memory_space<vmem_shared>>)
    %dma_wait3A_85 = arith.constant 0 : i32
    %dma_wait3A_86 = tpu.memref_slice %arg10[%mul3A_7, %dma_wait3A_85] : memref<10112x128xf32, #tpu.memory_space<vmem_shared>> -> memref<64x128xf32, #tpu.memory_space<vmem_shared>>
    %dma_wait3A_87 = arith.constant 0 : i32
    %dma_wait3A_88 = tpu.memref_slice %arg10[%mul3A_7, %dma_wait3A_87] : memref<10112x128xf32, #tpu.memory_space<vmem_shared>> -> memref<64x128xf32, #tpu.memory_space<vmem_shared>>
    tpu.wait_dma2 semaphore(%arg15 : memref<!tpu.dma_semaphore, #tpu.memory_space<semaphore_mem>>) src(%arg9 : memref<64x128xf32, #tpu.memory_space<vmem>>) dst(%dma_wait3A_88 : memref<64x128xf32, #tpu.memory_space<vmem_shared>>)
    %dma_wait3A_89 = arith.constant 0 : i32
    %dma_wait3A_90 = tpu.memref_slice %arg10[%mul3A_7, %dma_wait3A_89] : memref<10112x128xf32, #tpu.memory_space<vmem_shared>> -> memref<64x128xf32, #tpu.memory_space<vmem_shared>>
    %dma_wait3A_91 = arith.constant 0 : i32
    %dma_wait3A_92 = tpu.memref_slice %arg10[%mul3A_7, %dma_wait3A_91] : memref<10112x128xf32, #tpu.memory_space<vmem_shared>> -> memref<64x128xf32, #tpu.memory_space<vmem_shared>>
    tpu.wait_dma2 semaphore(%arg15 : memref<!tpu.dma_semaphore, #tpu.memory_space<semaphore_mem>>) src(%arg9 : memref<64x128xf32, #tpu.memory_space<vmem>>) dst(%dma_wait3A_92 : memref<64x128xf32, #tpu.memory_space<vmem_shared>>)
    %dma_wait3A_93 = arith.constant 0 : i32
    %dma_wait3A_94 = tpu.memref_slice %arg10[%mul3A_7, %dma_wait3A_93] : memref<10112x128xf32, #tpu.memory_space<vmem_shared>> -> memref<64x128xf32, #tpu.memory_space<vmem_shared>>
    %dma_wait3A_95 = arith.constant 0 : i32
    %dma_wait3A_96 = tpu.memref_slice %arg10[%mul3A_7, %dma_wait3A_95] : memref<10112x128xf32, #tpu.memory_space<vmem_shared>> -> memref<64x128xf32, #tpu.memory_space<vmem_shared>>
    tpu.wait_dma2 semaphore(%arg15 : memref<!tpu.dma_semaphore, #tpu.memory_space<semaphore_mem>>) src(%arg9 : memref<64x128xf32, #tpu.memory_space<vmem>>) dst(%dma_wait3A_96 : memref<64x128xf32, #tpu.memory_space<vmem_shared>>)
    %dma_wait3A_97 = arith.constant 0 : i32
    %dma_wait3A_98 = tpu.memref_slice %arg10[%mul3A_7, %dma_wait3A_97] : memref<10112x128xf32, #tpu.memory_space<vmem_shared>> -> memref<64x128xf32, #tpu.memory_space<vmem_shared>>
    %dma_wait3A_99 = arith.constant 0 : i32
    %dma_wait3A_100 = tpu.memref_slice %arg10[%mul3A_7, %dma_wait3A_99] : memref<10112x128xf32, #tpu.memory_space<vmem_shared>> -> memref<64x128xf32, #tpu.memory_space<vmem_shared>>
    tpu.wait_dma2 semaphore(%arg15 : memref<!tpu.dma_semaphore, #tpu.memory_space<semaphore_mem>>) src(%arg9 : memref<64x128xf32, #tpu.memory_space<vmem>>) dst(%dma_wait3A_100 : memref<64x128xf32, #tpu.memory_space<vmem_shared>>)
    %dma_wait3A_101 = arith.constant 0 : i32
    %dma_wait3A_102 = tpu.memref_slice %arg10[%mul3A_7, %dma_wait3A_101] : memref<10112x128xf32, #tpu.memory_space<vmem_shared>> -> memref<64x128xf32, #tpu.memory_space<vmem_shared>>
    %dma_wait3A_103 = arith.constant 0 : i32
    %dma_wait3A_104 = tpu.memref_slice %arg10[%mul3A_7, %dma_wait3A_103] : memref<10112x128xf32, #tpu.memory_space<vmem_shared>> -> memref<64x128xf32, #tpu.memory_space<vmem_shared>>
    tpu.wait_dma2 semaphore(%arg15 : memref<!tpu.dma_semaphore, #tpu.memory_space<semaphore_mem>>) src(%arg9 : memref<64x128xf32, #tpu.memory_space<vmem>>) dst(%dma_wait3A_104 : memref<64x128xf32, #tpu.memory_space<vmem_shared>>)
    %dma_wait3A_105 = arith.constant 0 : i32
    %dma_wait3A_106 = tpu.memref_slice %arg10[%mul3A_7, %dma_wait3A_105] : memref<10112x128xf32, #tpu.memory_space<vmem_shared>> -> memref<64x128xf32, #tpu.memory_space<vmem_shared>>
    %dma_wait3A_107 = arith.constant 0 : i32
    %dma_wait3A_108 = tpu.memref_slice %arg10[%mul3A_7, %dma_wait3A_107] : memref<10112x128xf32, #tpu.memory_space<vmem_shared>> -> memref<64x128xf32, #tpu.memory_space<vmem_shared>>
    tpu.wait_dma2 semaphore(%arg15 : memref<!tpu.dma_semaphore, #tpu.memory_space<semaphore_mem>>) src(%arg9 : memref<64x128xf32, #tpu.memory_space<vmem>>) dst(%dma_wait3A_108 : memref<64x128xf32, #tpu.memory_space<vmem_shared>>)
    %dma_wait3A_109 = arith.constant 0 : i32
    %dma_wait3A_110 = tpu.memref_slice %arg10[%mul3A_7, %dma_wait3A_109] : memref<10112x128xf32, #tpu.memory_space<vmem_shared>> -> memref<64x128xf32, #tpu.memory_space<vmem_shared>>
    %dma_wait3A_111 = arith.constant 0 : i32
    %dma_wait3A_112 = tpu.memref_slice %arg10[%mul3A_7, %dma_wait3A_111] : memref<10112x128xf32, #tpu.memory_space<vmem_shared>> -> memref<64x128xf32, #tpu.memory_space<vmem_shared>>
    tpu.wait_dma2 semaphore(%arg15 : memref<!tpu.dma_semaphore, #tpu.memory_space<semaphore_mem>>) src(%arg9 : memref<64x128xf32, #tpu.memory_space<vmem>>) dst(%dma_wait3A_112 : memref<64x128xf32, #tpu.memory_space<vmem_shared>>)
    %dma_wait3A_113 = arith.constant 0 : i32
    %dma_wait3A_114 = tpu.memref_slice %arg10[%mul3A_7, %dma_wait3A_113] : memref<10112x128xf32, #tpu.memory_space<vmem_shared>> -> memref<64x128xf32, #tpu.memory_space<vmem_shared>>
    %dma_wait3A_115 = arith.constant 0 : i32
    %dma_wait3A_116 = tpu.memref_slice %arg10[%mul3A_7, %dma_wait3A_115] : memref<10112x128xf32, #tpu.memory_space<vmem_shared>> -> memref<64x128xf32, #tpu.memory_space<vmem_shared>>
    tpu.wait_dma2 semaphore(%arg15 : memref<!tpu.dma_semaphore, #tpu.memory_space<semaphore_mem>>) src(%arg9 : memref<64x128xf32, #tpu.memory_space<vmem>>) dst(%dma_wait3A_116 : memref<64x128xf32, #tpu.memory_space<vmem_shared>>)
    %dma_wait3A_117 = arith.constant 0 : i32
    %dma_wait3A_118 = arith.constant 0 : i32
    %dma_wait3A_119 = tpu.memref_slice %arg9[%dma_wait3A_117, %dma_wait3A_118] : memref<64x128xf32, #tpu.memory_space<vmem>> -> memref<56x128xf32, #tpu.memory_space<vmem>>
    %dma_wait3A_120 = arith.constant 0 : i32
    %dma_wait3A_121 = tpu.memref_slice %arg10[%mul3A_7, %dma_wait3A_120] : memref<10112x128xf32, #tpu.memory_space<vmem_shared>> -> memref<56x128xf32, #tpu.memory_space<vmem_shared>>
    %dma_wait3A_122 = arith.constant 0 : i32
    %dma_wait3A_123 = tpu.memref_slice %arg10[%mul3A_7, %dma_wait3A_122] : memref<10112x128xf32, #tpu.memory_space<vmem_shared>> -> memref<56x128xf32, #tpu.memory_space<vmem_shared>>
    %dma_wait3A_124 = arith.constant 0 : i32
    %dma_wait3A_125 = arith.constant 0 : i32
    %dma_wait3A_126 = tpu.memref_slice %arg9[%dma_wait3A_124, %dma_wait3A_125] : memref<64x128xf32, #tpu.memory_space<vmem>> -> memref<56x128xf32, #tpu.memory_space<vmem>>
    tpu.wait_dma2 semaphore(%arg15 : memref<!tpu.dma_semaphore, #tpu.memory_space<semaphore_mem>>) src(%dma_wait3A_126 : memref<56x128xf32, #tpu.memory_space<vmem>>) dst(%dma_wait3A_123 : memref<56x128xf32, #tpu.memory_space<vmem_shared>>)
    %dma_wait3A_127 = arith.constant 0 : i32
    %dma_wait3A_128 = arith.constant 0 : i32
    %dma_wait3A_129 = arith.constant 0 : i32
    %dma_wait3A_130 = tpu.memref_slice %arg3[%add3A, %dma_wait3A_127, %dma_wait3A_128, %dma_wait3A_129] : memref<32x40x4x128xi32, #tpu.memory_space<hbm>> -> memref<1x1x4x128xi32, #tpu.memory_space<hbm>>
    %dma_wait3A_131 = tpu.memref_squeeze %dma_wait3A_130 : memref<1x1x4x128xi32, #tpu.memory_space<hbm>> -> memref<4x128xi32, #tpu.memory_space<hbm>>
    %dma_wait3A_132 = arith.constant 0 : i32
    %dma_wait3A_133 = arith.constant 0 : i32
    %dma_wait3A_134 = tpu.memref_slice %arg3[%add3A, %dma_wait3A_127, %dma_wait3A_132, %dma_wait3A_133] : memref<32x40x4x128xi32, #tpu.memory_space<hbm>> -> memref<1x1x4x128xi32, #tpu.memory_space<hbm>>
    %dma_wait3A_135 = tpu.memref_squeeze %dma_wait3A_134 : memref<1x1x4x128xi32, #tpu.memory_space<hbm>> -> memref<4x128xi32, #tpu.memory_space<hbm>>
    tpu.wait_dma2 semaphore(%arg13 : memref<!tpu.dma_semaphore, #tpu.memory_space<semaphore_mem>>) src(%dma_wait3A_135 : memref<4x128xi32, #tpu.memory_space<hbm>>) dst(%arg5 : memref<4x128xi32, #tpu.memory_space<vmem>>)
    %dma_start3A_136 = arith.constant 0 : i32
    %dma_start3A_137 = arith.constant 0 : i32
    %dma_start3A_138 = tpu.memref_slice %arg5[%dma_start3A_136, %dma_start3A_137] : memref<4x128xi32, #tpu.memory_space<vmem>> -> memref<1x128xi32, #tpu.memory_space<vmem>>
    %dma_start3A_139 = tpu.memref_squeeze %dma_start3A_138 : memref<1x128xi32, #tpu.memory_space<vmem>> -> memref<128xi32, #tpu.memory_space<vmem>>
    %dma_start3A_140 = arith.constant 0 : i32
    %dma_start3A_141 = arith.constant 0 : i32
    %dma_start3A_142 = tpu.memref_slice %arg2[%dma_start3A_140, %dma_start3A_141] : memref<10112x128xf32, #tpu.memory_space<hbm>> -> memref<10112x128xf32, #tpu.memory_space<hbm>>
    tpu.enqueue_indirect_dma source(%dma_start3A_142 : memref<10112x128xf32, #tpu.memory_space<hbm>>) target(%arg7 : memref<128x128xf32, #tpu.memory_space<vmem>>) offsets(%dma_start3A_139 : memref<128xi32, #tpu.memory_space<vmem>>) semaphore(%arg11 : memref<!tpu.dma_semaphore, #tpu.memory_space<semaphore_mem>>)
    %dma_start3A_143 = arith.constant 1 : i32
    %dma_start3A_144 = arith.constant 0 : i32
    %dma_start3A_145 = arith.constant 0 : i32
    %dma_start3A_146 = tpu.memref_slice %arg3[%add3A, %dma_start3A_143, %dma_start3A_144, %dma_start3A_145] : memref<32x40x4x128xi32, #tpu.memory_space<hbm>> -> memref<1x1x4x128xi32, #tpu.memory_space<hbm>>
    %dma_start3A_147 = tpu.memref_squeeze %dma_start3A_146 : memref<1x1x4x128xi32, #tpu.memory_space<hbm>> -> memref<4x128xi32, #tpu.memory_space<hbm>>
    %dma_start3A_148 = arith.constant 0 : i32
    %dma_start3A_149 = arith.constant 0 : i32
    %dma_start3A_150 = tpu.memref_slice %arg3[%add3A, %dma_start3A_143, %dma_start3A_148, %dma_start3A_149] : memref<32x40x4x128xi32, #tpu.memory_space<hbm>> -> memref<1x1x4x128xi32, #tpu.memory_space<hbm>>
    %dma_start3A_151 = tpu.memref_squeeze %dma_start3A_150 : memref<1x1x4x128xi32, #tpu.memory_space<hbm>> -> memref<4x128xi32, #tpu.memory_space<hbm>>
    tpu.enqueue_dma source(%dma_start3A_151 : memref<4x128xi32, #tpu.memory_space<hbm>>) target(%arg6 : memref<4x128xi32, #tpu.memory_space<vmem>>) target_semaphore(%arg14 : memref<!tpu.dma_semaphore, #tpu.memory_space<semaphore_mem>>)
    %barrier3A = arith.constant 0 : index
    tpu.barrier barrier_id(%barrier3A)
    %scan3A_152 = arith.constant 0 : i32
    %scan3A_153 = arith.constant 19 : i32
    %scan3A_154 = arith.addi %scan3A_152, %scan3A_153 : i32
    %scan3A_155 = arith.constant 1 : i32
    scf.for %scan3A_219 = %scan3A_152 to %scan3A_154 step %scan3A_155  : i32 {
      %mul3A_220 = arith.constant 1 : i32
      %mul3A_221 = arith.muli %scan3A_219, %mul3A_220 : i32
      %add3A_222 = arith.constant 0 : i32
      %add3A_223 = arith.addi %add3A_222, %mul3A_221 : i32
      %mul3A_224 = arith.constant 2 : i32
      %mul3A_225 = arith.muli %mul3A_224, %add3A_223 : i32
      %dma_start3A_226 = arith.constant 2 : i32
      %dma_start3A_227 = arith.constant 0 : i32
      %dma_start3A_228 = tpu.memref_slice %arg5[%dma_start3A_226, %dma_start3A_227] : memref<4x128xi32, #tpu.memory_space<vmem>> -> memref<1x128xi32, #tpu.memory_space<vmem>>
      %dma_start3A_229 = tpu.memref_squeeze %dma_start3A_228 : memref<1x128xi32, #tpu.memory_space<vmem>> -> memref<128xi32, #tpu.memory_space<vmem>>
      %dma_start3A_230 = arith.constant 0 : i32
      %dma_start3A_231 = arith.constant 0 : i32
      %dma_start3A_232 = tpu.memref_slice %arg2[%dma_start3A_230, %dma_start3A_231] : memref<10112x128xf32, #tpu.memory_space<hbm>> -> memref<10112x128xf32, #tpu.memory_space<hbm>>
      tpu.enqueue_indirect_dma source(%dma_start3A_232 : memref<10112x128xf32, #tpu.memory_space<hbm>>) target(%arg8 : memref<128x128xf32, #tpu.memory_space<vmem>>) offsets(%dma_start3A_229 : memref<128xi32, #tpu.memory_space<vmem>>) semaphore(%arg12 : memref<!tpu.dma_semaphore, #tpu.memory_space<semaphore_mem>>)
      %dma_wait3A_233 = arith.constant 0 : i32
      %dma_wait3A_234 = arith.constant 0 : i32
      %dma_wait3A_235 = tpu.memref_slice %arg5[%dma_wait3A_233, %dma_wait3A_234] : memref<4x128xi32, #tpu.memory_space<vmem>> -> memref<1x128xi32, #tpu.memory_space<vmem>>
      %dma_wait3A_236 = tpu.memref_squeeze %dma_wait3A_235 : memref<1x128xi32, #tpu.memory_space<vmem>> -> memref<128xi32, #tpu.memory_space<vmem>>
      %dma_wait3A_237 = arith.constant 0 : i32
      %dma_wait3A_238 = arith.constant 0 : i32
      %dma_wait3A_239 = tpu.memref_slice %arg2[%dma_wait3A_237, %dma_wait3A_238] : memref<10112x128xf32, #tpu.memory_space<hbm>> -> memref<10112x128xf32, #tpu.memory_space<hbm>>
      tpu.wait_indirect_dma semaphore(%arg11 : memref<!tpu.dma_semaphore, #tpu.memory_space<semaphore_mem>>) src(%dma_wait3A_239 : memref<10112x128xf32, #tpu.memory_space<hbm>>) dst(%arg7 : memref<128x128xf32, #tpu.memory_space<vmem>>)
      %run_scoped3A_240 = arith.constant 1 : i32
      "tpu.region"() ({
        %run_scoped3A_328 = tpu.sem_alloc : memref<!tpu.dma_semaphore, #tpu.memory_space<semaphore_mem>>
        %dma_start3A_329 = arith.constant 0 : i32
        %dma_start3A_330 = tpu.memref_slice %arg5[%run_scoped3A_240, %dma_start3A_329] : memref<4x128xi32, #tpu.memory_space<vmem>> -> memref<1x128xi32, #tpu.memory_space<vmem>>
        %dma_start3A_331 = tpu.memref_squeeze %dma_start3A_330 : memref<1x128xi32, #tpu.memory_space<vmem>> -> memref<128xi32, #tpu.memory_space<vmem>>
        %dma_start3A_332 = arith.constant 0 : i32
        %dma_start3A_333 = arith.constant 0 : i32
        %dma_start3A_334 = tpu.memref_slice %arg10[%dma_start3A_332, %dma_start3A_333] : memref<10112x128xf32, #tpu.memory_space<vmem_shared>> -> memref<10112x128xf32, #tpu.memory_space<vmem_shared>>
        tpu.enqueue_indirect_dma source(%arg7 : memref<128x128xf32, #tpu.memory_space<vmem>>) target(%dma_start3A_334 : memref<10112x128xf32, #tpu.memory_space<vmem_shared>>) offsets(%dma_start3A_331 : memref<128xi32, #tpu.memory_space<vmem>>) semaphore(%run_scoped3A_328 : memref<!tpu.dma_semaphore, #tpu.memory_space<semaphore_mem>>) {add = true}
        %dma_wait3A_335 = arith.constant 0 : i32
        %dma_wait3A_336 = tpu.memref_slice %arg5[%run_scoped3A_240, %dma_wait3A_335] : memref<4x128xi32, #tpu.memory_space<vmem>> -> memref<1x128xi32, #tpu.memory_space<vmem>>
        %dma_wait3A_337 = tpu.memref_squeeze %dma_wait3A_336 : memref<1x128xi32, #tpu.memory_space<vmem>> -> memref<128xi32, #tpu.memory_space<vmem>>
        %dma_wait3A_338 = arith.constant 0 : i32
        %dma_wait3A_339 = arith.constant 0 : i32
        %dma_wait3A_340 = tpu.memref_slice %arg10[%dma_wait3A_338, %dma_wait3A_339] : memref<10112x128xf32, #tpu.memory_space<vmem_shared>> -> memref<10112x128xf32, #tpu.memory_space<vmem_shared>>
        tpu.wait_indirect_dma semaphore(%run_scoped3A_328 : memref<!tpu.dma_semaphore, #tpu.memory_space<semaphore_mem>>) src(%arg7 : memref<128x128xf32, #tpu.memory_space<vmem>>) dst(%dma_wait3A_340 : memref<10112x128xf32, #tpu.memory_space<vmem_shared>>)
        tpu.yield
      }) : () -> ()
      %add3A_241 = arith.constant 1 : i32
      %add3A_242 = arith.addi %mul3A_225, %add3A_241 : i32
      %dma_wait3A_243 = arith.constant 0 : i32
      %dma_wait3A_244 = arith.constant 0 : i32
      %dma_wait3A_245 = tpu.memref_slice %arg3[%add3A, %add3A_242, %dma_wait3A_243, %dma_wait3A_244] : memref<32x40x4x128xi32, #tpu.memory_space<hbm>> -> memref<1x1x4x128xi32, #tpu.memory_space<hbm>>
      %dma_wait3A_246 = tpu.memref_squeeze %dma_wait3A_245 : memref<1x1x4x128xi32, #tpu.memory_space<hbm>> -> memref<4x128xi32, #tpu.memory_space<hbm>>
      %dma_wait3A_247 = arith.constant 0 : i32
      %dma_wait3A_248 = arith.constant 0 : i32
      %dma_wait3A_249 = tpu.memref_slice %arg3[%add3A, %add3A_242, %dma_wait3A_247, %dma_wait3A_248] : memref<32x40x4x128xi32, #tpu.memory_space<hbm>> -> memref<1x1x4x128xi32, #tpu.memory_space<hbm>>
      %dma_wait3A_250 = tpu.memref_squeeze %dma_wait3A_249 : memref<1x1x4x128xi32, #tpu.memory_space<hbm>> -> memref<4x128xi32, #tpu.memory_space<hbm>>
      tpu.wait_dma2 semaphore(%arg14 : memref<!tpu.dma_semaphore, #tpu.memory_space<semaphore_mem>>) src(%dma_wait3A_250 : memref<4x128xi32, #tpu.memory_space<hbm>>) dst(%arg6 : memref<4x128xi32, #tpu.memory_space<vmem>>)
      %dma_start3A_251 = arith.constant 0 : i32
      %dma_start3A_252 = arith.constant 0 : i32
      %dma_start3A_253 = tpu.memref_slice %arg6[%dma_start3A_251, %dma_start3A_252] : memref<4x128xi32, #tpu.memory_space<vmem>> -> memref<1x128xi32, #tpu.memory_space<vmem>>
      %dma_start3A_254 = tpu.memref_squeeze %dma_start3A_253 : memref<1x128xi32, #tpu.memory_space<vmem>> -> memref<128xi32, #tpu.memory_space<vmem>>
      %dma_start3A_255 = arith.constant 0 : i32
      %dma_start3A_256 = arith.constant 0 : i32
      %dma_start3A_257 = tpu.memref_slice %arg2[%dma_start3A_255, %dma_start3A_256] : memref<10112x128xf32, #tpu.memory_space<hbm>> -> memref<10112x128xf32, #tpu.memory_space<hbm>>
      tpu.enqueue_indirect_dma source(%dma_start3A_257 : memref<10112x128xf32, #tpu.memory_space<hbm>>) target(%arg7 : memref<128x128xf32, #tpu.memory_space<vmem>>) offsets(%dma_start3A_254 : memref<128xi32, #tpu.memory_space<vmem>>) semaphore(%arg11 : memref<!tpu.dma_semaphore, #tpu.memory_space<semaphore_mem>>)
      %dma_wait3A_258 = arith.constant 2 : i32
      %dma_wait3A_259 = arith.constant 0 : i32
      %dma_wait3A_260 = tpu.memref_slice %arg5[%dma_wait3A_258, %dma_wait3A_259] : memref<4x128xi32, #tpu.memory_space<vmem>> -> memref<1x128xi32, #tpu.memory_space<vmem>>
      %dma_wait3A_261 = tpu.memref_squeeze %dma_wait3A_260 : memref<1x128xi32, #tpu.memory_space<vmem>> -> memref<128xi32, #tpu.memory_space<vmem>>
      %dma_wait3A_262 = arith.constant 0 : i32
      %dma_wait3A_263 = arith.constant 0 : i32
      %dma_wait3A_264 = tpu.memref_slice %arg2[%dma_wait3A_262, %dma_wait3A_263] : memref<10112x128xf32, #tpu.memory_space<hbm>> -> memref<10112x128xf32, #tpu.memory_space<hbm>>
      tpu.wait_indirect_dma semaphore(%arg12 : memref<!tpu.dma_semaphore, #tpu.memory_space<semaphore_mem>>) src(%dma_wait3A_264 : memref<10112x128xf32, #tpu.memory_space<hbm>>) dst(%arg8 : memref<128x128xf32, #tpu.memory_space<vmem>>)
      %run_scoped3A_265 = arith.constant 3 : i32
      "tpu.region"() ({
        %run_scoped3A_328 = tpu.sem_alloc : memref<!tpu.dma_semaphore, #tpu.memory_space<semaphore_mem>>
        %dma_start3A_329 = arith.constant 0 : i32
        %dma_start3A_330 = tpu.memref_slice %arg5[%run_scoped3A_265, %dma_start3A_329] : memref<4x128xi32, #tpu.memory_space<vmem>> -> memref<1x128xi32, #tpu.memory_space<vmem>>
        %dma_start3A_331 = tpu.memref_squeeze %dma_start3A_330 : memref<1x128xi32, #tpu.memory_space<vmem>> -> memref<128xi32, #tpu.memory_space<vmem>>
        %dma_start3A_332 = arith.constant 0 : i32
        %dma_start3A_333 = arith.constant 0 : i32
        %dma_start3A_334 = tpu.memref_slice %arg10[%dma_start3A_332, %dma_start3A_333] : memref<10112x128xf32, #tpu.memory_space<vmem_shared>> -> memref<10112x128xf32, #tpu.memory_space<vmem_shared>>
        tpu.enqueue_indirect_dma source(%arg8 : memref<128x128xf32, #tpu.memory_space<vmem>>) target(%dma_start3A_334 : memref<10112x128xf32, #tpu.memory_space<vmem_shared>>) offsets(%dma_start3A_331 : memref<128xi32, #tpu.memory_space<vmem>>) semaphore(%run_scoped3A_328 : memref<!tpu.dma_semaphore, #tpu.memory_space<semaphore_mem>>) {add = true}
        %dma_wait3A_335 = arith.constant 0 : i32
        %dma_wait3A_336 = tpu.memref_slice %arg5[%run_scoped3A_265, %dma_wait3A_335] : memref<4x128xi32, #tpu.memory_space<vmem>> -> memref<1x128xi32, #tpu.memory_space<vmem>>
        %dma_wait3A_337 = tpu.memref_squeeze %dma_wait3A_336 : memref<1x128xi32, #tpu.memory_space<vmem>> -> memref<128xi32, #tpu.memory_space<vmem>>
        %dma_wait3A_338 = arith.constant 0 : i32
        %dma_wait3A_339 = arith.constant 0 : i32
        %dma_wait3A_340 = tpu.memref_slice %arg10[%dma_wait3A_338, %dma_wait3A_339] : memref<10112x128xf32, #tpu.memory_space<vmem_shared>> -> memref<10112x128xf32, #tpu.memory_space<vmem_shared>>
        tpu.wait_indirect_dma semaphore(%run_scoped3A_328 : memref<!tpu.dma_semaphore, #tpu.memory_space<semaphore_mem>>) src(%arg8 : memref<128x128xf32, #tpu.memory_space<vmem>>) dst(%dma_wait3A_340 : memref<10112x128xf32, #tpu.memory_space<vmem_shared>>)
        tpu.yield
      }) : () -> ()
      %add3A_266 = arith.constant 2 : i32
      %add3A_267 = arith.addi %mul3A_225, %add3A_266 : i32
      %dma_start3A_268 = arith.constant 0 : i32
      %dma_start3A_269 = arith.constant 0 : i32
      %dma_start3A_270 = tpu.memref_slice %arg3[%add3A, %add3A_267, %dma_start3A_268, %dma_start3A_269] : memref<32x40x4x128xi32, #tpu.memory_space<hbm>> -> memref<1x1x4x128xi32, #tpu.memory_space<hbm>>
      %dma_start3A_271 = tpu.memref_squeeze %dma_start3A_270 : memref<1x1x4x128xi32, #tpu.memory_space<hbm>> -> memref<4x128xi32, #tpu.memory_space<hbm>>
      %dma_start3A_272 = arith.constant 0 : i32
      %dma_start3A_273 = arith.constant 0 : i32
      %dma_start3A_274 = tpu.memref_slice %arg3[%add3A, %add3A_267, %dma_start3A_272, %dma_start3A_273] : memref<32x40x4x128xi32, #tpu.memory_space<hbm>> -> memref<1x1x4x128xi32, #tpu.memory_space<hbm>>
      %dma_start3A_275 = tpu.memref_squeeze %dma_start3A_274 : memref<1x1x4x128xi32, #tpu.memory_space<hbm>> -> memref<4x128xi32, #tpu.memory_space<hbm>>
      tpu.enqueue_dma source(%dma_start3A_275 : memref<4x128xi32, #tpu.memory_space<hbm>>) target(%arg5 : memref<4x128xi32, #tpu.memory_space<vmem>>) target_semaphore(%arg13 : memref<!tpu.dma_semaphore, #tpu.memory_space<semaphore_mem>>)
      %add3A_276 = arith.constant 1 : i32
      %add3A_277 = arith.addi %mul3A_225, %add3A_276 : i32
      %dma_start3A_278 = arith.constant 2 : i32
      %dma_start3A_279 = arith.constant 0 : i32
      %dma_start3A_280 = tpu.memref_slice %arg6[%dma_start3A_278, %dma_start3A_279] : memref<4x128xi32, #tpu.memory_space<vmem>> -> memref<1x128xi32, #tpu.memory_space<vmem>>
      %dma_start3A_281 = tpu.memref_squeeze %dma_start3A_280 : memref<1x128xi32, #tpu.memory_space<vmem>> -> memref<128xi32, #tpu.memory_space<vmem>>
      %dma_start3A_282 = arith.constant 0 : i32
      %dma_start3A_283 = arith.constant 0 : i32
      %dma_start3A_284 = tpu.memref_slice %arg2[%dma_start3A_282, %dma_start3A_283] : memref<10112x128xf32, #tpu.memory_space<hbm>> -> memref<10112x128xf32, #tpu.memory_space<hbm>>
      tpu.enqueue_indirect_dma source(%dma_start3A_284 : memref<10112x128xf32, #tpu.memory_space<hbm>>) target(%arg8 : memref<128x128xf32, #tpu.memory_space<vmem>>) offsets(%dma_start3A_281 : memref<128xi32, #tpu.memory_space<vmem>>) semaphore(%arg12 : memref<!tpu.dma_semaphore, #tpu.memory_space<semaphore_mem>>)
      %dma_wait3A_285 = arith.constant 0 : i32
      %dma_wait3A_286 = arith.constant 0 : i32
      %dma_wait3A_287 = tpu.memref_slice %arg6[%dma_wait3A_285, %dma_wait3A_286] : memref<4x128xi32, #tpu.memory_space<vmem>> -> memref<1x128xi32, #tpu.memory_space<vmem>>
      %dma_wait3A_288 = tpu.memref_squeeze %dma_wait3A_287 : memref<1x128xi32, #tpu.memory_space<vmem>> -> memref<128xi32, #tpu.memory_space<vmem>>
      %dma_wait3A_289 = arith.constant 0 : i32
      %dma_wait3A_290 = arith.constant 0 : i32
      %dma_wait3A_291 = tpu.memref_slice %arg2[%dma_wait3A_289, %dma_wait3A_290] : memref<10112x128xf32, #tpu.memory_space<hbm>> -> memref<10112x128xf32, #tpu.memory_space<hbm>>
      tpu.wait_indirect_dma semaphore(%arg11 : memref<!tpu.dma_semaphore, #tpu.memory_space<semaphore_mem>>) src(%dma_wait3A_291 : memref<10112x128xf32, #tpu.memory_space<hbm>>) dst(%arg7 : memref<128x128xf32, #tpu.memory_space<vmem>>)
      %run_scoped3A_292 = arith.constant 1 : i32
      "tpu.region"() ({
        %run_scoped3A_328 = tpu.sem_alloc : memref<!tpu.dma_semaphore, #tpu.memory_space<semaphore_mem>>
        %dma_start3A_329 = arith.constant 0 : i32
        %dma_start3A_330 = tpu.memref_slice %arg6[%run_scoped3A_292, %dma_start3A_329] : memref<4x128xi32, #tpu.memory_space<vmem>> -> memref<1x128xi32, #tpu.memory_space<vmem>>
        %dma_start3A_331 = tpu.memref_squeeze %dma_start3A_330 : memref<1x128xi32, #tpu.memory_space<vmem>> -> memref<128xi32, #tpu.memory_space<vmem>>
        %dma_start3A_332 = arith.constant 0 : i32
        %dma_start3A_333 = arith.constant 0 : i32
        %dma_start3A_334 = tpu.memref_slice %arg10[%dma_start3A_332, %dma_start3A_333] : memref<10112x128xf32, #tpu.memory_space<vmem_shared>> -> memref<10112x128xf32, #tpu.memory_space<vmem_shared>>
        tpu.enqueue_indirect_dma source(%arg7 : memref<128x128xf32, #tpu.memory_space<vmem>>) target(%dma_start3A_334 : memref<10112x128xf32, #tpu.memory_space<vmem_shared>>) offsets(%dma_start3A_331 : memref<128xi32, #tpu.memory_space<vmem>>) semaphore(%run_scoped3A_328 : memref<!tpu.dma_semaphore, #tpu.memory_space<semaphore_mem>>) {add = true}
        %dma_wait3A_335 = arith.constant 0 : i32
        %dma_wait3A_336 = tpu.memref_slice %arg6[%run_scoped3A_292, %dma_wait3A_335] : memref<4x128xi32, #tpu.memory_space<vmem>> -> memref<1x128xi32, #tpu.memory_space<vmem>>
        %dma_wait3A_337 = tpu.memref_squeeze %dma_wait3A_336 : memref<1x128xi32, #tpu.memory_space<vmem>> -> memref<128xi32, #tpu.memory_space<vmem>>
        %dma_wait3A_338 = arith.constant 0 : i32
        %dma_wait3A_339 = arith.constant 0 : i32
        %dma_wait3A_340 = tpu.memref_slice %arg10[%dma_wait3A_338, %dma_wait3A_339] : memref<10112x128xf32, #tpu.memory_space<vmem_shared>> -> memref<10112x128xf32, #tpu.memory_space<vmem_shared>>
        tpu.wait_indirect_dma semaphore(%run_scoped3A_328 : memref<!tpu.dma_semaphore, #tpu.memory_space<semaphore_mem>>) src(%arg7 : memref<128x128xf32, #tpu.memory_space<vmem>>) dst(%dma_wait3A_340 : memref<10112x128xf32, #tpu.memory_space<vmem_shared>>)
        tpu.yield
      }) : () -> ()
      %add3A_293 = arith.constant 1 : i32
      %add3A_294 = arith.addi %add3A_277, %add3A_293 : i32
      %dma_wait3A_295 = arith.constant 0 : i32
      %dma_wait3A_296 = arith.constant 0 : i32
      %dma_wait3A_297 = tpu.memref_slice %arg3[%add3A, %add3A_294, %dma_wait3A_295, %dma_wait3A_296] : memref<32x40x4x128xi32, #tpu.memory_space<hbm>> -> memref<1x1x4x128xi32, #tpu.memory_space<hbm>>
      %dma_wait3A_298 = tpu.memref_squeeze %dma_wait3A_297 : memref<1x1x4x128xi32, #tpu.memory_space<hbm>> -> memref<4x128xi32, #tpu.memory_space<hbm>>
      %dma_wait3A_299 = arith.constant 0 : i32
      %dma_wait3A_300 = arith.constant 0 : i32
      %dma_wait3A_301 = tpu.memref_slice %arg3[%add3A, %add3A_294, %dma_wait3A_299, %dma_wait3A_300] : memref<32x40x4x128xi32, #tpu.memory_space<hbm>> -> memref<1x1x4x128xi32, #tpu.memory_space<hbm>>
      %dma_wait3A_302 = tpu.memref_squeeze %dma_wait3A_301 : memref<1x1x4x128xi32, #tpu.memory_space<hbm>> -> memref<4x128xi32, #tpu.memory_space<hbm>>
      tpu.wait_dma2 semaphore(%arg13 : memref<!tpu.dma_semaphore, #tpu.memory_space<semaphore_mem>>) src(%dma_wait3A_302 : memref<4x128xi32, #tpu.memory_space<hbm>>) dst(%arg5 : memref<4x128xi32, #tpu.memory_space<vmem>>)
      %dma_start3A_303 = arith.constant 0 : i32
      %dma_start3A_304 = arith.constant 0 : i32
      %dma_start3A_305 = tpu.memref_slice %arg5[%dma_start3A_303, %dma_start3A_304] : memref<4x128xi32, #tpu.memory_space<vmem>> -> memref<1x128xi32, #tpu.memory_space<vmem>>
      %dma_start3A_306 = tpu.memref_squeeze %dma_start3A_305 : memref<1x128xi32, #tpu.memory_space<vmem>> -> memref<128xi32, #tpu.memory_space<vmem>>
      %dma_start3A_307 = arith.constant 0 : i32
      %dma_start3A_308 = arith.constant 0 : i32
      %dma_start3A_309 = tpu.memref_slice %arg2[%dma_start3A_307, %dma_start3A_308] : memref<10112x128xf32, #tpu.memory_space<hbm>> -> memref<10112x128xf32, #tpu.memory_space<hbm>>
      tpu.enqueue_indirect_dma source(%dma_start3A_309 : memref<10112x128xf32, #tpu.memory_space<hbm>>) target(%arg7 : memref<128x128xf32, #tpu.memory_space<vmem>>) offsets(%dma_start3A_306 : memref<128xi32, #tpu.memory_space<vmem>>) semaphore(%arg11 : memref<!tpu.dma_semaphore, #tpu.memory_space<semaphore_mem>>)
      %dma_wait3A_310 = arith.constant 2 : i32
      %dma_wait3A_311 = arith.constant 0 : i32
      %dma_wait3A_312 = tpu.memref_slice %arg6[%dma_wait3A_310, %dma_wait3A_311] : memref<4x128xi32, #tpu.memory_space<vmem>> -> memref<1x128xi32, #tpu.memory_space<vmem>>
      %dma_wait3A_313 = tpu.memref_squeeze %dma_wait3A_312 : memref<1x128xi32, #tpu.memory_space<vmem>> -> memref<128xi32, #tpu.memory_space<vmem>>
      %dma_wait3A_314 = arith.constant 0 : i32
      %dma_wait3A_315 = arith.constant 0 : i32
      %dma_wait3A_316 = tpu.memref_slice %arg2[%dma_wait3A_314, %dma_wait3A_315] : memref<10112x128xf32, #tpu.memory_space<hbm>> -> memref<10112x128xf32, #tpu.memory_space<hbm>>
      tpu.wait_indirect_dma semaphore(%arg12 : memref<!tpu.dma_semaphore, #tpu.memory_space<semaphore_mem>>) src(%dma_wait3A_316 : memref<10112x128xf32, #tpu.memory_space<hbm>>) dst(%arg8 : memref<128x128xf32, #tpu.memory_space<vmem>>)
      %run_scoped3A_317 = arith.constant 3 : i32
      "tpu.region"() ({
        %run_scoped3A_328 = tpu.sem_alloc : memref<!tpu.dma_semaphore, #tpu.memory_space<semaphore_mem>>
        %dma_start3A_329 = arith.constant 0 : i32
        %dma_start3A_330 = tpu.memref_slice %arg6[%run_scoped3A_317, %dma_start3A_329] : memref<4x128xi32, #tpu.memory_space<vmem>> -> memref<1x128xi32, #tpu.memory_space<vmem>>
        %dma_start3A_331 = tpu.memref_squeeze %dma_start3A_330 : memref<1x128xi32, #tpu.memory_space<vmem>> -> memref<128xi32, #tpu.memory_space<vmem>>
        %dma_start3A_332 = arith.constant 0 : i32
        %dma_start3A_333 = arith.constant 0 : i32
        %dma_start3A_334 = tpu.memref_slice %arg10[%dma_start3A_332, %dma_start3A_333] : memref<10112x128xf32, #tpu.memory_space<vmem_shared>> -> memref<10112x128xf32, #tpu.memory_space<vmem_shared>>
        tpu.enqueue_indirect_dma source(%arg8 : memref<128x128xf32, #tpu.memory_space<vmem>>) target(%dma_start3A_334 : memref<10112x128xf32, #tpu.memory_space<vmem_shared>>) offsets(%dma_start3A_331 : memref<128xi32, #tpu.memory_space<vmem>>) semaphore(%run_scoped3A_328 : memref<!tpu.dma_semaphore, #tpu.memory_space<semaphore_mem>>) {add = true}
        %dma_wait3A_335 = arith.constant 0 : i32
        %dma_wait3A_336 = tpu.memref_slice %arg6[%run_scoped3A_317, %dma_wait3A_335] : memref<4x128xi32, #tpu.memory_space<vmem>> -> memref<1x128xi32, #tpu.memory_space<vmem>>
        %dma_wait3A_337 = tpu.memref_squeeze %dma_wait3A_336 : memref<1x128xi32, #tpu.memory_space<vmem>> -> memref<128xi32, #tpu.memory_space<vmem>>
        %dma_wait3A_338 = arith.constant 0 : i32
        %dma_wait3A_339 = arith.constant 0 : i32
        %dma_wait3A_340 = tpu.memref_slice %arg10[%dma_wait3A_338, %dma_wait3A_339] : memref<10112x128xf32, #tpu.memory_space<vmem_shared>> -> memref<10112x128xf32, #tpu.memory_space<vmem_shared>>
        tpu.wait_indirect_dma semaphore(%run_scoped3A_328 : memref<!tpu.dma_semaphore, #tpu.memory_space<semaphore_mem>>) src(%arg8 : memref<128x128xf32, #tpu.memory_space<vmem>>) dst(%dma_wait3A_340 : memref<10112x128xf32, #tpu.memory_space<vmem_shared>>)
        tpu.yield
      }) : () -> ()
      %add3A_318 = arith.constant 2 : i32
      %add3A_319 = arith.addi %add3A_277, %add3A_318 : i32
      %dma_start3A_320 = arith.constant 0 : i32
      %dma_start3A_321 = arith.constant 0 : i32
      %dma_start3A_322 = tpu.memref_slice %arg3[%add3A, %add3A_319, %dma_start3A_320, %dma_start3A_321] : memref<32x40x4x128xi32, #tpu.memory_space<hbm>> -> memref<1x1x4x128xi32, #tpu.memory_space<hbm>>
      %dma_start3A_323 = tpu.memref_squeeze %dma_start3A_322 : memref<1x1x4x128xi32, #tpu.memory_space<hbm>> -> memref<4x128xi32, #tpu.memory_space<hbm>>
      %dma_start3A_324 = arith.constant 0 : i32
      %dma_start3A_325 = arith.constant 0 : i32
      %dma_start3A_326 = tpu.memref_slice %arg3[%add3A, %add3A_319, %dma_start3A_324, %dma_start3A_325] : memref<32x40x4x128xi32, #tpu.memory_space<hbm>> -> memref<1x1x4x128xi32, #tpu.memory_space<hbm>>
      %dma_start3A_327 = tpu.memref_squeeze %dma_start3A_326 : memref<1x1x4x128xi32, #tpu.memory_space<hbm>> -> memref<4x128xi32, #tpu.memory_space<hbm>>
      tpu.enqueue_dma source(%dma_start3A_327 : memref<4x128xi32, #tpu.memory_space<hbm>>) target(%arg6 : memref<4x128xi32, #tpu.memory_space<vmem>>) target_semaphore(%arg14 : memref<!tpu.dma_semaphore, #tpu.memory_space<semaphore_mem>>)
    }
    %scan3A_156 = arith.constant 19 : i32
    %dma_start3A_157 = arith.constant 2 : i32
    %dma_start3A_158 = arith.constant 0 : i32
    %dma_start3A_159 = tpu.memref_slice %arg5[%dma_start3A_157, %dma_start3A_158] : memref<4x128xi32, #tpu.memory_space<vmem>> -> memref<1x128xi32, #tpu.memory_space<vmem>>
    %dma_start3A_160 = tpu.memref_squeeze %dma_start3A_159 : memref<1x128xi32, #tpu.memory_space<vmem>> -> memref<128xi32, #tpu.memory_space<vmem>>
    %dma_start3A_161 = arith.constant 0 : i32
    %dma_start3A_162 = arith.constant 0 : i32
    %dma_start3A_163 = tpu.memref_slice %arg2[%dma_start3A_161, %dma_start3A_162] : memref<10112x128xf32, #tpu.memory_space<hbm>> -> memref<10112x128xf32, #tpu.memory_space<hbm>>
    tpu.enqueue_indirect_dma source(%dma_start3A_163 : memref<10112x128xf32, #tpu.memory_space<hbm>>) target(%arg8 : memref<128x128xf32, #tpu.memory_space<vmem>>) offsets(%dma_start3A_160 : memref<128xi32, #tpu.memory_space<vmem>>) semaphore(%arg12 : memref<!tpu.dma_semaphore, #tpu.memory_space<semaphore_mem>>)
    %dma_wait3A_164 = arith.constant 0 : i32
    %dma_wait3A_165 = arith.constant 0 : i32
    %dma_wait3A_166 = tpu.memref_slice %arg5[%dma_wait3A_164, %dma_wait3A_165] : memref<4x128xi32, #tpu.memory_space<vmem>> -> memref<1x128xi32, #tpu.memory_space<vmem>>
    %dma_wait3A_167 = tpu.memref_squeeze %dma_wait3A_166 : memref<1x128xi32, #tpu.memory_space<vmem>> -> memref<128xi32, #tpu.memory_space<vmem>>
    %dma_wait3A_168 = arith.constant 0 : i32
    %dma_wait3A_169 = arith.constant 0 : i32
    %dma_wait3A_170 = tpu.memref_slice %arg2[%dma_wait3A_168, %dma_wait3A_169] : memref<10112x128xf32, #tpu.memory_space<hbm>> -> memref<10112x128xf32, #tpu.memory_space<hbm>>
    tpu.wait_indirect_dma semaphore(%arg11 : memref<!tpu.dma_semaphore, #tpu.memory_space<semaphore_mem>>) src(%dma_wait3A_170 : memref<10112x128xf32, #tpu.memory_space<hbm>>) dst(%arg7 : memref<128x128xf32, #tpu.memory_space<vmem>>)
    %run_scoped3A = arith.constant 1 : i32
    "tpu.region"() ({
      %run_scoped3A_219 = tpu.sem_alloc : memref<!tpu.dma_semaphore, #tpu.memory_space<semaphore_mem>>
      %dma_start3A_220 = arith.constant 0 : i32
      %dma_start3A_221 = tpu.memref_slice %arg5[%run_scoped3A, %dma_start3A_220] : memref<4x128xi32, #tpu.memory_space<vmem>> -> memref<1x128xi32, #tpu.memory_space<vmem>>
      %dma_start3A_222 = tpu.memref_squeeze %dma_start3A_221 : memref<1x128xi32, #tpu.memory_space<vmem>> -> memref<128xi32, #tpu.memory_space<vmem>>
      %dma_start3A_223 = arith.constant 0 : i32
      %dma_start3A_224 = arith.constant 0 : i32
      %dma_start3A_225 = tpu.memref_slice %arg10[%dma_start3A_223, %dma_start3A_224] : memref<10112x128xf32, #tpu.memory_space<vmem_shared>> -> memref<10112x128xf32, #tpu.memory_space<vmem_shared>>
      tpu.enqueue_indirect_dma source(%arg7 : memref<128x128xf32, #tpu.memory_space<vmem>>) target(%dma_start3A_225 : memref<10112x128xf32, #tpu.memory_space<vmem_shared>>) offsets(%dma_start3A_222 : memref<128xi32, #tpu.memory_space<vmem>>) semaphore(%run_scoped3A_219 : memref<!tpu.dma_semaphore, #tpu.memory_space<semaphore_mem>>) {add = true}
      %dma_wait3A_226 = arith.constant 0 : i32
      %dma_wait3A_227 = tpu.memref_slice %arg5[%run_scoped3A, %dma_wait3A_226] : memref<4x128xi32, #tpu.memory_space<vmem>> -> memref<1x128xi32, #tpu.memory_space<vmem>>
      %dma_wait3A_228 = tpu.memref_squeeze %dma_wait3A_227 : memref<1x128xi32, #tpu.memory_space<vmem>> -> memref<128xi32, #tpu.memory_space<vmem>>
      %dma_wait3A_229 = arith.constant 0 : i32
      %dma_wait3A_230 = arith.constant 0 : i32
      %dma_wait3A_231 = tpu.memref_slice %arg10[%dma_wait3A_229, %dma_wait3A_230] : memref<10112x128xf32, #tpu.memory_space<vmem_shared>> -> memref<10112x128xf32, #tpu.memory_space<vmem_shared>>
      tpu.wait_indirect_dma semaphore(%run_scoped3A_219 : memref<!tpu.dma_semaphore, #tpu.memory_space<semaphore_mem>>) src(%arg7 : memref<128x128xf32, #tpu.memory_space<vmem>>) dst(%dma_wait3A_231 : memref<10112x128xf32, #tpu.memory_space<vmem_shared>>)
      tpu.yield
    }) : () -> ()
    %dma_wait3A_171 = arith.constant 39 : i32
    %dma_wait3A_172 = arith.constant 0 : i32
    %dma_wait3A_173 = arith.constant 0 : i32
    %dma_wait3A_174 = tpu.memref_slice %arg3[%add3A, %dma_wait3A_171, %dma_wait3A_172, %dma_wait3A_173] : memref<32x40x4x128xi32, #tpu.memory_space<hbm>> -> memref<1x1x4x128xi32, #tpu.memory_space<hbm>>
    %dma_wait3A_175 = tpu.memref_squeeze %dma_wait3A_174 : memref<1x1x4x128xi32, #tpu.memory_space<hbm>> -> memref<4x128xi32, #tpu.memory_space<hbm>>
    %dma_wait3A_176 = arith.constant 0 : i32
    %dma_wait3A_177 = arith.constant 0 : i32
    %dma_wait3A_178 = tpu.memref_slice %arg3[%add3A, %dma_wait3A_171, %dma_wait3A_176, %dma_wait3A_177] : memref<32x40x4x128xi32, #tpu.memory_space<hbm>> -> memref<1x1x4x128xi32, #tpu.memory_space<hbm>>
    %dma_wait3A_179 = tpu.memref_squeeze %dma_wait3A_178 : memref<1x1x4x128xi32, #tpu.memory_space<hbm>> -> memref<4x128xi32, #tpu.memory_space<hbm>>
    tpu.wait_dma2 semaphore(%arg14 : memref<!tpu.dma_semaphore, #tpu.memory_space<semaphore_mem>>) src(%dma_wait3A_179 : memref<4x128xi32, #tpu.memory_space<hbm>>) dst(%arg6 : memref<4x128xi32, #tpu.memory_space<vmem>>)
    %dma_start3A_180 = arith.constant 0 : i32
    %dma_start3A_181 = arith.constant 0 : i32
    %dma_start3A_182 = tpu.memref_slice %arg6[%dma_start3A_180, %dma_start3A_181] : memref<4x128xi32, #tpu.memory_space<vmem>> -> memref<1x128xi32, #tpu.memory_space<vmem>>
    %dma_start3A_183 = tpu.memref_squeeze %dma_start3A_182 : memref<1x128xi32, #tpu.memory_space<vmem>> -> memref<128xi32, #tpu.memory_space<vmem>>
    %dma_start3A_184 = arith.constant 0 : i32
    %dma_start3A_185 = arith.constant 0 : i32
    %dma_start3A_186 = tpu.memref_slice %arg2[%dma_start3A_184, %dma_start3A_185] : memref<10112x128xf32, #tpu.memory_space<hbm>> -> memref<10112x128xf32, #tpu.memory_space<hbm>>
    tpu.enqueue_indirect_dma source(%dma_start3A_186 : memref<10112x128xf32, #tpu.memory_space<hbm>>) target(%arg7 : memref<128x128xf32, #tpu.memory_space<vmem>>) offsets(%dma_start3A_183 : memref<128xi32, #tpu.memory_space<vmem>>) semaphore(%arg11 : memref<!tpu.dma_semaphore, #tpu.memory_space<semaphore_mem>>)
    %dma_wait3A_187 = arith.constant 2 : i32
    %dma_wait3A_188 = arith.constant 0 : i32
    %dma_wait3A_189 = tpu.memref_slice %arg5[%dma_wait3A_187, %dma_wait3A_188] : memref<4x128xi32, #tpu.memory_space<vmem>> -> memref<1x128xi32, #tpu.memory_space<vmem>>
    %dma_wait3A_190 = tpu.memref_squeeze %dma_wait3A_189 : memref<1x128xi32, #tpu.memory_space<vmem>> -> memref<128xi32, #tpu.memory_space<vmem>>
    %dma_wait3A_191 = arith.constant 0 : i32
    %dma_wait3A_192 = arith.constant 0 : i32
    %dma_wait3A_193 = tpu.memref_slice %arg2[%dma_wait3A_191, %dma_wait3A_192] : memref<10112x128xf32, #tpu.memory_space<hbm>> -> memref<10112x128xf32, #tpu.memory_space<hbm>>
    tpu.wait_indirect_dma semaphore(%arg12 : memref<!tpu.dma_semaphore, #tpu.memory_space<semaphore_mem>>) src(%dma_wait3A_193 : memref<10112x128xf32, #tpu.memory_space<hbm>>) dst(%arg8 : memref<128x128xf32, #tpu.memory_space<vmem>>)
    %run_scoped3A_194 = arith.constant 3 : i32
    "tpu.region"() ({
      %run_scoped3A_219 = tpu.sem_alloc : memref<!tpu.dma_semaphore, #tpu.memory_space<semaphore_mem>>
      %dma_start3A_220 = arith.constant 0 : i32
      %dma_start3A_221 = tpu.memref_slice %arg5[%run_scoped3A_194, %dma_start3A_220] : memref<4x128xi32, #tpu.memory_space<vmem>> -> memref<1x128xi32, #tpu.memory_space<vmem>>
      %dma_start3A_222 = tpu.memref_squeeze %dma_start3A_221 : memref<1x128xi32, #tpu.memory_space<vmem>> -> memref<128xi32, #tpu.memory_space<vmem>>
      %dma_start3A_223 = arith.constant 0 : i32
      %dma_start3A_224 = arith.constant 0 : i32
      %dma_start3A_225 = tpu.memref_slice %arg10[%dma_start3A_223, %dma_start3A_224] : memref<10112x128xf32, #tpu.memory_space<vmem_shared>> -> memref<10112x128xf32, #tpu.memory_space<vmem_shared>>
      tpu.enqueue_indirect_dma source(%arg8 : memref<128x128xf32, #tpu.memory_space<vmem>>) target(%dma_start3A_225 : memref<10112x128xf32, #tpu.memory_space<vmem_shared>>) offsets(%dma_start3A_222 : memref<128xi32, #tpu.memory_space<vmem>>) semaphore(%run_scoped3A_219 : memref<!tpu.dma_semaphore, #tpu.memory_space<semaphore_mem>>) {add = true}
      %dma_wait3A_226 = arith.constant 0 : i32
      %dma_wait3A_227 = tpu.memref_slice %arg5[%run_scoped3A_194, %dma_wait3A_226] : memref<4x128xi32, #tpu.memory_space<vmem>> -> memref<1x128xi32, #tpu.memory_space<vmem>>
      %dma_wait3A_228 = tpu.memref_squeeze %dma_wait3A_227 : memref<1x128xi32, #tpu.memory_space<vmem>> -> memref<128xi32, #tpu.memory_space<vmem>>
      %dma_wait3A_229 = arith.constant 0 : i32
      %dma_wait3A_230 = arith.constant 0 : i32
      %dma_wait3A_231 = tpu.memref_slice %arg10[%dma_wait3A_229, %dma_wait3A_230] : memref<10112x128xf32, #tpu.memory_space<vmem_shared>> -> memref<10112x128xf32, #tpu.memory_space<vmem_shared>>
      tpu.wait_indirect_dma semaphore(%run_scoped3A_219 : memref<!tpu.dma_semaphore, #tpu.memory_space<semaphore_mem>>) src(%arg8 : memref<128x128xf32, #tpu.memory_space<vmem>>) dst(%dma_wait3A_231 : memref<10112x128xf32, #tpu.memory_space<vmem_shared>>)
      tpu.yield
    }) : () -> ()
    %dma_start3A_195 = arith.constant 2 : i32
    %dma_start3A_196 = arith.constant 0 : i32
    %dma_start3A_197 = tpu.memref_slice %arg6[%dma_start3A_195, %dma_start3A_196] : memref<4x128xi32, #tpu.memory_space<vmem>> -> memref<1x128xi32, #tpu.memory_space<vmem>>
    %dma_start3A_198 = tpu.memref_squeeze %dma_start3A_197 : memref<1x128xi32, #tpu.memory_space<vmem>> -> memref<128xi32, #tpu.memory_space<vmem>>
    %dma_start3A_199 = arith.constant 0 : i32
    %dma_start3A_200 = arith.constant 0 : i32
    %dma_start3A_201 = tpu.memref_slice %arg2[%dma_start3A_199, %dma_start3A_200] : memref<10112x128xf32, #tpu.memory_space<hbm>> -> memref<10112x128xf32, #tpu.memory_space<hbm>>
    tpu.enqueue_indirect_dma source(%dma_start3A_201 : memref<10112x128xf32, #tpu.memory_space<hbm>>) target(%arg8 : memref<128x128xf32, #tpu.memory_space<vmem>>) offsets(%dma_start3A_198 : memref<128xi32, #tpu.memory_space<vmem>>) semaphore(%arg12 : memref<!tpu.dma_semaphore, #tpu.memory_space<semaphore_mem>>)
    %dma_wait3A_202 = arith.constant 0 : i32
    %dma_wait3A_203 = arith.constant 0 : i32
    %dma_wait3A_204 = tpu.memref_slice %arg6[%dma_wait3A_202, %dma_wait3A_203] : memref<4x128xi32, #tpu.memory_space<vmem>> -> memref<1x128xi32, #tpu.memory_space<vmem>>
    %dma_wait3A_205 = tpu.memref_squeeze %dma_wait3A_204 : memref<1x128xi32, #tpu.memory_space<vmem>> -> memref<128xi32, #tpu.memory_space<vmem>>
    %dma_wait3A_206 = arith.constant 0 : i32
    %dma_wait3A_207 = arith.constant 0 : i32
    %dma_wait3A_208 = tpu.memref_slice %arg2[%dma_wait3A_206, %dma_wait3A_207] : memref<10112x128xf32, #tpu.memory_space<hbm>> -> memref<10112x128xf32, #tpu.memory_space<hbm>>
    tpu.wait_indirect_dma semaphore(%arg11 : memref<!tpu.dma_semaphore, #tpu.memory_space<semaphore_mem>>) src(%dma_wait3A_208 : memref<10112x128xf32, #tpu.memory_space<hbm>>) dst(%arg7 : memref<128x128xf32, #tpu.memory_space<vmem>>)
    %run_scoped3A_209 = arith.constant 1 : i32
    "tpu.region"() ({
      %run_scoped3A_219 = tpu.sem_alloc : memref<!tpu.dma_semaphore, #tpu.memory_space<semaphore_mem>>
      %dma_start3A_220 = arith.constant 0 : i32
      %dma_start3A_221 = tpu.memref_slice %arg6[%run_scoped3A_209, %dma_start3A_220] : memref<4x128xi32, #tpu.memory_space<vmem>> -> memref<1x128xi32, #tpu.memory_space<vmem>>
      %dma_start3A_222 = tpu.memref_squeeze %dma_start3A_221 : memref<1x128xi32, #tpu.memory_space<vmem>> -> memref<128xi32, #tpu.memory_space<vmem>>
      %dma_start3A_223 = arith.constant 0 : i32
      %dma_start3A_224 = arith.constant 0 : i32
      %dma_start3A_225 = tpu.memref_slice %arg10[%dma_start3A_223, %dma_start3A_224] : memref<10112x128xf32, #tpu.memory_space<vmem_shared>> -> memref<10112x128xf32, #tpu.memory_space<vmem_shared>>
      tpu.enqueue_indirect_dma source(%arg7 : memref<128x128xf32, #tpu.memory_space<vmem>>) target(%dma_start3A_225 : memref<10112x128xf32, #tpu.memory_space<vmem_shared>>) offsets(%dma_start3A_222 : memref<128xi32, #tpu.memory_space<vmem>>) semaphore(%run_scoped3A_219 : memref<!tpu.dma_semaphore, #tpu.memory_space<semaphore_mem>>) {add = true}
      %dma_wait3A_226 = arith.constant 0 : i32
      %dma_wait3A_227 = tpu.memref_slice %arg6[%run_scoped3A_209, %dma_wait3A_226] : memref<4x128xi32, #tpu.memory_space<vmem>> -> memref<1x128xi32, #tpu.memory_space<vmem>>
      %dma_wait3A_228 = tpu.memref_squeeze %dma_wait3A_227 : memref<1x128xi32, #tpu.memory_space<vmem>> -> memref<128xi32, #tpu.memory_space<vmem>>
      %dma_wait3A_229 = arith.constant 0 : i32
      %dma_wait3A_230 = arith.constant 0 : i32
      %dma_wait3A_231 = tpu.memref_slice %arg10[%dma_wait3A_229, %dma_wait3A_230] : memref<10112x128xf32, #tpu.memory_space<vmem_shared>> -> memref<10112x128xf32, #tpu.memory_space<vmem_shared>>
      tpu.wait_indirect_dma semaphore(%run_scoped3A_219 : memref<!tpu.dma_semaphore, #tpu.memory_space<semaphore_mem>>) src(%arg7 : memref<128x128xf32, #tpu.memory_space<vmem>>) dst(%dma_wait3A_231 : memref<10112x128xf32, #tpu.memory_space<vmem_shared>>)
      tpu.yield
    }) : () -> ()
    %dma_wait3A_210 = arith.constant 2 : i32
    %dma_wait3A_211 = arith.constant 0 : i32
    %dma_wait3A_212 = tpu.memref_slice %arg6[%dma_wait3A_210, %dma_wait3A_211] : memref<4x128xi32, #tpu.memory_space<vmem>> -> memref<1x128xi32, #tpu.memory_space<vmem>>
    %dma_wait3A_213 = tpu.memref_squeeze %dma_wait3A_212 : memref<1x128xi32, #tpu.memory_space<vmem>> -> memref<128xi32, #tpu.memory_space<vmem>>
    %dma_wait3A_214 = arith.constant 0 : i32
    %dma_wait3A_215 = arith.constant 0 : i32
    %dma_wait3A_216 = tpu.memref_slice %arg2[%dma_wait3A_214, %dma_wait3A_215] : memref<10112x128xf32, #tpu.memory_space<hbm>> -> memref<10112x128xf32, #tpu.memory_space<hbm>>
    tpu.wait_indirect_dma semaphore(%arg12 : memref<!tpu.dma_semaphore, #tpu.memory_space<semaphore_mem>>) src(%dma_wait3A_216 : memref<10112x128xf32, #tpu.memory_space<hbm>>) dst(%arg8 : memref<128x128xf32, #tpu.memory_space<vmem>>)
    %run_scoped3A_217 = arith.constant 3 : i32
    "tpu.region"() ({
      %run_scoped3A_219 = tpu.sem_alloc : memref<!tpu.dma_semaphore, #tpu.memory_space<semaphore_mem>>
      %dma_start3A_220 = arith.constant 0 : i32
      %dma_start3A_221 = tpu.memref_slice %arg6[%run_scoped3A_217, %dma_start3A_220] : memref<4x128xi32, #tpu.memory_space<vmem>> -> memref<1x128xi32, #tpu.memory_space<vmem>>
      %dma_start3A_222 = tpu.memref_squeeze %dma_start3A_221 : memref<1x128xi32, #tpu.memory_space<vmem>> -> memref<128xi32, #tpu.memory_space<vmem>>
      %dma_start3A_223 = arith.constant 0 : i32
      %dma_start3A_224 = arith.constant 0 : i32
      %dma_start3A_225 = tpu.memref_slice %arg10[%dma_start3A_223, %dma_start3A_224] : memref<10112x128xf32, #tpu.memory_space<vmem_shared>> -> memref<10112x128xf32, #tpu.memory_space<vmem_shared>>
      tpu.enqueue_indirect_dma source(%arg8 : memref<128x128xf32, #tpu.memory_space<vmem>>) target(%dma_start3A_225 : memref<10112x128xf32, #tpu.memory_space<vmem_shared>>) offsets(%dma_start3A_222 : memref<128xi32, #tpu.memory_space<vmem>>) semaphore(%run_scoped3A_219 : memref<!tpu.dma_semaphore, #tpu.memory_space<semaphore_mem>>) {add = true}
      %dma_wait3A_226 = arith.constant 0 : i32
      %dma_wait3A_227 = tpu.memref_slice %arg6[%run_scoped3A_217, %dma_wait3A_226] : memref<4x128xi32, #tpu.memory_space<vmem>> -> memref<1x128xi32, #tpu.memory_space<vmem>>
      %dma_wait3A_228 = tpu.memref_squeeze %dma_wait3A_227 : memref<1x128xi32, #tpu.memory_space<vmem>> -> memref<128xi32, #tpu.memory_space<vmem>>
      %dma_wait3A_229 = arith.constant 0 : i32
      %dma_wait3A_230 = arith.constant 0 : i32
      %dma_wait3A_231 = tpu.memref_slice %arg10[%dma_wait3A_229, %dma_wait3A_230] : memref<10112x128xf32, #tpu.memory_space<vmem_shared>> -> memref<10112x128xf32, #tpu.memory_space<vmem_shared>>
      tpu.wait_indirect_dma semaphore(%run_scoped3A_219 : memref<!tpu.dma_semaphore, #tpu.memory_space<semaphore_mem>>) src(%arg8 : memref<128x128xf32, #tpu.memory_space<vmem>>) dst(%dma_wait3A_231 : memref<10112x128xf32, #tpu.memory_space<vmem_shared>>)
      tpu.yield
    }) : () -> ()
    %barrier3A_218 = arith.constant 0 : index
    tpu.barrier barrier_id(%barrier3A_218)
    "tpu.region"() ({
      %run_scoped3A_219 = tpu.sem_alloc : memref<!tpu.dma_semaphore, #tpu.memory_space<semaphore_mem>>
      %dma_start3A_220 = arith.constant 0 : i32
      %dma_start3A_221 = tpu.memref_slice %arg4[%arg0, %mul3A_7, %dma_start3A_220] : memref<2x10112x128xf32, #tpu.memory_space<hbm>> -> memref<1x632x128xf32, #tpu.memory_space<hbm>>
      %dma_start3A_222 = tpu.memref_squeeze %dma_start3A_221 : memref<1x632x128xf32, #tpu.memory_space<hbm>> -> memref<632x128xf32, #tpu.memory_space<hbm>>
      %dma_start3A_223 = arith.constant 0 : i32
      %dma_start3A_224 = tpu.memref_slice %arg10[%mul3A_7, %dma_start3A_223] : memref<10112x128xf32, #tpu.memory_space<vmem_shared>> -> memref<632x128xf32, #tpu.memory_space<vmem_shared>>
      tpu.enqueue_dma source(%dma_start3A_224 : memref<632x128xf32, #tpu.memory_space<vmem_shared>>) target(%dma_start3A_222 : memref<632x128xf32, #tpu.memory_space<hbm>>) target_semaphore(%run_scoped3A_219 : memref<!tpu.dma_semaphore, #tpu.memory_space<semaphore_mem>>)
      %dma_wait3A_225 = arith.constant 0 : i32
      %dma_wait3A_226 = tpu.memref_slice %arg4[%arg0, %mul3A_7, %dma_wait3A_225] : memref<2x10112x128xf32, #tpu.memory_space<hbm>> -> memref<1x632x128xf32, #tpu.memory_space<hbm>>
      %dma_wait3A_227 = tpu.memref_squeeze %dma_wait3A_226 : memref<1x632x128xf32, #tpu.memory_space<hbm>> -> memref<632x128xf32, #tpu.memory_space<hbm>>
      %dma_wait3A_228 = arith.constant 0 : i32
      %dma_wait3A_229 = tpu.memref_slice %arg10[%mul3A_7, %dma_wait3A_228] : memref<10112x128xf32, #tpu.memory_space<vmem_shared>> -> memref<632x128xf32, #tpu.memory_space<vmem_shared>>
      tpu.wait_dma2 semaphore(%run_scoped3A_219 : memref<!tpu.dma_semaphore, #tpu.memory_space<semaphore_mem>>) src(%dma_wait3A_229 : memref<632x128xf32, #tpu.memory_space<vmem_shared>>) dst(%dma_wait3A_227 : memref<632x128xf32, #tpu.memory_space<hbm>>)
      tpu.yield
    }) : () -> ()
    return
  }
}

#map = affine_map<(d0, d1) -> (0, 0)>
#map1 = affine_map<(d0, d1) -> (0, 0, 0, 0)>
#map2 = affine_map<(d0, d1) -> (0, 0, 0)>
module attributes {stable_mosaic.version = 14 : i64} {
  func.func @_sc_agg_body(%arg0: i32, %arg1: i32, %arg2: memref<10112x128xf32, #tpu.memory_space<hbm>>, %arg3: memref<32x40x4x128xi32, #tpu.memory_space<hbm>>, %arg4: memref<2x10112x128xf32, #tpu.memory_space<hbm>>, %arg5: memref<4x128xi32, #tpu.memory_space<vmem>>, %arg6: memref<4x128xi32, #tpu.memory_space<vmem>>, %arg7: memref<128x128xf32, #tpu.memory_space<vmem>>, %arg8: memref<128x128xf32, #tpu.memory_space<vmem>>, %arg9: memref<64x128xf32, #tpu.memory_space<vmem>>, %arg10: memref<10112x128xf32, #tpu.memory_space<vmem_shared>>, %arg11: memref<!tpu.dma_semaphore, #tpu.memory_space<semaphore_mem>>, %arg12: memref<!tpu.dma_semaphore, #tpu.memory_space<semaphore_mem>>, %arg13: memref<!tpu.dma_semaphore, #tpu.memory_space<semaphore_mem>>, %arg14: memref<!tpu.dma_semaphore, #tpu.memory_space<semaphore_mem>>, %arg15: memref<!tpu.dma_semaphore, #tpu.memory_space<semaphore_mem>>) attributes {dimension_semantics = [#tpu.dimension_semantics<core_parallel>, #tpu.dimension_semantics<subcore_parallel>], iteration_bounds = array<i64: 2, 16>, scalar_prefetch = 0 : i64, scratch_operands = 11 : i64, tpu.core_type = #tpu.core_type<sc_vector_subcore>, window_params = [{transform_indices = #map}, {transform_indices = #map1}, {transform_indices = #map2}]} {
    %mul3A = arith.constant 2 : i32
    %mul3A_0 = arith.muli %arg1, %mul3A : i32
    %add3A = arith.addi %mul3A_0, %arg0 : i32
    %broadcast_in_dim3A = arith.constant 0.000000e+00 : f32
    %broadcast_in_dim3A_1 = vector.broadcast %broadcast_in_dim3A : f32 to vector<16xf32>
    %scan3A = arith.constant 0 : i32
    %scan3A_2 = arith.constant 64 : i32
    %scan3A_3 = arith.addi %scan3A, %scan3A_2 : i32
    %scan3A_4 = arith.constant 1 : i32
    scf.for %scan3A_219 = %scan3A to %scan3A_3 step %scan3A_4  : i32 {
      %mul3A_220 = arith.constant 1 : i32
      %mul3A_221 = arith.muli %scan3A_219, %mul3A_220 : i32
      %add3A_222 = arith.constant 0 : i32
      %add3A_223 = arith.addi %add3A_222, %mul3A_221 : i32
      %swap3A = arith.index_cast %add3A_223 : i32 to index
      %swap3A_224 = arith.constant 0 : index
      %swap3A_225 = tpu.vector_load %arg9[%swap3A, %swap3A_224] {strides = array<i32>} : memref<64x128xf32, #tpu.memory_space<vmem>>, vector<1x16xf32>,
      %swap3A_226 = vector.shape_cast %swap3A_225 : vector<1x16xf32> to vector<16xf32>
      %swap3A_227 = vector.shape_cast %broadcast_in_dim3A_1 : vector<16xf32> to vector<1x16xf32>
      tpu.vector_store %arg9[%swap3A, %swap3A_224], %swap3A_227 {strides = array<i32>} : memref<64x128xf32, #tpu.memory_space<vmem>>, vector<1x16xf32>,
      %swap3A_228 = arith.index_cast %add3A_223 : i32 to index
      %swap3A_229 = arith.constant 16 : index
      %swap3A_230 = tpu.vector_load %arg9[%swap3A_228, %swap3A_229] {strides = array<i32>} : memref<64x128xf32, #tpu.memory_space<vmem>>, vector<1x16xf32>,
      %swap3A_231 = vector.shape_cast %swap3A_230 : vector<1x16xf32> to vector<16xf32>
      %swap3A_232 = vector.shape_cast %broadcast_in_dim3A_1 : vector<16xf32> to vector<1x16xf32>
      tpu.vector_store %arg9[%swap3A_228, %swap3A_229], %swap3A_232 {strides = array<i32>} : memref<64x128xf32, #tpu.memory_space<vmem>>, vector<1x16xf32>,
      %swap3A_233 = arith.index_cast %add3A_223 : i32 to index
      %swap3A_234 = arith.constant 32 : index
      %swap3A_235 = tpu.vector_load %arg9[%swap3A_233, %swap3A_234] {strides = array<i32>} : memref<64x128xf32, #tpu.memory_space<vmem>>, vector<1x16xf32>,
      %swap3A_236 = vector.shape_cast %swap3A_235 : vector<1x16xf32> to vector<16xf32>
      %swap3A_237 = vector.shape_cast %broadcast_in_dim3A_1 : vector<16xf32> to vector<1x16xf32>
      tpu.vector_store %arg9[%swap3A_233, %swap3A_234], %swap3A_237 {strides = array<i32>} : memref<64x128xf32, #tpu.memory_space<vmem>>, vector<1x16xf32>,
      %swap3A_238 = arith.index_cast %add3A_223 : i32 to index
      %swap3A_239 = arith.constant 48 : index
      %swap3A_240 = tpu.vector_load %arg9[%swap3A_238, %swap3A_239] {strides = array<i32>} : memref<64x128xf32, #tpu.memory_space<vmem>>, vector<1x16xf32>,
      %swap3A_241 = vector.shape_cast %swap3A_240 : vector<1x16xf32> to vector<16xf32>
      %swap3A_242 = vector.shape_cast %broadcast_in_dim3A_1 : vector<16xf32> to vector<1x16xf32>
      tpu.vector_store %arg9[%swap3A_238, %swap3A_239], %swap3A_242 {strides = array<i32>} : memref<64x128xf32, #tpu.memory_space<vmem>>, vector<1x16xf32>,
      %swap3A_243 = arith.index_cast %add3A_223 : i32 to index
      %swap3A_244 = arith.constant 64 : index
      %swap3A_245 = tpu.vector_load %arg9[%swap3A_243, %swap3A_244] {strides = array<i32>} : memref<64x128xf32, #tpu.memory_space<vmem>>, vector<1x16xf32>,
      %swap3A_246 = vector.shape_cast %swap3A_245 : vector<1x16xf32> to vector<16xf32>
      %swap3A_247 = vector.shape_cast %broadcast_in_dim3A_1 : vector<16xf32> to vector<1x16xf32>
      tpu.vector_store %arg9[%swap3A_243, %swap3A_244], %swap3A_247 {strides = array<i32>} : memref<64x128xf32, #tpu.memory_space<vmem>>, vector<1x16xf32>,
      %swap3A_248 = arith.index_cast %add3A_223 : i32 to index
      %swap3A_249 = arith.constant 80 : index
      %swap3A_250 = tpu.vector_load %arg9[%swap3A_248, %swap3A_249] {strides = array<i32>} : memref<64x128xf32, #tpu.memory_space<vmem>>, vector<1x16xf32>,
      %swap3A_251 = vector.shape_cast %swap3A_250 : vector<1x16xf32> to vector<16xf32>
      %swap3A_252 = vector.shape_cast %broadcast_in_dim3A_1 : vector<16xf32> to vector<1x16xf32>
      tpu.vector_store %arg9[%swap3A_248, %swap3A_249], %swap3A_252 {strides = array<i32>} : memref<64x128xf32, #tpu.memory_space<vmem>>, vector<1x16xf32>,
      %swap3A_253 = arith.index_cast %add3A_223 : i32 to index
      %swap3A_254 = arith.constant 96 : index
      %swap3A_255 = tpu.vector_load %arg9[%swap3A_253, %swap3A_254] {strides = array<i32>} : memref<64x128xf32, #tpu.memory_space<vmem>>, vector<1x16xf32>,
      %swap3A_256 = vector.shape_cast %swap3A_255 : vector<1x16xf32> to vector<16xf32>
      %swap3A_257 = vector.shape_cast %broadcast_in_dim3A_1 : vector<16xf32> to vector<1x16xf32>
      tpu.vector_store %arg9[%swap3A_253, %swap3A_254], %swap3A_257 {strides = array<i32>} : memref<64x128xf32, #tpu.memory_space<vmem>>, vector<1x16xf32>,
      %swap3A_258 = arith.index_cast %add3A_223 : i32 to index
      %swap3A_259 = arith.constant 112 : index
      %swap3A_260 = tpu.vector_load %arg9[%swap3A_258, %swap3A_259] {strides = array<i32>} : memref<64x128xf32, #tpu.memory_space<vmem>>, vector<1x16xf32>,
      %swap3A_261 = vector.shape_cast %swap3A_260 : vector<1x16xf32> to vector<16xf32>
      %swap3A_262 = vector.shape_cast %broadcast_in_dim3A_1 : vector<16xf32> to vector<1x16xf32>
      tpu.vector_store %arg9[%swap3A_258, %swap3A_259], %swap3A_262 {strides = array<i32>} : memref<64x128xf32, #tpu.memory_space<vmem>>, vector<1x16xf32>,
    }
    %scan3A_5 = arith.constant 64 : i32
    %mul3A_6 = arith.constant 632 : i32
    %mul3A_7 = arith.muli %arg1, %mul3A_6 : i32
    %add3A_8 = arith.constant 0 : i32
    %add3A_9 = arith.addi %mul3A_7, %add3A_8 : i32
    %dma_start3A = arith.constant 0 : i32
    %dma_start3A_10 = tpu.memref_slice %arg10[%add3A_9, %dma_start3A] : memref<10112x128xf32, #tpu.memory_space<vmem_shared>> -> memref<64x128xf32, #tpu.memory_space<vmem_shared>>
    %dma_start3A_11 = arith.constant 0 : i32
    %dma_start3A_12 = tpu.memref_slice %arg10[%add3A_9, %dma_start3A_11] : memref<10112x128xf32, #tpu.memory_space<vmem_shared>> -> memref<64x128xf32, #tpu.memory_space<vmem_shared>>
    tpu.enqueue_dma source(%arg9 : memref<64x128xf32, #tpu.memory_space<vmem>>) target(%dma_start3A_12 : memref<64x128xf32, #tpu.memory_space<vmem_shared>>) target_semaphore(%arg15 : memref<!tpu.dma_semaphore, #tpu.memory_space<semaphore_mem>>)
    %add3A_13 = arith.constant 64 : i32
    %add3A_14 = arith.addi %mul3A_7, %add3A_13 : i32
    %dma_start3A_15 = arith.constant 0 : i32
    %dma_start3A_16 = tpu.memref_slice %arg10[%add3A_14, %dma_start3A_15] : memref<10112x128xf32, #tpu.memory_space<vmem_shared>> -> memref<64x128xf32, #tpu.memory_space<vmem_shared>>
    %dma_start3A_17 = arith.constant 0 : i32
    %dma_start3A_18 = tpu.memref_slice %arg10[%add3A_14, %dma_start3A_17] : memref<10112x128xf32, #tpu.memory_space<vmem_shared>> -> memref<64x128xf32, #tpu.memory_space<vmem_shared>>
    tpu.enqueue_dma source(%arg9 : memref<64x128xf32, #tpu.memory_space<vmem>>) target(%dma_start3A_18 : memref<64x128xf32, #tpu.memory_space<vmem_shared>>) target_semaphore(%arg15 : memref<!tpu.dma_semaphore, #tpu.memory_space<semaphore_mem>>)
    %add3A_19 = arith.constant 128 : i32
    %add3A_20 = arith.addi %mul3A_7, %add3A_19 : i32
    %dma_start3A_21 = arith.constant 0 : i32
    %dma_start3A_22 = tpu.memref_slice %arg10[%add3A_20, %dma_start3A_21] : memref<10112x128xf32, #tpu.memory_space<vmem_shared>> -> memref<64x128xf32, #tpu.memory_space<vmem_shared>>
    %dma_start3A_23 = arith.constant 0 : i32
    %dma_start3A_24 = tpu.memref_slice %arg10[%add3A_20, %dma_start3A_23] : memref<10112x128xf32, #tpu.memory_space<vmem_shared>> -> memref<64x128xf32, #tpu.memory_space<vmem_shared>>
    tpu.enqueue_dma source(%arg9 : memref<64x128xf32, #tpu.memory_space<vmem>>) target(%dma_start3A_24 : memref<64x128xf32, #tpu.memory_space<vmem_shared>>) target_semaphore(%arg15 : memref<!tpu.dma_semaphore, #tpu.memory_space<semaphore_mem>>)
    %add3A_25 = arith.constant 192 : i32
    %add3A_26 = arith.addi %mul3A_7, %add3A_25 : i32
    %dma_start3A_27 = arith.constant 0 : i32
    %dma_start3A_28 = tpu.memref_slice %arg10[%add3A_26, %dma_start3A_27] : memref<10112x128xf32, #tpu.memory_space<vmem_shared>> -> memref<64x128xf32, #tpu.memory_space<vmem_shared>>
    %dma_start3A_29 = arith.constant 0 : i32
    %dma_start3A_30 = tpu.memref_slice %arg10[%add3A_26, %dma_start3A_29] : memref<10112x128xf32, #tpu.memory_space<vmem_shared>> -> memref<64x128xf32, #tpu.memory_space<vmem_shared>>
    tpu.enqueue_dma source(%arg9 : memref<64x128xf32, #tpu.memory_space<vmem>>) target(%dma_start3A_30 : memref<64x128xf32, #tpu.memory_space<vmem_shared>>) target_semaphore(%arg15 : memref<!tpu.dma_semaphore, #tpu.memory_space<semaphore_mem>>)
    %add3A_31 = arith.constant 256 : i32
    %add3A_32 = arith.addi %mul3A_7, %add3A_31 : i32
    %dma_start3A_33 = arith.constant 0 : i32
    %dma_start3A_34 = tpu.memref_slice %arg10[%add3A_32, %dma_start3A_33] : memref<10112x128xf32, #tpu.memory_space<vmem_shared>> -> memref<64x128xf32, #tpu.memory_space<vmem_shared>>
    %dma_start3A_35 = arith.constant 0 : i32
    %dma_start3A_36 = tpu.memref_slice %arg10[%add3A_32, %dma_start3A_35] : memref<10112x128xf32, #tpu.memory_space<vmem_shared>> -> memref<64x128xf32, #tpu.memory_space<vmem_shared>>
    tpu.enqueue_dma source(%arg9 : memref<64x128xf32, #tpu.memory_space<vmem>>) target(%dma_start3A_36 : memref<64x128xf32, #tpu.memory_space<vmem_shared>>) target_semaphore(%arg15 : memref<!tpu.dma_semaphore, #tpu.memory_space<semaphore_mem>>)
    %add3A_37 = arith.constant 320 : i32
    %add3A_38 = arith.addi %mul3A_7, %add3A_37 : i32
    %dma_start3A_39 = arith.constant 0 : i32
    %dma_start3A_40 = tpu.memref_slice %arg10[%add3A_38, %dma_start3A_39] : memref<10112x128xf32, #tpu.memory_space<vmem_shared>> -> memref<64x128xf32, #tpu.memory_space<vmem_shared>>
    %dma_start3A_41 = arith.constant 0 : i32
    %dma_start3A_42 = tpu.memref_slice %arg10[%add3A_38, %dma_start3A_41] : memref<10112x128xf32, #tpu.memory_space<vmem_shared>> -> memref<64x128xf32, #tpu.memory_space<vmem_shared>>
    tpu.enqueue_dma source(%arg9 : memref<64x128xf32, #tpu.memory_space<vmem>>) target(%dma_start3A_42 : memref<64x128xf32, #tpu.memory_space<vmem_shared>>) target_semaphore(%arg15 : memref<!tpu.dma_semaphore, #tpu.memory_space<semaphore_mem>>)
    %add3A_43 = arith.constant 384 : i32
    %add3A_44 = arith.addi %mul3A_7, %add3A_43 : i32
    %dma_start3A_45 = arith.constant 0 : i32
    %dma_start3A_46 = tpu.memref_slice %arg10[%add3A_44, %dma_start3A_45] : memref<10112x128xf32, #tpu.memory_space<vmem_shared>> -> memref<64x128xf32, #tpu.memory_space<vmem_shared>>
    %dma_start3A_47 = arith.constant 0 : i32
    %dma_start3A_48 = tpu.memref_slice %arg10[%add3A_44, %dma_start3A_47] : memref<10112x128xf32, #tpu.memory_space<vmem_shared>> -> memref<64x128xf32, #tpu.memory_space<vmem_shared>>
    tpu.enqueue_dma source(%arg9 : memref<64x128xf32, #tpu.memory_space<vmem>>) target(%dma_start3A_48 : memref<64x128xf32, #tpu.memory_space<vmem_shared>>) target_semaphore(%arg15 : memref<!tpu.dma_semaphore, #tpu.memory_space<semaphore_mem>>)
    %add3A_49 = arith.constant 448 : i32
    %add3A_50 = arith.addi %mul3A_7, %add3A_49 : i32
    %dma_start3A_51 = arith.constant 0 : i32
    %dma_start3A_52 = tpu.memref_slice %arg10[%add3A_50, %dma_start3A_51] : memref<10112x128xf32, #tpu.memory_space<vmem_shared>> -> memref<64x128xf32, #tpu.memory_space<vmem_shared>>
    %dma_start3A_53 = arith.constant 0 : i32
    %dma_start3A_54 = tpu.memref_slice %arg10[%add3A_50, %dma_start3A_53] : memref<10112x128xf32, #tpu.memory_space<vmem_shared>> -> memref<64x128xf32, #tpu.memory_space<vmem_shared>>
    tpu.enqueue_dma source(%arg9 : memref<64x128xf32, #tpu.memory_space<vmem>>) target(%dma_start3A_54 : memref<64x128xf32, #tpu.memory_space<vmem_shared>>) target_semaphore(%arg15 : memref<!tpu.dma_semaphore, #tpu.memory_space<semaphore_mem>>)
    %add3A_55 = arith.constant 512 : i32
    %add3A_56 = arith.addi %mul3A_7, %add3A_55 : i32
    %dma_start3A_57 = arith.constant 0 : i32
    %dma_start3A_58 = tpu.memref_slice %arg10[%add3A_56, %dma_start3A_57] : memref<10112x128xf32, #tpu.memory_space<vmem_shared>> -> memref<64x128xf32, #tpu.memory_space<vmem_shared>>
    %dma_start3A_59 = arith.constant 0 : i32
    %dma_start3A_60 = tpu.memref_slice %arg10[%add3A_56, %dma_start3A_59] : memref<10112x128xf32, #tpu.memory_space<vmem_shared>> -> memref<64x128xf32, #tpu.memory_space<vmem_shared>>
    tpu.enqueue_dma source(%arg9 : memref<64x128xf32, #tpu.memory_space<vmem>>) target(%dma_start3A_60 : memref<64x128xf32, #tpu.memory_space<vmem_shared>>) target_semaphore(%arg15 : memref<!tpu.dma_semaphore, #tpu.memory_space<semaphore_mem>>)
    %add3A_61 = arith.constant 576 : i32
    %add3A_62 = arith.addi %mul3A_7, %add3A_61 : i32
    %dma_start3A_63 = arith.constant 0 : i32
    %dma_start3A_64 = arith.constant 0 : i32
    %dma_start3A_65 = tpu.memref_slice %arg9[%dma_start3A_63, %dma_start3A_64] : memref<64x128xf32, #tpu.memory_space<vmem>> -> memref<56x128xf32, #tpu.memory_space<vmem>>
    %dma_start3A_66 = arith.constant 0 : i32
    %dma_start3A_67 = tpu.memref_slice %arg10[%add3A_62, %dma_start3A_66] : memref<10112x128xf32, #tpu.memory_space<vmem_shared>> -> memref<56x128xf32, #tpu.memory_space<vmem_shared>>
    %dma_start3A_68 = arith.constant 0 : i32
    %dma_start3A_69 = tpu.memref_slice %arg10[%add3A_62, %dma_start3A_68] : memref<10112x128xf32, #tpu.memory_space<vmem_shared>> -> memref<56x128xf32, #tpu.memory_space<vmem_shared>>
    %dma_start3A_70 = arith.constant 0 : i32
    %dma_start3A_71 = arith.constant 0 : i32
    %dma_start3A_72 = tpu.memref_slice %arg9[%dma_start3A_70, %dma_start3A_71] : memref<64x128xf32, #tpu.memory_space<vmem>> -> memref<56x128xf32, #tpu.memory_space<vmem>>
    tpu.enqueue_dma source(%dma_start3A_72 : memref<56x128xf32, #tpu.memory_space<vmem>>) target(%dma_start3A_69 : memref<56x128xf32, #tpu.memory_space<vmem_shared>>) target_semaphore(%arg15 : memref<!tpu.dma_semaphore, #tpu.memory_space<semaphore_mem>>)
    %dma_start3A_73 = arith.constant 0 : i32
    %dma_start3A_74 = arith.constant 0 : i32
    %dma_start3A_75 = arith.constant 0 : i32
    %dma_start3A_76 = tpu.memref_slice %arg3[%add3A, %dma_start3A_73, %dma_start3A_74, %dma_start3A_75] : memref<32x40x4x128xi32, #tpu.memory_space<hbm>> -> memref<1x1x4x128xi32, #tpu.memory_space<hbm>>
    %dma_start3A_77 = tpu.memref_squeeze %dma_start3A_76 : memref<1x1x4x128xi32, #tpu.memory_space<hbm>> -> memref<4x128xi32, #tpu.memory_space<hbm>>
    %dma_start3A_78 = arith.constant 0 : i32
    %dma_start3A_79 = arith.constant 0 : i32
    %dma_start3A_80 = tpu.memref_slice %arg3[%add3A, %dma_start3A_73, %dma_start3A_78, %dma_start3A_79] : memref<32x40x4x128xi32, #tpu.memory_space<hbm>> -> memref<1x1x4x128xi32, #tpu.memory_space<hbm>>
    %dma_start3A_81 = tpu.memref_squeeze %dma_start3A_80 : memref<1x1x4x128xi32, #tpu.memory_space<hbm>> -> memref<4x128xi32, #tpu.memory_space<hbm>>
    tpu.enqueue_dma source(%dma_start3A_81 : memref<4x128xi32, #tpu.memory_space<hbm>>) target(%arg5 : memref<4x128xi32, #tpu.memory_space<vmem>>) target_semaphore(%arg13 : memref<!tpu.dma_semaphore, #tpu.memory_space<semaphore_mem>>)
    %dma_wait3A = arith.constant 0 : i32
    %dma_wait3A_82 = tpu.memref_slice %arg10[%mul3A_7, %dma_wait3A] : memref<10112x128xf32, #tpu.memory_space<vmem_shared>> -> memref<64x128xf32, #tpu.memory_space<vmem_shared>>
    %dma_wait3A_83 = arith.constant 0 : i32
    %dma_wait3A_84 = tpu.memref_slice %arg10[%mul3A_7, %dma_wait3A_83] : memref<10112x128xf32, #tpu.memory_space<vmem_shared>> -> memref<64x128xf32, #tpu.memory_space<vmem_shared>>
    tpu.wait_dma2 semaphore(%arg15 : memref<!tpu.dma_semaphore, #tpu.memory_space<semaphore_mem>>) src(%arg9 : memref<64x128xf32, #tpu.memory_space<vmem>>) dst(%dma_wait3A_84 : memref<64x128xf32, #tpu.memory_space<vmem_shared>>)
    %dma_wait3A_85 = arith.constant 0 : i32
    %dma_wait3A_86 = tpu.memref_slice %arg10[%mul3A_7, %dma_wait3A_85] : memref<10112x128xf32, #tpu.memory_space<vmem_shared>> -> memref<64x128xf32, #tpu.memory_space<vmem_shared>>
    %dma_wait3A_87 = arith.constant 0 : i32
    %dma_wait3A_88 = tpu.memref_slice %arg10[%mul3A_7, %dma_wait3A_87] : memref<10112x128xf32, #tpu.memory_space<vmem_shared>> -> memref<64x128xf32, #tpu.memory_space<vmem_shared>>
    tpu.wait_dma2 semaphore(%arg15 : memref<!tpu.dma_semaphore, #tpu.memory_space<semaphore_mem>>) src(%arg9 : memref<64x128xf32, #tpu.memory_space<vmem>>) dst(%dma_wait3A_88 : memref<64x128xf32, #tpu.memory_space<vmem_shared>>)
    %dma_wait3A_89 = arith.constant 0 : i32
    %dma_wait3A_90 = tpu.memref_slice %arg10[%mul3A_7, %dma_wait3A_89] : memref<10112x128xf32, #tpu.memory_space<vmem_shared>> -> memref<64x128xf32, #tpu.memory_space<vmem_shared>>
    %dma_wait3A_91 = arith.constant 0 : i32
    %dma_wait3A_92 = tpu.memref_slice %arg10[%mul3A_7, %dma_wait3A_91] : memref<10112x128xf32, #tpu.memory_space<vmem_shared>> -> memref<64x128xf32, #tpu.memory_space<vmem_shared>>
    tpu.wait_dma2 semaphore(%arg15 : memref<!tpu.dma_semaphore, #tpu.memory_space<semaphore_mem>>) src(%arg9 : memref<64x128xf32, #tpu.memory_space<vmem>>) dst(%dma_wait3A_92 : memref<64x128xf32, #tpu.memory_space<vmem_shared>>)
    %dma_wait3A_93 = arith.constant 0 : i32
    %dma_wait3A_94 = tpu.memref_slice %arg10[%mul3A_7, %dma_wait3A_93] : memref<10112x128xf32, #tpu.memory_space<vmem_shared>> -> memref<64x128xf32, #tpu.memory_space<vmem_shared>>
    %dma_wait3A_95 = arith.constant 0 : i32
    %dma_wait3A_96 = tpu.memref_slice %arg10[%mul3A_7, %dma_wait3A_95] : memref<10112x128xf32, #tpu.memory_space<vmem_shared>> -> memref<64x128xf32, #tpu.memory_space<vmem_shared>>
    tpu.wait_dma2 semaphore(%arg15 : memref<!tpu.dma_semaphore, #tpu.memory_space<semaphore_mem>>) src(%arg9 : memref<64x128xf32, #tpu.memory_space<vmem>>) dst(%dma_wait3A_96 : memref<64x128xf32, #tpu.memory_space<vmem_shared>>)
    %dma_wait3A_97 = arith.constant 0 : i32
    %dma_wait3A_98 = tpu.memref_slice %arg10[%mul3A_7, %dma_wait3A_97] : memref<10112x128xf32, #tpu.memory_space<vmem_shared>> -> memref<64x128xf32, #tpu.memory_space<vmem_shared>>
    %dma_wait3A_99 = arith.constant 0 : i32
    %dma_wait3A_100 = tpu.memref_slice %arg10[%mul3A_7, %dma_wait3A_99] : memref<10112x128xf32, #tpu.memory_space<vmem_shared>> -> memref<64x128xf32, #tpu.memory_space<vmem_shared>>
    tpu.wait_dma2 semaphore(%arg15 : memref<!tpu.dma_semaphore, #tpu.memory_space<semaphore_mem>>) src(%arg9 : memref<64x128xf32, #tpu.memory_space<vmem>>) dst(%dma_wait3A_100 : memref<64x128xf32, #tpu.memory_space<vmem_shared>>)
    %dma_wait3A_101 = arith.constant 0 : i32
    %dma_wait3A_102 = tpu.memref_slice %arg10[%mul3A_7, %dma_wait3A_101] : memref<10112x128xf32, #tpu.memory_space<vmem_shared>> -> memref<64x128xf32, #tpu.memory_space<vmem_shared>>
    %dma_wait3A_103 = arith.constant 0 : i32
    %dma_wait3A_104 = tpu.memref_slice %arg10[%mul3A_7, %dma_wait3A_103] : memref<10112x128xf32, #tpu.memory_space<vmem_shared>> -> memref<64x128xf32, #tpu.memory_space<vmem_shared>>
    tpu.wait_dma2 semaphore(%arg15 : memref<!tpu.dma_semaphore, #tpu.memory_space<semaphore_mem>>) src(%arg9 : memref<64x128xf32, #tpu.memory_space<vmem>>) dst(%dma_wait3A_104 : memref<64x128xf32, #tpu.memory_space<vmem_shared>>)
    %dma_wait3A_105 = arith.constant 0 : i32
    %dma_wait3A_106 = tpu.memref_slice %arg10[%mul3A_7, %dma_wait3A_105] : memref<10112x128xf32, #tpu.memory_space<vmem_shared>> -> memref<64x128xf32, #tpu.memory_space<vmem_shared>>
    %dma_wait3A_107 = arith.constant 0 : i32
    %dma_wait3A_108 = tpu.memref_slice %arg10[%mul3A_7, %dma_wait3A_107] : memref<10112x128xf32, #tpu.memory_space<vmem_shared>> -> memref<64x128xf32, #tpu.memory_space<vmem_shared>>
    tpu.wait_dma2 semaphore(%arg15 : memref<!tpu.dma_semaphore, #tpu.memory_space<semaphore_mem>>) src(%arg9 : memref<64x128xf32, #tpu.memory_space<vmem>>) dst(%dma_wait3A_108 : memref<64x128xf32, #tpu.memory_space<vmem_shared>>)
    %dma_wait3A_109 = arith.constant 0 : i32
    %dma_wait3A_110 = tpu.memref_slice %arg10[%mul3A_7, %dma_wait3A_109] : memref<10112x128xf32, #tpu.memory_space<vmem_shared>> -> memref<64x128xf32, #tpu.memory_space<vmem_shared>>
    %dma_wait3A_111 = arith.constant 0 : i32
    %dma_wait3A_112 = tpu.memref_slice %arg10[%mul3A_7, %dma_wait3A_111] : memref<10112x128xf32, #tpu.memory_space<vmem_shared>> -> memref<64x128xf32, #tpu.memory_space<vmem_shared>>
    tpu.wait_dma2 semaphore(%arg15 : memref<!tpu.dma_semaphore, #tpu.memory_space<semaphore_mem>>) src(%arg9 : memref<64x128xf32, #tpu.memory_space<vmem>>) dst(%dma_wait3A_112 : memref<64x128xf32, #tpu.memory_space<vmem_shared>>)
    %dma_wait3A_113 = arith.constant 0 : i32
    %dma_wait3A_114 = tpu.memref_slice %arg10[%mul3A_7, %dma_wait3A_113] : memref<10112x128xf32, #tpu.memory_space<vmem_shared>> -> memref<64x128xf32, #tpu.memory_space<vmem_shared>>
    %dma_wait3A_115 = arith.constant 0 : i32
    %dma_wait3A_116 = tpu.memref_slice %arg10[%mul3A_7, %dma_wait3A_115] : memref<10112x128xf32, #tpu.memory_space<vmem_shared>> -> memref<64x128xf32, #tpu.memory_space<vmem_shared>>
    tpu.wait_dma2 semaphore(%arg15 : memref<!tpu.dma_semaphore, #tpu.memory_space<semaphore_mem>>) src(%arg9 : memref<64x128xf32, #tpu.memory_space<vmem>>) dst(%dma_wait3A_116 : memref<64x128xf32, #tpu.memory_space<vmem_shared>>)
    %dma_wait3A_117 = arith.constant 0 : i32
    %dma_wait3A_118 = arith.constant 0 : i32
    %dma_wait3A_119 = tpu.memref_slice %arg9[%dma_wait3A_117, %dma_wait3A_118] : memref<64x128xf32, #tpu.memory_space<vmem>> -> memref<56x128xf32, #tpu.memory_space<vmem>>
    %dma_wait3A_120 = arith.constant 0 : i32
    %dma_wait3A_121 = tpu.memref_slice %arg10[%mul3A_7, %dma_wait3A_120] : memref<10112x128xf32, #tpu.memory_space<vmem_shared>> -> memref<56x128xf32, #tpu.memory_space<vmem_shared>>
    %dma_wait3A_122 = arith.constant 0 : i32
    %dma_wait3A_123 = tpu.memref_slice %arg10[%mul3A_7, %dma_wait3A_122] : memref<10112x128xf32, #tpu.memory_space<vmem_shared>> -> memref<56x128xf32, #tpu.memory_space<vmem_shared>>
    %dma_wait3A_124 = arith.constant 0 : i32
    %dma_wait3A_125 = arith.constant 0 : i32
    %dma_wait3A_126 = tpu.memref_slice %arg9[%dma_wait3A_124, %dma_wait3A_125] : memref<64x128xf32, #tpu.memory_space<vmem>> -> memref<56x128xf32, #tpu.memory_space<vmem>>
    tpu.wait_dma2 semaphore(%arg15 : memref<!tpu.dma_semaphore, #tpu.memory_space<semaphore_mem>>) src(%dma_wait3A_126 : memref<56x128xf32, #tpu.memory_space<vmem>>) dst(%dma_wait3A_123 : memref<56x128xf32, #tpu.memory_space<vmem_shared>>)
    %dma_wait3A_127 = arith.constant 0 : i32
    %dma_wait3A_128 = arith.constant 0 : i32
    %dma_wait3A_129 = arith.constant 0 : i32
    %dma_wait3A_130 = tpu.memref_slice %arg3[%add3A, %dma_wait3A_127, %dma_wait3A_128, %dma_wait3A_129] : memref<32x40x4x128xi32, #tpu.memory_space<hbm>> -> memref<1x1x4x128xi32, #tpu.memory_space<hbm>>
    %dma_wait3A_131 = tpu.memref_squeeze %dma_wait3A_130 : memref<1x1x4x128xi32, #tpu.memory_space<hbm>> -> memref<4x128xi32, #tpu.memory_space<hbm>>
    %dma_wait3A_132 = arith.constant 0 : i32
    %dma_wait3A_133 = arith.constant 0 : i32
    %dma_wait3A_134 = tpu.memref_slice %arg3[%add3A, %dma_wait3A_127, %dma_wait3A_132, %dma_wait3A_133] : memref<32x40x4x128xi32, #tpu.memory_space<hbm>> -> memref<1x1x4x128xi32, #tpu.memory_space<hbm>>
    %dma_wait3A_135 = tpu.memref_squeeze %dma_wait3A_134 : memref<1x1x4x128xi32, #tpu.memory_space<hbm>> -> memref<4x128xi32, #tpu.memory_space<hbm>>
    tpu.wait_dma2 semaphore(%arg13 : memref<!tpu.dma_semaphore, #tpu.memory_space<semaphore_mem>>) src(%dma_wait3A_135 : memref<4x128xi32, #tpu.memory_space<hbm>>) dst(%arg5 : memref<4x128xi32, #tpu.memory_space<vmem>>)
    %dma_start3A_136 = arith.constant 0 : i32
    %dma_start3A_137 = arith.constant 0 : i32
    %dma_start3A_138 = tpu.memref_slice %arg5[%dma_start3A_136, %dma_start3A_137] : memref<4x128xi32, #tpu.memory_space<vmem>> -> memref<1x128xi32, #tpu.memory_space<vmem>>
    %dma_start3A_139 = tpu.memref_squeeze %dma_start3A_138 : memref<1x128xi32, #tpu.memory_space<vmem>> -> memref<128xi32, #tpu.memory_space<vmem>>
    %dma_start3A_140 = arith.constant 0 : i32
    %dma_start3A_141 = arith.constant 0 : i32
    %dma_start3A_142 = tpu.memref_slice %arg2[%dma_start3A_140, %dma_start3A_141] : memref<10112x128xf32, #tpu.memory_space<hbm>> -> memref<10112x128xf32, #tpu.memory_space<hbm>>
    tpu.enqueue_indirect_dma source(%dma_start3A_142 : memref<10112x128xf32, #tpu.memory_space<hbm>>) target(%arg7 : memref<128x128xf32, #tpu.memory_space<vmem>>) offsets(%dma_start3A_139 : memref<128xi32, #tpu.memory_space<vmem>>) semaphore(%arg11 : memref<!tpu.dma_semaphore, #tpu.memory_space<semaphore_mem>>)
    %dma_start3A_143 = arith.constant 1 : i32
    %dma_start3A_144 = arith.constant 0 : i32
    %dma_start3A_145 = arith.constant 0 : i32
    %dma_start3A_146 = tpu.memref_slice %arg3[%add3A, %dma_start3A_143, %dma_start3A_144, %dma_start3A_145] : memref<32x40x4x128xi32, #tpu.memory_space<hbm>> -> memref<1x1x4x128xi32, #tpu.memory_space<hbm>>
    %dma_start3A_147 = tpu.memref_squeeze %dma_start3A_146 : memref<1x1x4x128xi32, #tpu.memory_space<hbm>> -> memref<4x128xi32, #tpu.memory_space<hbm>>
    %dma_start3A_148 = arith.constant 0 : i32
    %dma_start3A_149 = arith.constant 0 : i32
    %dma_start3A_150 = tpu.memref_slice %arg3[%add3A, %dma_start3A_143, %dma_start3A_148, %dma_start3A_149] : memref<32x40x4x128xi32, #tpu.memory_space<hbm>> -> memref<1x1x4x128xi32, #tpu.memory_space<hbm>>
    %dma_start3A_151 = tpu.memref_squeeze %dma_start3A_150 : memref<1x1x4x128xi32, #tpu.memory_space<hbm>> -> memref<4x128xi32, #tpu.memory_space<hbm>>
    tpu.enqueue_dma source(%dma_start3A_151 : memref<4x128xi32, #tpu.memory_space<hbm>>) target(%arg6 : memref<4x128xi32, #tpu.memory_space<vmem>>) target_semaphore(%arg14 : memref<!tpu.dma_semaphore, #tpu.memory_space<semaphore_mem>>)
    %barrier3A = arith.constant 0 : index
    tpu.barrier barrier_id(%barrier3A)
    %scan3A_152 = arith.constant 0 : i32
    %scan3A_153 = arith.constant 19 : i32
    %scan3A_154 = arith.addi %scan3A_152, %scan3A_153 : i32
    %scan3A_155 = arith.constant 1 : i32
    scf.for %scan3A_219 = %scan3A_152 to %scan3A_154 step %scan3A_155  : i32 {
      %mul3A_220 = arith.constant 1 : i32
      %mul3A_221 = arith.muli %scan3A_219, %mul3A_220 : i32
      %add3A_222 = arith.constant 0 : i32
      %add3A_223 = arith.addi %add3A_222, %mul3A_221 : i32
      %mul3A_224 = arith.constant 2 : i32
      %mul3A_225 = arith.muli %mul3A_224, %add3A_223 : i32
      %dma_start3A_226 = arith.constant 2 : i32
      %dma_start3A_227 = arith.constant 0 : i32
      %dma_start3A_228 = tpu.memref_slice %arg5[%dma_start3A_226, %dma_start3A_227] : memref<4x128xi32, #tpu.memory_space<vmem>> -> memref<1x128xi32, #tpu.memory_space<vmem>>
      %dma_start3A_229 = tpu.memref_squeeze %dma_start3A_228 : memref<1x128xi32, #tpu.memory_space<vmem>> -> memref<128xi32, #tpu.memory_space<vmem>>
      %dma_start3A_230 = arith.constant 0 : i32
      %dma_start3A_231 = arith.constant 0 : i32
      %dma_start3A_232 = tpu.memref_slice %arg2[%dma_start3A_230, %dma_start3A_231] : memref<10112x128xf32, #tpu.memory_space<hbm>> -> memref<10112x128xf32, #tpu.memory_space<hbm>>
      tpu.enqueue_indirect_dma source(%dma_start3A_232 : memref<10112x128xf32, #tpu.memory_space<hbm>>) target(%arg8 : memref<128x128xf32, #tpu.memory_space<vmem>>) offsets(%dma_start3A_229 : memref<128xi32, #tpu.memory_space<vmem>>) semaphore(%arg12 : memref<!tpu.dma_semaphore, #tpu.memory_space<semaphore_mem>>)
      %dma_wait3A_233 = arith.constant 0 : i32
      %dma_wait3A_234 = arith.constant 0 : i32
      %dma_wait3A_235 = tpu.memref_slice %arg5[%dma_wait3A_233, %dma_wait3A_234] : memref<4x128xi32, #tpu.memory_space<vmem>> -> memref<1x128xi32, #tpu.memory_space<vmem>>
      %dma_wait3A_236 = tpu.memref_squeeze %dma_wait3A_235 : memref<1x128xi32, #tpu.memory_space<vmem>> -> memref<128xi32, #tpu.memory_space<vmem>>
      %dma_wait3A_237 = arith.constant 0 : i32
      %dma_wait3A_238 = arith.constant 0 : i32
      %dma_wait3A_239 = tpu.memref_slice %arg2[%dma_wait3A_237, %dma_wait3A_238] : memref<10112x128xf32, #tpu.memory_space<hbm>> -> memref<10112x128xf32, #tpu.memory_space<hbm>>
      tpu.wait_indirect_dma semaphore(%arg11 : memref<!tpu.dma_semaphore, #tpu.memory_space<semaphore_mem>>) src(%dma_wait3A_239 : memref<10112x128xf32, #tpu.memory_space<hbm>>) dst(%arg7 : memref<128x128xf32, #tpu.memory_space<vmem>>)
      %run_scoped3A_240 = arith.constant 1 : i32
      "tpu.region"() ({
        %run_scoped3A_328 = tpu.sem_alloc : memref<!tpu.dma_semaphore, #tpu.memory_space<semaphore_mem>>
        %dma_start3A_329 = arith.constant 0 : i32
        %dma_start3A_330 = tpu.memref_slice %arg5[%run_scoped3A_240, %dma_start3A_329] : memref<4x128xi32, #tpu.memory_space<vmem>> -> memref<1x128xi32, #tpu.memory_space<vmem>>
        %dma_start3A_331 = tpu.memref_squeeze %dma_start3A_330 : memref<1x128xi32, #tpu.memory_space<vmem>> -> memref<128xi32, #tpu.memory_space<vmem>>
        %dma_start3A_332 = arith.constant 0 : i32
        %dma_start3A_333 = arith.constant 0 : i32
        %dma_start3A_334 = tpu.memref_slice %arg10[%dma_start3A_332, %dma_start3A_333] : memref<10112x128xf32, #tpu.memory_space<vmem_shared>> -> memref<10112x128xf32, #tpu.memory_space<vmem_shared>>
        tpu.enqueue_indirect_dma source(%arg7 : memref<128x128xf32, #tpu.memory_space<vmem>>) target(%dma_start3A_334 : memref<10112x128xf32, #tpu.memory_space<vmem_shared>>) offsets(%dma_start3A_331 : memref<128xi32, #tpu.memory_space<vmem>>) semaphore(%run_scoped3A_328 : memref<!tpu.dma_semaphore, #tpu.memory_space<semaphore_mem>>) {add = true}
        %dma_wait3A_335 = arith.constant 0 : i32
        %dma_wait3A_336 = tpu.memref_slice %arg5[%run_scoped3A_240, %dma_wait3A_335] : memref<4x128xi32, #tpu.memory_space<vmem>> -> memref<1x128xi32, #tpu.memory_space<vmem>>
        %dma_wait3A_337 = tpu.memref_squeeze %dma_wait3A_336 : memref<1x128xi32, #tpu.memory_space<vmem>> -> memref<128xi32, #tpu.memory_space<vmem>>
        %dma_wait3A_338 = arith.constant 0 : i32
        %dma_wait3A_339 = arith.constant 0 : i32
        %dma_wait3A_340 = tpu.memref_slice %arg10[%dma_wait3A_338, %dma_wait3A_339] : memref<10112x128xf32, #tpu.memory_space<vmem_shared>> -> memref<10112x128xf32, #tpu.memory_space<vmem_shared>>
        tpu.wait_indirect_dma semaphore(%run_scoped3A_328 : memref<!tpu.dma_semaphore, #tpu.memory_space<semaphore_mem>>) src(%arg7 : memref<128x128xf32, #tpu.memory_space<vmem>>) dst(%dma_wait3A_340 : memref<10112x128xf32, #tpu.memory_space<vmem_shared>>)
        tpu.yield
      }) : () -> ()
      %add3A_241 = arith.constant 1 : i32
      %add3A_242 = arith.addi %mul3A_225, %add3A_241 : i32
      %dma_wait3A_243 = arith.constant 0 : i32
      %dma_wait3A_244 = arith.constant 0 : i32
      %dma_wait3A_245 = tpu.memref_slice %arg3[%add3A, %add3A_242, %dma_wait3A_243, %dma_wait3A_244] : memref<32x40x4x128xi32, #tpu.memory_space<hbm>> -> memref<1x1x4x128xi32, #tpu.memory_space<hbm>>
      %dma_wait3A_246 = tpu.memref_squeeze %dma_wait3A_245 : memref<1x1x4x128xi32, #tpu.memory_space<hbm>> -> memref<4x128xi32, #tpu.memory_space<hbm>>
      %dma_wait3A_247 = arith.constant 0 : i32
      %dma_wait3A_248 = arith.constant 0 : i32
      %dma_wait3A_249 = tpu.memref_slice %arg3[%add3A, %add3A_242, %dma_wait3A_247, %dma_wait3A_248] : memref<32x40x4x128xi32, #tpu.memory_space<hbm>> -> memref<1x1x4x128xi32, #tpu.memory_space<hbm>>
      %dma_wait3A_250 = tpu.memref_squeeze %dma_wait3A_249 : memref<1x1x4x128xi32, #tpu.memory_space<hbm>> -> memref<4x128xi32, #tpu.memory_space<hbm>>
      tpu.wait_dma2 semaphore(%arg14 : memref<!tpu.dma_semaphore, #tpu.memory_space<semaphore_mem>>) src(%dma_wait3A_250 : memref<4x128xi32, #tpu.memory_space<hbm>>) dst(%arg6 : memref<4x128xi32, #tpu.memory_space<vmem>>)
      %dma_start3A_251 = arith.constant 0 : i32
      %dma_start3A_252 = arith.constant 0 : i32
      %dma_start3A_253 = tpu.memref_slice %arg6[%dma_start3A_251, %dma_start3A_252] : memref<4x128xi32, #tpu.memory_space<vmem>> -> memref<1x128xi32, #tpu.memory_space<vmem>>
      %dma_start3A_254 = tpu.memref_squeeze %dma_start3A_253 : memref<1x128xi32, #tpu.memory_space<vmem>> -> memref<128xi32, #tpu.memory_space<vmem>>
      %dma_start3A_255 = arith.constant 0 : i32
      %dma_start3A_256 = arith.constant 0 : i32
      %dma_start3A_257 = tpu.memref_slice %arg2[%dma_start3A_255, %dma_start3A_256] : memref<10112x128xf32, #tpu.memory_space<hbm>> -> memref<10112x128xf32, #tpu.memory_space<hbm>>
      tpu.enqueue_indirect_dma source(%dma_start3A_257 : memref<10112x128xf32, #tpu.memory_space<hbm>>) target(%arg7 : memref<128x128xf32, #tpu.memory_space<vmem>>) offsets(%dma_start3A_254 : memref<128xi32, #tpu.memory_space<vmem>>) semaphore(%arg11 : memref<!tpu.dma_semaphore, #tpu.memory_space<semaphore_mem>>)
      %dma_wait3A_258 = arith.constant 2 : i32
      %dma_wait3A_259 = arith.constant 0 : i32
      %dma_wait3A_260 = tpu.memref_slice %arg5[%dma_wait3A_258, %dma_wait3A_259] : memref<4x128xi32, #tpu.memory_space<vmem>> -> memref<1x128xi32, #tpu.memory_space<vmem>>
      %dma_wait3A_261 = tpu.memref_squeeze %dma_wait3A_260 : memref<1x128xi32, #tpu.memory_space<vmem>> -> memref<128xi32, #tpu.memory_space<vmem>>
      %dma_wait3A_262 = arith.constant 0 : i32
      %dma_wait3A_263 = arith.constant 0 : i32
      %dma_wait3A_264 = tpu.memref_slice %arg2[%dma_wait3A_262, %dma_wait3A_263] : memref<10112x128xf32, #tpu.memory_space<hbm>> -> memref<10112x128xf32, #tpu.memory_space<hbm>>
      tpu.wait_indirect_dma semaphore(%arg12 : memref<!tpu.dma_semaphore, #tpu.memory_space<semaphore_mem>>) src(%dma_wait3A_264 : memref<10112x128xf32, #tpu.memory_space<hbm>>) dst(%arg8 : memref<128x128xf32, #tpu.memory_space<vmem>>)
      %run_scoped3A_265 = arith.constant 3 : i32
      "tpu.region"() ({
        %run_scoped3A_328 = tpu.sem_alloc : memref<!tpu.dma_semaphore, #tpu.memory_space<semaphore_mem>>
        %dma_start3A_329 = arith.constant 0 : i32
        %dma_start3A_330 = tpu.memref_slice %arg5[%run_scoped3A_265, %dma_start3A_329] : memref<4x128xi32, #tpu.memory_space<vmem>> -> memref<1x128xi32, #tpu.memory_space<vmem>>
        %dma_start3A_331 = tpu.memref_squeeze %dma_start3A_330 : memref<1x128xi32, #tpu.memory_space<vmem>> -> memref<128xi32, #tpu.memory_space<vmem>>
        %dma_start3A_332 = arith.constant 0 : i32
        %dma_start3A_333 = arith.constant 0 : i32
        %dma_start3A_334 = tpu.memref_slice %arg10[%dma_start3A_332, %dma_start3A_333] : memref<10112x128xf32, #tpu.memory_space<vmem_shared>> -> memref<10112x128xf32, #tpu.memory_space<vmem_shared>>
        tpu.enqueue_indirect_dma source(%arg8 : memref<128x128xf32, #tpu.memory_space<vmem>>) target(%dma_start3A_334 : memref<10112x128xf32, #tpu.memory_space<vmem_shared>>) offsets(%dma_start3A_331 : memref<128xi32, #tpu.memory_space<vmem>>) semaphore(%run_scoped3A_328 : memref<!tpu.dma_semaphore, #tpu.memory_space<semaphore_mem>>) {add = true}
        %dma_wait3A_335 = arith.constant 0 : i32
        %dma_wait3A_336 = tpu.memref_slice %arg5[%run_scoped3A_265, %dma_wait3A_335] : memref<4x128xi32, #tpu.memory_space<vmem>> -> memref<1x128xi32, #tpu.memory_space<vmem>>
        %dma_wait3A_337 = tpu.memref_squeeze %dma_wait3A_336 : memref<1x128xi32, #tpu.memory_space<vmem>> -> memref<128xi32, #tpu.memory_space<vmem>>
        %dma_wait3A_338 = arith.constant 0 : i32
        %dma_wait3A_339 = arith.constant 0 : i32
        %dma_wait3A_340 = tpu.memref_slice %arg10[%dma_wait3A_338, %dma_wait3A_339] : memref<10112x128xf32, #tpu.memory_space<vmem_shared>> -> memref<10112x128xf32, #tpu.memory_space<vmem_shared>>
        tpu.wait_indirect_dma semaphore(%run_scoped3A_328 : memref<!tpu.dma_semaphore, #tpu.memory_space<semaphore_mem>>) src(%arg8 : memref<128x128xf32, #tpu.memory_space<vmem>>) dst(%dma_wait3A_340 : memref<10112x128xf32, #tpu.memory_space<vmem_shared>>)
        tpu.yield
      }) : () -> ()
      %add3A_266 = arith.constant 2 : i32
      %add3A_267 = arith.addi %mul3A_225, %add3A_266 : i32
      %dma_start3A_268 = arith.constant 0 : i32
      %dma_start3A_269 = arith.constant 0 : i32
      %dma_start3A_270 = tpu.memref_slice %arg3[%add3A, %add3A_267, %dma_start3A_268, %dma_start3A_269] : memref<32x40x4x128xi32, #tpu.memory_space<hbm>> -> memref<1x1x4x128xi32, #tpu.memory_space<hbm>>
      %dma_start3A_271 = tpu.memref_squeeze %dma_start3A_270 : memref<1x1x4x128xi32, #tpu.memory_space<hbm>> -> memref<4x128xi32, #tpu.memory_space<hbm>>
      %dma_start3A_272 = arith.constant 0 : i32
      %dma_start3A_273 = arith.constant 0 : i32
      %dma_start3A_274 = tpu.memref_slice %arg3[%add3A, %add3A_267, %dma_start3A_272, %dma_start3A_273] : memref<32x40x4x128xi32, #tpu.memory_space<hbm>> -> memref<1x1x4x128xi32, #tpu.memory_space<hbm>>
      %dma_start3A_275 = tpu.memref_squeeze %dma_start3A_274 : memref<1x1x4x128xi32, #tpu.memory_space<hbm>> -> memref<4x128xi32, #tpu.memory_space<hbm>>
      tpu.enqueue_dma source(%dma_start3A_275 : memref<4x128xi32, #tpu.memory_space<hbm>>) target(%arg5 : memref<4x128xi32, #tpu.memory_space<vmem>>) target_semaphore(%arg13 : memref<!tpu.dma_semaphore, #tpu.memory_space<semaphore_mem>>)
      %add3A_276 = arith.constant 1 : i32
      %add3A_277 = arith.addi %mul3A_225, %add3A_276 : i32
      %dma_start3A_278 = arith.constant 2 : i32
      %dma_start3A_279 = arith.constant 0 : i32
      %dma_start3A_280 = tpu.memref_slice %arg6[%dma_start3A_278, %dma_start3A_279] : memref<4x128xi32, #tpu.memory_space<vmem>> -> memref<1x128xi32, #tpu.memory_space<vmem>>
      %dma_start3A_281 = tpu.memref_squeeze %dma_start3A_280 : memref<1x128xi32, #tpu.memory_space<vmem>> -> memref<128xi32, #tpu.memory_space<vmem>>
      %dma_start3A_282 = arith.constant 0 : i32
      %dma_start3A_283 = arith.constant 0 : i32
      %dma_start3A_284 = tpu.memref_slice %arg2[%dma_start3A_282, %dma_start3A_283] : memref<10112x128xf32, #tpu.memory_space<hbm>> -> memref<10112x128xf32, #tpu.memory_space<hbm>>
      tpu.enqueue_indirect_dma source(%dma_start3A_284 : memref<10112x128xf32, #tpu.memory_space<hbm>>) target(%arg8 : memref<128x128xf32, #tpu.memory_space<vmem>>) offsets(%dma_start3A_281 : memref<128xi32, #tpu.memory_space<vmem>>) semaphore(%arg12 : memref<!tpu.dma_semaphore, #tpu.memory_space<semaphore_mem>>)
      %dma_wait3A_285 = arith.constant 0 : i32
      %dma_wait3A_286 = arith.constant 0 : i32
      %dma_wait3A_287 = tpu.memref_slice %arg6[%dma_wait3A_285, %dma_wait3A_286] : memref<4x128xi32, #tpu.memory_space<vmem>> -> memref<1x128xi32, #tpu.memory_space<vmem>>
      %dma_wait3A_288 = tpu.memref_squeeze %dma_wait3A_287 : memref<1x128xi32, #tpu.memory_space<vmem>> -> memref<128xi32, #tpu.memory_space<vmem>>
      %dma_wait3A_289 = arith.constant 0 : i32
      %dma_wait3A_290 = arith.constant 0 : i32
      %dma_wait3A_291 = tpu.memref_slice %arg2[%dma_wait3A_289, %dma_wait3A_290] : memref<10112x128xf32, #tpu.memory_space<hbm>> -> memref<10112x128xf32, #tpu.memory_space<hbm>>
      tpu.wait_indirect_dma semaphore(%arg11 : memref<!tpu.dma_semaphore, #tpu.memory_space<semaphore_mem>>) src(%dma_wait3A_291 : memref<10112x128xf32, #tpu.memory_space<hbm>>) dst(%arg7 : memref<128x128xf32, #tpu.memory_space<vmem>>)
      %run_scoped3A_292 = arith.constant 1 : i32
      "tpu.region"() ({
        %run_scoped3A_328 = tpu.sem_alloc : memref<!tpu.dma_semaphore, #tpu.memory_space<semaphore_mem>>
        %dma_start3A_329 = arith.constant 0 : i32
        %dma_start3A_330 = tpu.memref_slice %arg6[%run_scoped3A_292, %dma_start3A_329] : memref<4x128xi32, #tpu.memory_space<vmem>> -> memref<1x128xi32, #tpu.memory_space<vmem>>
        %dma_start3A_331 = tpu.memref_squeeze %dma_start3A_330 : memref<1x128xi32, #tpu.memory_space<vmem>> -> memref<128xi32, #tpu.memory_space<vmem>>
        %dma_start3A_332 = arith.constant 0 : i32
        %dma_start3A_333 = arith.constant 0 : i32
        %dma_start3A_334 = tpu.memref_slice %arg10[%dma_start3A_332, %dma_start3A_333] : memref<10112x128xf32, #tpu.memory_space<vmem_shared>> -> memref<10112x128xf32, #tpu.memory_space<vmem_shared>>
        tpu.enqueue_indirect_dma source(%arg7 : memref<128x128xf32, #tpu.memory_space<vmem>>) target(%dma_start3A_334 : memref<10112x128xf32, #tpu.memory_space<vmem_shared>>) offsets(%dma_start3A_331 : memref<128xi32, #tpu.memory_space<vmem>>) semaphore(%run_scoped3A_328 : memref<!tpu.dma_semaphore, #tpu.memory_space<semaphore_mem>>) {add = true}
        %dma_wait3A_335 = arith.constant 0 : i32
        %dma_wait3A_336 = tpu.memref_slice %arg6[%run_scoped3A_292, %dma_wait3A_335] : memref<4x128xi32, #tpu.memory_space<vmem>> -> memref<1x128xi32, #tpu.memory_space<vmem>>
        %dma_wait3A_337 = tpu.memref_squeeze %dma_wait3A_336 : memref<1x128xi32, #tpu.memory_space<vmem>> -> memref<128xi32, #tpu.memory_space<vmem>>
        %dma_wait3A_338 = arith.constant 0 : i32
        %dma_wait3A_339 = arith.constant 0 : i32
        %dma_wait3A_340 = tpu.memref_slice %arg10[%dma_wait3A_338, %dma_wait3A_339] : memref<10112x128xf32, #tpu.memory_space<vmem_shared>> -> memref<10112x128xf32, #tpu.memory_space<vmem_shared>>
        tpu.wait_indirect_dma semaphore(%run_scoped3A_328 : memref<!tpu.dma_semaphore, #tpu.memory_space<semaphore_mem>>) src(%arg7 : memref<128x128xf32, #tpu.memory_space<vmem>>) dst(%dma_wait3A_340 : memref<10112x128xf32, #tpu.memory_space<vmem_shared>>)
        tpu.yield
      }) : () -> ()
      %add3A_293 = arith.constant 1 : i32
      %add3A_294 = arith.addi %add3A_277, %add3A_293 : i32
      %dma_wait3A_295 = arith.constant 0 : i32
      %dma_wait3A_296 = arith.constant 0 : i32
      %dma_wait3A_297 = tpu.memref_slice %arg3[%add3A, %add3A_294, %dma_wait3A_295, %dma_wait3A_296] : memref<32x40x4x128xi32, #tpu.memory_space<hbm>> -> memref<1x1x4x128xi32, #tpu.memory_space<hbm>>
      %dma_wait3A_298 = tpu.memref_squeeze %dma_wait3A_297 : memref<1x1x4x128xi32, #tpu.memory_space<hbm>> -> memref<4x128xi32, #tpu.memory_space<hbm>>
      %dma_wait3A_299 = arith.constant 0 : i32
      %dma_wait3A_300 = arith.constant 0 : i32
      %dma_wait3A_301 = tpu.memref_slice %arg3[%add3A, %add3A_294, %dma_wait3A_299, %dma_wait3A_300] : memref<32x40x4x128xi32, #tpu.memory_space<hbm>> -> memref<1x1x4x128xi32, #tpu.memory_space<hbm>>
      %dma_wait3A_302 = tpu.memref_squeeze %dma_wait3A_301 : memref<1x1x4x128xi32, #tpu.memory_space<hbm>> -> memref<4x128xi32, #tpu.memory_space<hbm>>
      tpu.wait_dma2 semaphore(%arg13 : memref<!tpu.dma_semaphore, #tpu.memory_space<semaphore_mem>>) src(%dma_wait3A_302 : memref<4x128xi32, #tpu.memory_space<hbm>>) dst(%arg5 : memref<4x128xi32, #tpu.memory_space<vmem>>)
      %dma_start3A_303 = arith.constant 0 : i32
      %dma_start3A_304 = arith.constant 0 : i32
      %dma_start3A_305 = tpu.memref_slice %arg5[%dma_start3A_303, %dma_start3A_304] : memref<4x128xi32, #tpu.memory_space<vmem>> -> memref<1x128xi32, #tpu.memory_space<vmem>>
      %dma_start3A_306 = tpu.memref_squeeze %dma_start3A_305 : memref<1x128xi32, #tpu.memory_space<vmem>> -> memref<128xi32, #tpu.memory_space<vmem>>
      %dma_start3A_307 = arith.constant 0 : i32
      %dma_start3A_308 = arith.constant 0 : i32
      %dma_start3A_309 = tpu.memref_slice %arg2[%dma_start3A_307, %dma_start3A_308] : memref<10112x128xf32, #tpu.memory_space<hbm>> -> memref<10112x128xf32, #tpu.memory_space<hbm>>
      tpu.enqueue_indirect_dma source(%dma_start3A_309 : memref<10112x128xf32, #tpu.memory_space<hbm>>) target(%arg7 : memref<128x128xf32, #tpu.memory_space<vmem>>) offsets(%dma_start3A_306 : memref<128xi32, #tpu.memory_space<vmem>>) semaphore(%arg11 : memref<!tpu.dma_semaphore, #tpu.memory_space<semaphore_mem>>)
      %dma_wait3A_310 = arith.constant 2 : i32
      %dma_wait3A_311 = arith.constant 0 : i32
      %dma_wait3A_312 = tpu.memref_slice %arg6[%dma_wait3A_310, %dma_wait3A_311] : memref<4x128xi32, #tpu.memory_space<vmem>> -> memref<1x128xi32, #tpu.memory_space<vmem>>
      %dma_wait3A_313 = tpu.memref_squeeze %dma_wait3A_312 : memref<1x128xi32, #tpu.memory_space<vmem>> -> memref<128xi32, #tpu.memory_space<vmem>>
      %dma_wait3A_314 = arith.constant 0 : i32
      %dma_wait3A_315 = arith.constant 0 : i32
      %dma_wait3A_316 = tpu.memref_slice %arg2[%dma_wait3A_314, %dma_wait3A_315] : memref<10112x128xf32, #tpu.memory_space<hbm>> -> memref<10112x128xf32, #tpu.memory_space<hbm>>
      tpu.wait_indirect_dma semaphore(%arg12 : memref<!tpu.dma_semaphore, #tpu.memory_space<semaphore_mem>>) src(%dma_wait3A_316 : memref<10112x128xf32, #tpu.memory_space<hbm>>) dst(%arg8 : memref<128x128xf32, #tpu.memory_space<vmem>>)
      %run_scoped3A_317 = arith.constant 3 : i32
      "tpu.region"() ({
        %run_scoped3A_328 = tpu.sem_alloc : memref<!tpu.dma_semaphore, #tpu.memory_space<semaphore_mem>>
        %dma_start3A_329 = arith.constant 0 : i32
        %dma_start3A_330 = tpu.memref_slice %arg6[%run_scoped3A_317, %dma_start3A_329] : memref<4x128xi32, #tpu.memory_space<vmem>> -> memref<1x128xi32, #tpu.memory_space<vmem>>
        %dma_start3A_331 = tpu.memref_squeeze %dma_start3A_330 : memref<1x128xi32, #tpu.memory_space<vmem>> -> memref<128xi32, #tpu.memory_space<vmem>>
        %dma_start3A_332 = arith.constant 0 : i32
        %dma_start3A_333 = arith.constant 0 : i32
        %dma_start3A_334 = tpu.memref_slice %arg10[%dma_start3A_332, %dma_start3A_333] : memref<10112x128xf32, #tpu.memory_space<vmem_shared>> -> memref<10112x128xf32, #tpu.memory_space<vmem_shared>>
        tpu.enqueue_indirect_dma source(%arg8 : memref<128x128xf32, #tpu.memory_space<vmem>>) target(%dma_start3A_334 : memref<10112x128xf32, #tpu.memory_space<vmem_shared>>) offsets(%dma_start3A_331 : memref<128xi32, #tpu.memory_space<vmem>>) semaphore(%run_scoped3A_328 : memref<!tpu.dma_semaphore, #tpu.memory_space<semaphore_mem>>) {add = true}
        %dma_wait3A_335 = arith.constant 0 : i32
        %dma_wait3A_336 = tpu.memref_slice %arg6[%run_scoped3A_317, %dma_wait3A_335] : memref<4x128xi32, #tpu.memory_space<vmem>> -> memref<1x128xi32, #tpu.memory_space<vmem>>
        %dma_wait3A_337 = tpu.memref_squeeze %dma_wait3A_336 : memref<1x128xi32, #tpu.memory_space<vmem>> -> memref<128xi32, #tpu.memory_space<vmem>>
        %dma_wait3A_338 = arith.constant 0 : i32
        %dma_wait3A_339 = arith.constant 0 : i32
        %dma_wait3A_340 = tpu.memref_slice %arg10[%dma_wait3A_338, %dma_wait3A_339] : memref<10112x128xf32, #tpu.memory_space<vmem_shared>> -> memref<10112x128xf32, #tpu.memory_space<vmem_shared>>
        tpu.wait_indirect_dma semaphore(%run_scoped3A_328 : memref<!tpu.dma_semaphore, #tpu.memory_space<semaphore_mem>>) src(%arg8 : memref<128x128xf32, #tpu.memory_space<vmem>>) dst(%dma_wait3A_340 : memref<10112x128xf32, #tpu.memory_space<vmem_shared>>)
        tpu.yield
      }) : () -> ()
      %add3A_318 = arith.constant 2 : i32
      %add3A_319 = arith.addi %add3A_277, %add3A_318 : i32
      %dma_start3A_320 = arith.constant 0 : i32
      %dma_start3A_321 = arith.constant 0 : i32
      %dma_start3A_322 = tpu.memref_slice %arg3[%add3A, %add3A_319, %dma_start3A_320, %dma_start3A_321] : memref<32x40x4x128xi32, #tpu.memory_space<hbm>> -> memref<1x1x4x128xi32, #tpu.memory_space<hbm>>
      %dma_start3A_323 = tpu.memref_squeeze %dma_start3A_322 : memref<1x1x4x128xi32, #tpu.memory_space<hbm>> -> memref<4x128xi32, #tpu.memory_space<hbm>>
      %dma_start3A_324 = arith.constant 0 : i32
      %dma_start3A_325 = arith.constant 0 : i32
      %dma_start3A_326 = tpu.memref_slice %arg3[%add3A, %add3A_319, %dma_start3A_324, %dma_start3A_325] : memref<32x40x4x128xi32, #tpu.memory_space<hbm>> -> memref<1x1x4x128xi32, #tpu.memory_space<hbm>>
      %dma_start3A_327 = tpu.memref_squeeze %dma_start3A_326 : memref<1x1x4x128xi32, #tpu.memory_space<hbm>> -> memref<4x128xi32, #tpu.memory_space<hbm>>
      tpu.enqueue_dma source(%dma_start3A_327 : memref<4x128xi32, #tpu.memory_space<hbm>>) target(%arg6 : memref<4x128xi32, #tpu.memory_space<vmem>>) target_semaphore(%arg14 : memref<!tpu.dma_semaphore, #tpu.memory_space<semaphore_mem>>)
    }
    %scan3A_156 = arith.constant 19 : i32
    %dma_start3A_157 = arith.constant 2 : i32
    %dma_start3A_158 = arith.constant 0 : i32
    %dma_start3A_159 = tpu.memref_slice %arg5[%dma_start3A_157, %dma_start3A_158] : memref<4x128xi32, #tpu.memory_space<vmem>> -> memref<1x128xi32, #tpu.memory_space<vmem>>
    %dma_start3A_160 = tpu.memref_squeeze %dma_start3A_159 : memref<1x128xi32, #tpu.memory_space<vmem>> -> memref<128xi32, #tpu.memory_space<vmem>>
    %dma_start3A_161 = arith.constant 0 : i32
    %dma_start3A_162 = arith.constant 0 : i32
    %dma_start3A_163 = tpu.memref_slice %arg2[%dma_start3A_161, %dma_start3A_162] : memref<10112x128xf32, #tpu.memory_space<hbm>> -> memref<10112x128xf32, #tpu.memory_space<hbm>>
    tpu.enqueue_indirect_dma source(%dma_start3A_163 : memref<10112x128xf32, #tpu.memory_space<hbm>>) target(%arg8 : memref<128x128xf32, #tpu.memory_space<vmem>>) offsets(%dma_start3A_160 : memref<128xi32, #tpu.memory_space<vmem>>) semaphore(%arg12 : memref<!tpu.dma_semaphore, #tpu.memory_space<semaphore_mem>>)
    %dma_wait3A_164 = arith.constant 0 : i32
    %dma_wait3A_165 = arith.constant 0 : i32
    %dma_wait3A_166 = tpu.memref_slice %arg5[%dma_wait3A_164, %dma_wait3A_165] : memref<4x128xi32, #tpu.memory_space<vmem>> -> memref<1x128xi32, #tpu.memory_space<vmem>>
    %dma_wait3A_167 = tpu.memref_squeeze %dma_wait3A_166 : memref<1x128xi32, #tpu.memory_space<vmem>> -> memref<128xi32, #tpu.memory_space<vmem>>
    %dma_wait3A_168 = arith.constant 0 : i32
    %dma_wait3A_169 = arith.constant 0 : i32
    %dma_wait3A_170 = tpu.memref_slice %arg2[%dma_wait3A_168, %dma_wait3A_169] : memref<10112x128xf32, #tpu.memory_space<hbm>> -> memref<10112x128xf32, #tpu.memory_space<hbm>>
    tpu.wait_indirect_dma semaphore(%arg11 : memref<!tpu.dma_semaphore, #tpu.memory_space<semaphore_mem>>) src(%dma_wait3A_170 : memref<10112x128xf32, #tpu.memory_space<hbm>>) dst(%arg7 : memref<128x128xf32, #tpu.memory_space<vmem>>)
    %run_scoped3A = arith.constant 1 : i32
    "tpu.region"() ({
      %run_scoped3A_219 = tpu.sem_alloc : memref<!tpu.dma_semaphore, #tpu.memory_space<semaphore_mem>>
      %dma_start3A_220 = arith.constant 0 : i32
      %dma_start3A_221 = tpu.memref_slice %arg5[%run_scoped3A, %dma_start3A_220] : memref<4x128xi32, #tpu.memory_space<vmem>> -> memref<1x128xi32, #tpu.memory_space<vmem>>
      %dma_start3A_222 = tpu.memref_squeeze %dma_start3A_221 : memref<1x128xi32, #tpu.memory_space<vmem>> -> memref<128xi32, #tpu.memory_space<vmem>>
      %dma_start3A_223 = arith.constant 0 : i32
      %dma_start3A_224 = arith.constant 0 : i32
      %dma_start3A_225 = tpu.memref_slice %arg10[%dma_start3A_223, %dma_start3A_224] : memref<10112x128xf32, #tpu.memory_space<vmem_shared>> -> memref<10112x128xf32, #tpu.memory_space<vmem_shared>>
      tpu.enqueue_indirect_dma source(%arg7 : memref<128x128xf32, #tpu.memory_space<vmem>>) target(%dma_start3A_225 : memref<10112x128xf32, #tpu.memory_space<vmem_shared>>) offsets(%dma_start3A_222 : memref<128xi32, #tpu.memory_space<vmem>>) semaphore(%run_scoped3A_219 : memref<!tpu.dma_semaphore, #tpu.memory_space<semaphore_mem>>) {add = true}
      %dma_wait3A_226 = arith.constant 0 : i32
      %dma_wait3A_227 = tpu.memref_slice %arg5[%run_scoped3A, %dma_wait3A_226] : memref<4x128xi32, #tpu.memory_space<vmem>> -> memref<1x128xi32, #tpu.memory_space<vmem>>
      %dma_wait3A_228 = tpu.memref_squeeze %dma_wait3A_227 : memref<1x128xi32, #tpu.memory_space<vmem>> -> memref<128xi32, #tpu.memory_space<vmem>>
      %dma_wait3A_229 = arith.constant 0 : i32
      %dma_wait3A_230 = arith.constant 0 : i32
      %dma_wait3A_231 = tpu.memref_slice %arg10[%dma_wait3A_229, %dma_wait3A_230] : memref<10112x128xf32, #tpu.memory_space<vmem_shared>> -> memref<10112x128xf32, #tpu.memory_space<vmem_shared>>
      tpu.wait_indirect_dma semaphore(%run_scoped3A_219 : memref<!tpu.dma_semaphore, #tpu.memory_space<semaphore_mem>>) src(%arg7 : memref<128x128xf32, #tpu.memory_space<vmem>>) dst(%dma_wait3A_231 : memref<10112x128xf32, #tpu.memory_space<vmem_shared>>)
      tpu.yield
    }) : () -> ()
    %dma_wait3A_171 = arith.constant 39 : i32
    %dma_wait3A_172 = arith.constant 0 : i32
    %dma_wait3A_173 = arith.constant 0 : i32
    %dma_wait3A_174 = tpu.memref_slice %arg3[%add3A, %dma_wait3A_171, %dma_wait3A_172, %dma_wait3A_173] : memref<32x40x4x128xi32, #tpu.memory_space<hbm>> -> memref<1x1x4x128xi32, #tpu.memory_space<hbm>>
    %dma_wait3A_175 = tpu.memref_squeeze %dma_wait3A_174 : memref<1x1x4x128xi32, #tpu.memory_space<hbm>> -> memref<4x128xi32, #tpu.memory_space<hbm>>
    %dma_wait3A_176 = arith.constant 0 : i32
    %dma_wait3A_177 = arith.constant 0 : i32
    %dma_wait3A_178 = tpu.memref_slice %arg3[%add3A, %dma_wait3A_171, %dma_wait3A_176, %dma_wait3A_177] : memref<32x40x4x128xi32, #tpu.memory_space<hbm>> -> memref<1x1x4x128xi32, #tpu.memory_space<hbm>>
    %dma_wait3A_179 = tpu.memref_squeeze %dma_wait3A_178 : memref<1x1x4x128xi32, #tpu.memory_space<hbm>> -> memref<4x128xi32, #tpu.memory_space<hbm>>
    tpu.wait_dma2 semaphore(%arg14 : memref<!tpu.dma_semaphore, #tpu.memory_space<semaphore_mem>>) src(%dma_wait3A_179 : memref<4x128xi32, #tpu.memory_space<hbm>>) dst(%arg6 : memref<4x128xi32, #tpu.memory_space<vmem>>)
    %dma_start3A_180 = arith.constant 0 : i32
    %dma_start3A_181 = arith.constant 0 : i32
    %dma_start3A_182 = tpu.memref_slice %arg6[%dma_start3A_180, %dma_start3A_181] : memref<4x128xi32, #tpu.memory_space<vmem>> -> memref<1x128xi32, #tpu.memory_space<vmem>>
    %dma_start3A_183 = tpu.memref_squeeze %dma_start3A_182 : memref<1x128xi32, #tpu.memory_space<vmem>> -> memref<128xi32, #tpu.memory_space<vmem>>
    %dma_start3A_184 = arith.constant 0 : i32
    %dma_start3A_185 = arith.constant 0 : i32
    %dma_start3A_186 = tpu.memref_slice %arg2[%dma_start3A_184, %dma_start3A_185] : memref<10112x128xf32, #tpu.memory_space<hbm>> -> memref<10112x128xf32, #tpu.memory_space<hbm>>
    tpu.enqueue_indirect_dma source(%dma_start3A_186 : memref<10112x128xf32, #tpu.memory_space<hbm>>) target(%arg7 : memref<128x128xf32, #tpu.memory_space<vmem>>) offsets(%dma_start3A_183 : memref<128xi32, #tpu.memory_space<vmem>>) semaphore(%arg11 : memref<!tpu.dma_semaphore, #tpu.memory_space<semaphore_mem>>)
    %dma_wait3A_187 = arith.constant 2 : i32
    %dma_wait3A_188 = arith.constant 0 : i32
    %dma_wait3A_189 = tpu.memref_slice %arg5[%dma_wait3A_187, %dma_wait3A_188] : memref<4x128xi32, #tpu.memory_space<vmem>> -> memref<1x128xi32, #tpu.memory_space<vmem>>
    %dma_wait3A_190 = tpu.memref_squeeze %dma_wait3A_189 : memref<1x128xi32, #tpu.memory_space<vmem>> -> memref<128xi32, #tpu.memory_space<vmem>>
    %dma_wait3A_191 = arith.constant 0 : i32
    %dma_wait3A_192 = arith.constant 0 : i32
    %dma_wait3A_193 = tpu.memref_slice %arg2[%dma_wait3A_191, %dma_wait3A_192] : memref<10112x128xf32, #tpu.memory_space<hbm>> -> memref<10112x128xf32, #tpu.memory_space<hbm>>
    tpu.wait_indirect_dma semaphore(%arg12 : memref<!tpu.dma_semaphore, #tpu.memory_space<semaphore_mem>>) src(%dma_wait3A_193 : memref<10112x128xf32, #tpu.memory_space<hbm>>) dst(%arg8 : memref<128x128xf32, #tpu.memory_space<vmem>>)
    %run_scoped3A_194 = arith.constant 3 : i32
    "tpu.region"() ({
      %run_scoped3A_219 = tpu.sem_alloc : memref<!tpu.dma_semaphore, #tpu.memory_space<semaphore_mem>>
      %dma_start3A_220 = arith.constant 0 : i32
      %dma_start3A_221 = tpu.memref_slice %arg5[%run_scoped3A_194, %dma_start3A_220] : memref<4x128xi32, #tpu.memory_space<vmem>> -> memref<1x128xi32, #tpu.memory_space<vmem>>
      %dma_start3A_222 = tpu.memref_squeeze %dma_start3A_221 : memref<1x128xi32, #tpu.memory_space<vmem>> -> memref<128xi32, #tpu.memory_space<vmem>>
      %dma_start3A_223 = arith.constant 0 : i32
      %dma_start3A_224 = arith.constant 0 : i32
      %dma_start3A_225 = tpu.memref_slice %arg10[%dma_start3A_223, %dma_start3A_224] : memref<10112x128xf32, #tpu.memory_space<vmem_shared>> -> memref<10112x128xf32, #tpu.memory_space<vmem_shared>>
      tpu.enqueue_indirect_dma source(%arg8 : memref<128x128xf32, #tpu.memory_space<vmem>>) target(%dma_start3A_225 : memref<10112x128xf32, #tpu.memory_space<vmem_shared>>) offsets(%dma_start3A_222 : memref<128xi32, #tpu.memory_space<vmem>>) semaphore(%run_scoped3A_219 : memref<!tpu.dma_semaphore, #tpu.memory_space<semaphore_mem>>) {add = true}
      %dma_wait3A_226 = arith.constant 0 : i32
      %dma_wait3A_227 = tpu.memref_slice %arg5[%run_scoped3A_194, %dma_wait3A_226] : memref<4x128xi32, #tpu.memory_space<vmem>> -> memref<1x128xi32, #tpu.memory_space<vmem>>
      %dma_wait3A_228 = tpu.memref_squeeze %dma_wait3A_227 : memref<1x128xi32, #tpu.memory_space<vmem>> -> memref<128xi32, #tpu.memory_space<vmem>>
      %dma_wait3A_229 = arith.constant 0 : i32
      %dma_wait3A_230 = arith.constant 0 : i32
      %dma_wait3A_231 = tpu.memref_slice %arg10[%dma_wait3A_229, %dma_wait3A_230] : memref<10112x128xf32, #tpu.memory_space<vmem_shared>> -> memref<10112x128xf32, #tpu.memory_space<vmem_shared>>
      tpu.wait_indirect_dma semaphore(%run_scoped3A_219 : memref<!tpu.dma_semaphore, #tpu.memory_space<semaphore_mem>>) src(%arg8 : memref<128x128xf32, #tpu.memory_space<vmem>>) dst(%dma_wait3A_231 : memref<10112x128xf32, #tpu.memory_space<vmem_shared>>)
      tpu.yield
    }) : () -> ()
    %dma_start3A_195 = arith.constant 2 : i32
    %dma_start3A_196 = arith.constant 0 : i32
    %dma_start3A_197 = tpu.memref_slice %arg6[%dma_start3A_195, %dma_start3A_196] : memref<4x128xi32, #tpu.memory_space<vmem>> -> memref<1x128xi32, #tpu.memory_space<vmem>>
    %dma_start3A_198 = tpu.memref_squeeze %dma_start3A_197 : memref<1x128xi32, #tpu.memory_space<vmem>> -> memref<128xi32, #tpu.memory_space<vmem>>
    %dma_start3A_199 = arith.constant 0 : i32
    %dma_start3A_200 = arith.constant 0 : i32
    %dma_start3A_201 = tpu.memref_slice %arg2[%dma_start3A_199, %dma_start3A_200] : memref<10112x128xf32, #tpu.memory_space<hbm>> -> memref<10112x128xf32, #tpu.memory_space<hbm>>
    tpu.enqueue_indirect_dma source(%dma_start3A_201 : memref<10112x128xf32, #tpu.memory_space<hbm>>) target(%arg8 : memref<128x128xf32, #tpu.memory_space<vmem>>) offsets(%dma_start3A_198 : memref<128xi32, #tpu.memory_space<vmem>>) semaphore(%arg12 : memref<!tpu.dma_semaphore, #tpu.memory_space<semaphore_mem>>)
    %dma_wait3A_202 = arith.constant 0 : i32
    %dma_wait3A_203 = arith.constant 0 : i32
    %dma_wait3A_204 = tpu.memref_slice %arg6[%dma_wait3A_202, %dma_wait3A_203] : memref<4x128xi32, #tpu.memory_space<vmem>> -> memref<1x128xi32, #tpu.memory_space<vmem>>
    %dma_wait3A_205 = tpu.memref_squeeze %dma_wait3A_204 : memref<1x128xi32, #tpu.memory_space<vmem>> -> memref<128xi32, #tpu.memory_space<vmem>>
    %dma_wait3A_206 = arith.constant 0 : i32
    %dma_wait3A_207 = arith.constant 0 : i32
    %dma_wait3A_208 = tpu.memref_slice %arg2[%dma_wait3A_206, %dma_wait3A_207] : memref<10112x128xf32, #tpu.memory_space<hbm>> -> memref<10112x128xf32, #tpu.memory_space<hbm>>
    tpu.wait_indirect_dma semaphore(%arg11 : memref<!tpu.dma_semaphore, #tpu.memory_space<semaphore_mem>>) src(%dma_wait3A_208 : memref<10112x128xf32, #tpu.memory_space<hbm>>) dst(%arg7 : memref<128x128xf32, #tpu.memory_space<vmem>>)
    %run_scoped3A_209 = arith.constant 1 : i32
    "tpu.region"() ({
      %run_scoped3A_219 = tpu.sem_alloc : memref<!tpu.dma_semaphore, #tpu.memory_space<semaphore_mem>>
      %dma_start3A_220 = arith.constant 0 : i32
      %dma_start3A_221 = tpu.memref_slice %arg6[%run_scoped3A_209, %dma_start3A_220] : memref<4x128xi32, #tpu.memory_space<vmem>> -> memref<1x128xi32, #tpu.memory_space<vmem>>
      %dma_start3A_222 = tpu.memref_squeeze %dma_start3A_221 : memref<1x128xi32, #tpu.memory_space<vmem>> -> memref<128xi32, #tpu.memory_space<vmem>>
      %dma_start3A_223 = arith.constant 0 : i32
      %dma_start3A_224 = arith.constant 0 : i32
      %dma_start3A_225 = tpu.memref_slice %arg10[%dma_start3A_223, %dma_start3A_224] : memref<10112x128xf32, #tpu.memory_space<vmem_shared>> -> memref<10112x128xf32, #tpu.memory_space<vmem_shared>>
      tpu.enqueue_indirect_dma source(%arg7 : memref<128x128xf32, #tpu.memory_space<vmem>>) target(%dma_start3A_225 : memref<10112x128xf32, #tpu.memory_space<vmem_shared>>) offsets(%dma_start3A_222 : memref<128xi32, #tpu.memory_space<vmem>>) semaphore(%run_scoped3A_219 : memref<!tpu.dma_semaphore, #tpu.memory_space<semaphore_mem>>) {add = true}
      %dma_wait3A_226 = arith.constant 0 : i32
      %dma_wait3A_227 = tpu.memref_slice %arg6[%run_scoped3A_209, %dma_wait3A_226] : memref<4x128xi32, #tpu.memory_space<vmem>> -> memref<1x128xi32, #tpu.memory_space<vmem>>
      %dma_wait3A_228 = tpu.memref_squeeze %dma_wait3A_227 : memref<1x128xi32, #tpu.memory_space<vmem>> -> memref<128xi32, #tpu.memory_space<vmem>>
      %dma_wait3A_229 = arith.constant 0 : i32
      %dma_wait3A_230 = arith.constant 0 : i32
      %dma_wait3A_231 = tpu.memref_slice %arg10[%dma_wait3A_229, %dma_wait3A_230] : memref<10112x128xf32, #tpu.memory_space<vmem_shared>> -> memref<10112x128xf32, #tpu.memory_space<vmem_shared>>
      tpu.wait_indirect_dma semaphore(%run_scoped3A_219 : memref<!tpu.dma_semaphore, #tpu.memory_space<semaphore_mem>>) src(%arg7 : memref<128x128xf32, #tpu.memory_space<vmem>>) dst(%dma_wait3A_231 : memref<10112x128xf32, #tpu.memory_space<vmem_shared>>)
      tpu.yield
    }) : () -> ()
    %dma_wait3A_210 = arith.constant 2 : i32
    %dma_wait3A_211 = arith.constant 0 : i32
    %dma_wait3A_212 = tpu.memref_slice %arg6[%dma_wait3A_210, %dma_wait3A_211] : memref<4x128xi32, #tpu.memory_space<vmem>> -> memref<1x128xi32, #tpu.memory_space<vmem>>
    %dma_wait3A_213 = tpu.memref_squeeze %dma_wait3A_212 : memref<1x128xi32, #tpu.memory_space<vmem>> -> memref<128xi32, #tpu.memory_space<vmem>>
    %dma_wait3A_214 = arith.constant 0 : i32
    %dma_wait3A_215 = arith.constant 0 : i32
    %dma_wait3A_216 = tpu.memref_slice %arg2[%dma_wait3A_214, %dma_wait3A_215] : memref<10112x128xf32, #tpu.memory_space<hbm>> -> memref<10112x128xf32, #tpu.memory_space<hbm>>
    tpu.wait_indirect_dma semaphore(%arg12 : memref<!tpu.dma_semaphore, #tpu.memory_space<semaphore_mem>>) src(%dma_wait3A_216 : memref<10112x128xf32, #tpu.memory_space<hbm>>) dst(%arg8 : memref<128x128xf32, #tpu.memory_space<vmem>>)
    %run_scoped3A_217 = arith.constant 3 : i32
    "tpu.region"() ({
      %run_scoped3A_219 = tpu.sem_alloc : memref<!tpu.dma_semaphore, #tpu.memory_space<semaphore_mem>>
      %dma_start3A_220 = arith.constant 0 : i32
      %dma_start3A_221 = tpu.memref_slice %arg6[%run_scoped3A_217, %dma_start3A_220] : memref<4x128xi32, #tpu.memory_space<vmem>> -> memref<1x128xi32, #tpu.memory_space<vmem>>
      %dma_start3A_222 = tpu.memref_squeeze %dma_start3A_221 : memref<1x128xi32, #tpu.memory_space<vmem>> -> memref<128xi32, #tpu.memory_space<vmem>>
      %dma_start3A_223 = arith.constant 0 : i32
      %dma_start3A_224 = arith.constant 0 : i32
      %dma_start3A_225 = tpu.memref_slice %arg10[%dma_start3A_223, %dma_start3A_224] : memref<10112x128xf32, #tpu.memory_space<vmem_shared>> -> memref<10112x128xf32, #tpu.memory_space<vmem_shared>>
      tpu.enqueue_indirect_dma source(%arg8 : memref<128x128xf32, #tpu.memory_space<vmem>>) target(%dma_start3A_225 : memref<10112x128xf32, #tpu.memory_space<vmem_shared>>) offsets(%dma_start3A_222 : memref<128xi32, #tpu.memory_space<vmem>>) semaphore(%run_scoped3A_219 : memref<!tpu.dma_semaphore, #tpu.memory_space<semaphore_mem>>) {add = true}
      %dma_wait3A_226 = arith.constant 0 : i32
      %dma_wait3A_227 = tpu.memref_slice %arg6[%run_scoped3A_217, %dma_wait3A_226] : memref<4x128xi32, #tpu.memory_space<vmem>> -> memref<1x128xi32, #tpu.memory_space<vmem>>
      %dma_wait3A_228 = tpu.memref_squeeze %dma_wait3A_227 : memref<1x128xi32, #tpu.memory_space<vmem>> -> memref<128xi32, #tpu.memory_space<vmem>>
      %dma_wait3A_229 = arith.constant 0 : i32
      %dma_wait3A_230 = arith.constant 0 : i32
      %dma_wait3A_231 = tpu.memref_slice %arg10[%dma_wait3A_229, %dma_wait3A_230] : memref<10112x128xf32, #tpu.memory_space<vmem_shared>> -> memref<10112x128xf32, #tpu.memory_space<vmem_shared>>
      tpu.wait_indirect_dma semaphore(%run_scoped3A_219 : memref<!tpu.dma_semaphore, #tpu.memory_space<semaphore_mem>>) src(%arg8 : memref<128x128xf32, #tpu.memory_space<vmem>>) dst(%dma_wait3A_231 : memref<10112x128xf32, #tpu.memory_space<vmem_shared>>)
      tpu.yield
    }) : () -> ()
    %barrier3A_218 = arith.constant 0 : index
    tpu.barrier barrier_id(%barrier3A_218)
    "tpu.region"() ({
      %run_scoped3A_219 = tpu.sem_alloc : memref<!tpu.dma_semaphore, #tpu.memory_space<semaphore_mem>>
      %dma_start3A_220 = arith.constant 0 : i32
      %dma_start3A_221 = tpu.memref_slice %arg4[%arg0, %mul3A_7, %dma_start3A_220] : memref<2x10112x128xf32, #tpu.memory_space<hbm>> -> memref<1x632x128xf32, #tpu.memory_space<hbm>>
      %dma_start3A_222 = tpu.memref_squeeze %dma_start3A_221 : memref<1x632x128xf32, #tpu.memory_space<hbm>> -> memref<632x128xf32, #tpu.memory_space<hbm>>
      %dma_start3A_223 = arith.constant 0 : i32
      %dma_start3A_224 = tpu.memref_slice %arg10[%mul3A_7, %dma_start3A_223] : memref<10112x128xf32, #tpu.memory_space<vmem_shared>> -> memref<632x128xf32, #tpu.memory_space<vmem_shared>>
      tpu.enqueue_dma source(%dma_start3A_224 : memref<632x128xf32, #tpu.memory_space<vmem_shared>>) target(%dma_start3A_222 : memref<632x128xf32, #tpu.memory_space<hbm>>) target_semaphore(%run_scoped3A_219 : memref<!tpu.dma_semaphore, #tpu.memory_space<semaphore_mem>>)
      %dma_wait3A_225 = arith.constant 0 : i32
      %dma_wait3A_226 = tpu.memref_slice %arg4[%arg0, %mul3A_7, %dma_wait3A_225] : memref<2x10112x128xf32, #tpu.memory_space<hbm>> -> memref<1x632x128xf32, #tpu.memory_space<hbm>>
      %dma_wait3A_227 = tpu.memref_squeeze %dma_wait3A_226 : memref<1x632x128xf32, #tpu.memory_space<hbm>> -> memref<632x128xf32, #tpu.memory_space<hbm>>
      %dma_wait3A_228 = arith.constant 0 : i32
      %dma_wait3A_229 = tpu.memref_slice %arg10[%mul3A_7, %dma_wait3A_228] : memref<10112x128xf32, #tpu.memory_space<vmem_shared>> -> memref<632x128xf32, #tpu.memory_space<vmem_shared>>
      tpu.wait_dma2 semaphore(%run_scoped3A_219 : memref<!tpu.dma_semaphore, #tpu.memory_space<semaphore_mem>>) src(%dma_wait3A_229 : memref<632x128xf32, #tpu.memory_space<vmem_shared>>) dst(%dma_wait3A_227 : memref<632x128xf32, #tpu.memory_space<hbm>>)
      tpu.yield
    }) : () -> ()
    return
  }
}

module attributes {stable_mosaic.version = 14 : i64} {
  func.func @_tc_input_body(%arg0: memref<10000x128xf32, #tpu.memory_space<vmem>>, %arg1: memref<128x128xf32, #tpu.memory_space<vmem>>, %arg2: memref<1x128xf32, #tpu.memory_space<vmem>>, %arg3: memref<10112x128xf32, #tpu.memory_space<vmem>>) attributes {dimension_semantics = [], scalar_prefetch = 0 : i64, scratch_operands = 0 : i64, tpu.core_type = #tpu.core_type<tc>} {
    %get3A = arith.constant 0 : index
    %get3A_0 = arith.constant 0 : index
    %get3A_1 = vector.load %arg0[%get3A, %get3A_0] : memref<10000x128xf32, #tpu.memory_space<vmem>>, vector<10000x128xf32>
    %get3A_2 = arith.constant 0 : index
    %get3A_3 = arith.constant 0 : index
    %get3A_4 = vector.load %arg1[%get3A_2, %get3A_3] : memref<128x128xf32, #tpu.memory_space<vmem>>, vector<128x128xf32>
    %dot_general3A = arith.constant dense<0.000000e+00> : vector<10000x128xf32>
    %dot_general3A_5 = tpu.matmul %get3A_1, %get3A_4, %dot_general3A {dimension_numbers = #tpu.dot_dimension_numbers<[1], [0], [0], [1], [0, 0, 1, 1], [], []>, transpose_lhs_hint = false} : vector<10000x128xf32>, vector<128x128xf32>, vector<10000x128xf32> -> vector<10000x128xf32>
    %get3A_6 = arith.constant 0 : index
    %get3A_7 = arith.constant 0 : index
    %get3A_8 = vector.load %arg2[%get3A_6, %get3A_7] : memref<1x128xf32, #tpu.memory_space<vmem>>, vector<1x128xf32>
    %add3A = vector.broadcast %get3A_8 : vector<1x128xf32> to vector<10000x128xf32>
    %add3A_9 = arith.addf %dot_general3A_5, %add3A : vector<10000x128xf32>
    %max3A = arith.constant 0.000000e+00 : f32
    %max3A_10 = vector.broadcast %max3A : f32 to vector<10000x128xf32>
    %max3A_11 = arith.maximumf %add3A_9, %max3A_10 : vector<10000x128xf32>
    %swap3A = arith.constant 0 : index
    %swap3A_12 = arith.constant 0 : index
    %swap3A_13 = vector.load %arg3[%swap3A, %swap3A_12] : memref<10112x128xf32, #tpu.memory_space<vmem>>, vector<10000x128xf32>
    tpu.vector_store %arg3[%swap3A, %swap3A_12], %max3A_11 {strides = array<i32>} : memref<10112x128xf32, #tpu.memory_space<vmem>>, vector<10000x128xf32>,
    return
  }
}

module attributes {stable_mosaic.version = 14 : i64} {
  func.func @_tc_dense_body(%arg0: memref<10112x128xf32, #tpu.memory_space<vmem>>, %arg1: memref<2x10112x128xf32, #tpu.memory_space<vmem>>, %arg2: memref<1x1xf32, #tpu.memory_space<vmem>>, %arg3: memref<128x128xf32, #tpu.memory_space<vmem>>, %arg4: memref<1x128xf32, #tpu.memory_space<vmem>>, %arg5: memref<1x128xf32, #tpu.memory_space<vmem>>, %arg6: memref<1x128xf32, #tpu.memory_space<vmem>>, %arg7: memref<128x128xf32, #tpu.memory_space<vmem>>, %arg8: memref<1x128xf32, #tpu.memory_space<vmem>>, %arg9: memref<1x128xf32, #tpu.memory_space<vmem>>, %arg10: memref<1x128xf32, #tpu.memory_space<vmem>>, %arg11: memref<10112x128xf32, #tpu.memory_space<vmem>>) attributes {dimension_semantics = [], scalar_prefetch = 0 : i64, scratch_operands = 0 : i64, tpu.core_type = #tpu.core_type<tc>} {
    %get3A = arith.constant 0 : index
    %get3A_0 = arith.constant 0 : index
    %get3A_1 = vector.load %arg0[%get3A, %get3A_0] : memref<10112x128xf32, #tpu.memory_space<vmem>>, vector<10000x128xf32>
    %get3A_2 = arith.constant 0 : index
    %get3A_3 = arith.constant 0 : index
    %get3A_4 = arith.constant 0 : index
    %get3A_5 = vector.load %arg1[%get3A_2, %get3A_3, %get3A_4] : memref<2x10112x128xf32, #tpu.memory_space<vmem>>, vector<1x10000x128xf32>
    %get3A_6 = vector.shape_cast %get3A_5 : vector<1x10000x128xf32> to vector<10000x128xf32>
    %get3A_7 = arith.constant 1 : index
    %get3A_8 = arith.constant 0 : index
    %get3A_9 = arith.constant 0 : index
    %get3A_10 = vector.load %arg1[%get3A_7, %get3A_8, %get3A_9] : memref<2x10112x128xf32, #tpu.memory_space<vmem>>, vector<1x10000x128xf32>
    %get3A_11 = vector.shape_cast %get3A_10 : vector<1x10000x128xf32> to vector<10000x128xf32>
    %add3A = arith.addf %get3A_6, %get3A_11 : vector<10000x128xf32>
    %get3A_12 = arith.constant 0 : index
    %get3A_13 = arith.constant 0 : index
    %get3A_14 = vector.load %arg2[%get3A_12, %get3A_13] : memref<1x1xf32, #tpu.memory_space<vmem>>, vector<1x1xf32>
    %get3A_15 = vector.extract %get3A_14[0, 0] : f32 from vector<1x1xf32>
    %add3A_16 = arith.constant 1.000000e+00 : f32
    %add3A_17 = arith.addf %add3A_16, %get3A_15 : f32
    %mul3A = vector.broadcast %add3A_17 : f32 to vector<10000x128xf32>
    %mul3A_18 = arith.mulf %mul3A, %get3A_1 : vector<10000x128xf32>
    %add3A_19 = arith.addf %mul3A_18, %add3A : vector<10000x128xf32>
    %get3A_20 = arith.constant 0 : index
    %get3A_21 = arith.constant 0 : index
    %get3A_22 = vector.load %arg3[%get3A_20, %get3A_21] : memref<128x128xf32, #tpu.memory_space<vmem>>, vector<128x128xf32>
    %dot_general3A = arith.constant dense<0.000000e+00> : vector<10000x128xf32>
    %dot_general3A_23 = tpu.matmul %add3A_19, %get3A_22, %dot_general3A {dimension_numbers = #tpu.dot_dimension_numbers<[1], [0], [0], [1], [0, 0, 1, 1], [], []>, transpose_lhs_hint = false} : vector<10000x128xf32>, vector<128x128xf32>, vector<10000x128xf32> -> vector<10000x128xf32>
    %get3A_24 = arith.constant 0 : index
    %get3A_25 = arith.constant 0 : index
    %get3A_26 = vector.load %arg4[%get3A_24, %get3A_25] : memref<1x128xf32, #tpu.memory_space<vmem>>, vector<1x128xf32>
    %add3A_27 = vector.broadcast %get3A_26 : vector<1x128xf32> to vector<10000x128xf32>
    %add3A_28 = arith.addf %dot_general3A_23, %add3A_27 : vector<10000x128xf32>
    %get3A_29 = arith.constant 0 : index
    %get3A_30 = arith.constant 0 : index
    %get3A_31 = vector.load %arg5[%get3A_29, %get3A_30] : memref<1x128xf32, #tpu.memory_space<vmem>>, vector<1x128xf32>
    %get3A_32 = arith.constant 0 : index
    %get3A_33 = arith.constant 0 : index
    %get3A_34 = vector.load %arg6[%get3A_32, %get3A_33] : memref<1x128xf32, #tpu.memory_space<vmem>>, vector<1x128xf32>
    %reduce_sum3A = arith.constant dense<0.000000e+00> : vector<128xf32>
    %reduce_sum3A_35 = vector.multi_reduction <add>, %add3A_28, %reduce_sum3A [0] : vector<10000x128xf32> to vector<128xf32>
    %broadcast_in_dim3A = vector.shape_cast %reduce_sum3A_35 : vector<128xf32> to vector<1x128xf32>
    %mul3A_36 = arith.constant 9.99999974E-5 : f32
    %mul3A_37 = vector.broadcast %mul3A_36 : f32 to vector<1x128xf32>
    %mul3A_38 = arith.mulf %broadcast_in_dim3A, %mul3A_37 : vector<1x128xf32>
    %sub3A = vector.broadcast %mul3A_38 : vector<1x128xf32> to vector<10000x128xf32>
    %sub3A_39 = arith.subf %add3A_28, %sub3A : vector<10000x128xf32>
    %mul3A_40 = arith.mulf %sub3A_39, %sub3A_39 : vector<10000x128xf32>
    %reduce_sum3A_41 = arith.constant dense<0.000000e+00> : vector<128xf32>
    %reduce_sum3A_42 = vector.multi_reduction <add>, %mul3A_40, %reduce_sum3A_41 [0] : vector<10000x128xf32> to vector<128xf32>
    %broadcast_in_dim3A_43 = vector.shape_cast %reduce_sum3A_42 : vector<128xf32> to vector<1x128xf32>
    %mul3A_44 = arith.constant 9.99999974E-5 : f32
    %mul3A_45 = vector.broadcast %mul3A_44 : f32 to vector<1x128xf32>
    %mul3A_46 = arith.mulf %broadcast_in_dim3A_43, %mul3A_45 : vector<1x128xf32>
    %mul3A_47 = vector.broadcast %get3A_31 : vector<1x128xf32> to vector<10000x128xf32>
    %mul3A_48 = arith.mulf %mul3A_47, %sub3A_39 : vector<10000x128xf32>
    %add3A_49 = arith.constant 9.99999974E-6 : f32
    %add3A_50 = vector.broadcast %add3A_49 : f32 to vector<1x128xf32>
    %add3A_51 = arith.addf %mul3A_46, %add3A_50 : vector<1x128xf32>
    %rsqrt3A = math.rsqrt %add3A_51 : vector<1x128xf32>
    %mul3A_52 = vector.broadcast %rsqrt3A : vector<1x128xf32> to vector<10000x128xf32>
    %mul3A_53 = arith.mulf %mul3A_48, %mul3A_52 : vector<10000x128xf32>
    %add3A_54 = vector.broadcast %get3A_34 : vector<1x128xf32> to vector<10000x128xf32>
    %add3A_55 = arith.addf %mul3A_53, %add3A_54 : vector<10000x128xf32>
    %max3A = arith.constant 0.000000e+00 : f32
    %max3A_56 = vector.broadcast %max3A : f32 to vector<10000x128xf32>
    %max3A_57 = arith.maximumf %add3A_55, %max3A_56 : vector<10000x128xf32>
    %get3A_58 = arith.constant 0 : index
    %get3A_59 = arith.constant 0 : index
    %get3A_60 = vector.load %arg7[%get3A_58, %get3A_59] : memref<128x128xf32, #tpu.memory_space<vmem>>, vector<128x128xf32>
    %dot_general3A_61 = arith.constant dense<0.000000e+00> : vector<10000x128xf32>
    %dot_general3A_62 = tpu.matmul %max3A_57, %get3A_60, %dot_general3A_61 {dimension_numbers = #tpu.dot_dimension_numbers<[1], [0], [0], [1], [0, 0, 1, 1], [], []>, transpose_lhs_hint = false} : vector<10000x128xf32>, vector<128x128xf32>, vector<10000x128xf32> -> vector<10000x128xf32>
    %get3A_63 = arith.constant 0 : index
    %get3A_64 = arith.constant 0 : index
    %get3A_65 = vector.load %arg8[%get3A_63, %get3A_64] : memref<1x128xf32, #tpu.memory_space<vmem>>, vector<1x128xf32>
    %add3A_66 = vector.broadcast %get3A_65 : vector<1x128xf32> to vector<10000x128xf32>
    %add3A_67 = arith.addf %dot_general3A_62, %add3A_66 : vector<10000x128xf32>
    %get3A_68 = arith.constant 0 : index
    %get3A_69 = arith.constant 0 : index
    %get3A_70 = vector.load %arg9[%get3A_68, %get3A_69] : memref<1x128xf32, #tpu.memory_space<vmem>>, vector<1x128xf32>
    %get3A_71 = arith.constant 0 : index
    %get3A_72 = arith.constant 0 : index
    %get3A_73 = vector.load %arg10[%get3A_71, %get3A_72] : memref<1x128xf32, #tpu.memory_space<vmem>>, vector<1x128xf32>
    %reduce_sum3A_74 = arith.constant dense<0.000000e+00> : vector<128xf32>
    %reduce_sum3A_75 = vector.multi_reduction <add>, %add3A_67, %reduce_sum3A_74 [0] : vector<10000x128xf32> to vector<128xf32>
    %broadcast_in_dim3A_76 = vector.shape_cast %reduce_sum3A_75 : vector<128xf32> to vector<1x128xf32>
    %mul3A_77 = arith.constant 9.99999974E-5 : f32
    %mul3A_78 = vector.broadcast %mul3A_77 : f32 to vector<1x128xf32>
    %mul3A_79 = arith.mulf %broadcast_in_dim3A_76, %mul3A_78 : vector<1x128xf32>
    %sub3A_80 = vector.broadcast %mul3A_79 : vector<1x128xf32> to vector<10000x128xf32>
    %sub3A_81 = arith.subf %add3A_67, %sub3A_80 : vector<10000x128xf32>
    %mul3A_82 = arith.mulf %sub3A_81, %sub3A_81 : vector<10000x128xf32>
    %reduce_sum3A_83 = arith.constant dense<0.000000e+00> : vector<128xf32>
    %reduce_sum3A_84 = vector.multi_reduction <add>, %mul3A_82, %reduce_sum3A_83 [0] : vector<10000x128xf32> to vector<128xf32>
    %broadcast_in_dim3A_85 = vector.shape_cast %reduce_sum3A_84 : vector<128xf32> to vector<1x128xf32>
    %mul3A_86 = arith.constant 9.99999974E-5 : f32
    %mul3A_87 = vector.broadcast %mul3A_86 : f32 to vector<1x128xf32>
    %mul3A_88 = arith.mulf %broadcast_in_dim3A_85, %mul3A_87 : vector<1x128xf32>
    %mul3A_89 = vector.broadcast %get3A_70 : vector<1x128xf32> to vector<10000x128xf32>
    %mul3A_90 = arith.mulf %mul3A_89, %sub3A_81 : vector<10000x128xf32>
    %add3A_91 = arith.constant 9.99999974E-6 : f32
    %add3A_92 = vector.broadcast %add3A_91 : f32 to vector<1x128xf32>
    %add3A_93 = arith.addf %mul3A_88, %add3A_92 : vector<1x128xf32>
    %rsqrt3A_94 = math.rsqrt %add3A_93 : vector<1x128xf32>
    %mul3A_95 = vector.broadcast %rsqrt3A_94 : vector<1x128xf32> to vector<10000x128xf32>
    %mul3A_96 = arith.mulf %mul3A_90, %mul3A_95 : vector<10000x128xf32>
    %add3A_97 = vector.broadcast %get3A_73 : vector<1x128xf32> to vector<10000x128xf32>
    %add3A_98 = arith.addf %mul3A_96, %add3A_97 : vector<10000x128xf32>
    %max3A_99 = arith.constant 0.000000e+00 : f32
    %max3A_100 = vector.broadcast %max3A_99 : f32 to vector<10000x128xf32>
    %max3A_101 = arith.maximumf %add3A_98, %max3A_100 : vector<10000x128xf32>
    %add3A_102 = arith.addf %max3A_101, %get3A_1 : vector<10000x128xf32>
    %swap3A = arith.constant 0 : index
    %swap3A_103 = arith.constant 0 : index
    %swap3A_104 = vector.load %arg11[%swap3A, %swap3A_103] : memref<10112x128xf32, #tpu.memory_space<vmem>>, vector<10000x128xf32>
    tpu.vector_store %arg11[%swap3A, %swap3A_103], %add3A_102 {strides = array<i32>} : memref<10112x128xf32, #tpu.memory_space<vmem>>, vector<10000x128xf32>,
    return
  }
}

module attributes {stable_mosaic.version = 14 : i64} {
  func.func @_tc_last_body(%arg0: memref<10112x128xf32, #tpu.memory_space<vmem>>, %arg1: memref<2x10112x128xf32, #tpu.memory_space<vmem>>, %arg2: memref<1x1xf32, #tpu.memory_space<vmem>>, %arg3: memref<128x128xf32, #tpu.memory_space<vmem>>, %arg4: memref<1x128xf32, #tpu.memory_space<vmem>>, %arg5: memref<1x128xf32, #tpu.memory_space<vmem>>, %arg6: memref<1x128xf32, #tpu.memory_space<vmem>>, %arg7: memref<128x128xf32, #tpu.memory_space<vmem>>, %arg8: memref<1x128xf32, #tpu.memory_space<vmem>>, %arg9: memref<1x128xf32, #tpu.memory_space<vmem>>, %arg10: memref<1x128xf32, #tpu.memory_space<vmem>>, %arg11: memref<10000x1xi32, #tpu.memory_space<vmem>>, %arg12: memref<128x128xf32, #tpu.memory_space<vmem>>, %arg13: memref<1x128xf32, #tpu.memory_space<vmem>>, %arg14: memref<128x128xf32, #tpu.memory_space<vmem>>) attributes {dimension_semantics = [], scalar_prefetch = 0 : i64, scratch_operands = 0 : i64, tpu.core_type = #tpu.core_type<tc>} {
    %get3A = arith.constant 0 : index
    %get3A_0 = arith.constant 0 : index
    %get3A_1 = vector.load %arg0[%get3A, %get3A_0] : memref<10112x128xf32, #tpu.memory_space<vmem>>, vector<10000x128xf32>
    %get3A_2 = arith.constant 0 : index
    %get3A_3 = arith.constant 0 : index
    %get3A_4 = arith.constant 0 : index
    %get3A_5 = vector.load %arg1[%get3A_2, %get3A_3, %get3A_4] : memref<2x10112x128xf32, #tpu.memory_space<vmem>>, vector<1x10000x128xf32>
    %get3A_6 = vector.shape_cast %get3A_5 : vector<1x10000x128xf32> to vector<10000x128xf32>
    %get3A_7 = arith.constant 1 : index
    %get3A_8 = arith.constant 0 : index
    %get3A_9 = arith.constant 0 : index
    %get3A_10 = vector.load %arg1[%get3A_7, %get3A_8, %get3A_9] : memref<2x10112x128xf32, #tpu.memory_space<vmem>>, vector<1x10000x128xf32>
    %get3A_11 = vector.shape_cast %get3A_10 : vector<1x10000x128xf32> to vector<10000x128xf32>
    %add3A = arith.addf %get3A_6, %get3A_11 : vector<10000x128xf32>
    %get3A_12 = arith.constant 0 : index
    %get3A_13 = arith.constant 0 : index
    %get3A_14 = vector.load %arg2[%get3A_12, %get3A_13] : memref<1x1xf32, #tpu.memory_space<vmem>>, vector<1x1xf32>
    %get3A_15 = vector.extract %get3A_14[0, 0] : f32 from vector<1x1xf32>
    %add3A_16 = arith.constant 1.000000e+00 : f32
    %add3A_17 = arith.addf %add3A_16, %get3A_15 : f32
    %mul3A = vector.broadcast %add3A_17 : f32 to vector<10000x128xf32>
    %mul3A_18 = arith.mulf %mul3A, %get3A_1 : vector<10000x128xf32>
    %add3A_19 = arith.addf %mul3A_18, %add3A : vector<10000x128xf32>
    %get3A_20 = arith.constant 0 : index
    %get3A_21 = arith.constant 0 : index
    %get3A_22 = vector.load %arg3[%get3A_20, %get3A_21] : memref<128x128xf32, #tpu.memory_space<vmem>>, vector<128x128xf32>
    %dot_general3A = arith.constant dense<0.000000e+00> : vector<10000x128xf32>
    %dot_general3A_23 = tpu.matmul %add3A_19, %get3A_22, %dot_general3A {dimension_numbers = #tpu.dot_dimension_numbers<[1], [0], [0], [1], [0, 0, 1, 1], [], []>, transpose_lhs_hint = false} : vector<10000x128xf32>, vector<128x128xf32>, vector<10000x128xf32> -> vector<10000x128xf32>
    %get3A_24 = arith.constant 0 : index
    %get3A_25 = arith.constant 0 : index
    %get3A_26 = vector.load %arg4[%get3A_24, %get3A_25] : memref<1x128xf32, #tpu.memory_space<vmem>>, vector<1x128xf32>
    %add3A_27 = vector.broadcast %get3A_26 : vector<1x128xf32> to vector<10000x128xf32>
    %add3A_28 = arith.addf %dot_general3A_23, %add3A_27 : vector<10000x128xf32>
    %get3A_29 = arith.constant 0 : index
    %get3A_30 = arith.constant 0 : index
    %get3A_31 = vector.load %arg5[%get3A_29, %get3A_30] : memref<1x128xf32, #tpu.memory_space<vmem>>, vector<1x128xf32>
    %get3A_32 = arith.constant 0 : index
    %get3A_33 = arith.constant 0 : index
    %get3A_34 = vector.load %arg6[%get3A_32, %get3A_33] : memref<1x128xf32, #tpu.memory_space<vmem>>, vector<1x128xf32>
    %reduce_sum3A = arith.constant dense<0.000000e+00> : vector<128xf32>
    %reduce_sum3A_35 = vector.multi_reduction <add>, %add3A_28, %reduce_sum3A [0] : vector<10000x128xf32> to vector<128xf32>
    %broadcast_in_dim3A = vector.shape_cast %reduce_sum3A_35 : vector<128xf32> to vector<1x128xf32>
    %mul3A_36 = arith.constant 9.99999974E-5 : f32
    %mul3A_37 = vector.broadcast %mul3A_36 : f32 to vector<1x128xf32>
    %mul3A_38 = arith.mulf %broadcast_in_dim3A, %mul3A_37 : vector<1x128xf32>
    %sub3A = vector.broadcast %mul3A_38 : vector<1x128xf32> to vector<10000x128xf32>
    %sub3A_39 = arith.subf %add3A_28, %sub3A : vector<10000x128xf32>
    %mul3A_40 = arith.mulf %sub3A_39, %sub3A_39 : vector<10000x128xf32>
    %reduce_sum3A_41 = arith.constant dense<0.000000e+00> : vector<128xf32>
    %reduce_sum3A_42 = vector.multi_reduction <add>, %mul3A_40, %reduce_sum3A_41 [0] : vector<10000x128xf32> to vector<128xf32>
    %broadcast_in_dim3A_43 = vector.shape_cast %reduce_sum3A_42 : vector<128xf32> to vector<1x128xf32>
    %mul3A_44 = arith.constant 9.99999974E-5 : f32
    %mul3A_45 = vector.broadcast %mul3A_44 : f32 to vector<1x128xf32>
    %mul3A_46 = arith.mulf %broadcast_in_dim3A_43, %mul3A_45 : vector<1x128xf32>
    %mul3A_47 = vector.broadcast %get3A_31 : vector<1x128xf32> to vector<10000x128xf32>
    %mul3A_48 = arith.mulf %mul3A_47, %sub3A_39 : vector<10000x128xf32>
    %add3A_49 = arith.constant 9.99999974E-6 : f32
    %add3A_50 = vector.broadcast %add3A_49 : f32 to vector<1x128xf32>
    %add3A_51 = arith.addf %mul3A_46, %add3A_50 : vector<1x128xf32>
    %rsqrt3A = math.rsqrt %add3A_51 : vector<1x128xf32>
    %mul3A_52 = vector.broadcast %rsqrt3A : vector<1x128xf32> to vector<10000x128xf32>
    %mul3A_53 = arith.mulf %mul3A_48, %mul3A_52 : vector<10000x128xf32>
    %add3A_54 = vector.broadcast %get3A_34 : vector<1x128xf32> to vector<10000x128xf32>
    %add3A_55 = arith.addf %mul3A_53, %add3A_54 : vector<10000x128xf32>
    %max3A = arith.constant 0.000000e+00 : f32
    %max3A_56 = vector.broadcast %max3A : f32 to vector<10000x128xf32>
    %max3A_57 = arith.maximumf %add3A_55, %max3A_56 : vector<10000x128xf32>
    %get3A_58 = arith.constant 0 : index
    %get3A_59 = arith.constant 0 : index
    %get3A_60 = vector.load %arg7[%get3A_58, %get3A_59] : memref<128x128xf32, #tpu.memory_space<vmem>>, vector<128x128xf32>
    %dot_general3A_61 = arith.constant dense<0.000000e+00> : vector<10000x128xf32>
    %dot_general3A_62 = tpu.matmul %max3A_57, %get3A_60, %dot_general3A_61 {dimension_numbers = #tpu.dot_dimension_numbers<[1], [0], [0], [1], [0, 0, 1, 1], [], []>, transpose_lhs_hint = false} : vector<10000x128xf32>, vector<128x128xf32>, vector<10000x128xf32> -> vector<10000x128xf32>
    %get3A_63 = arith.constant 0 : index
    %get3A_64 = arith.constant 0 : index
    %get3A_65 = vector.load %arg8[%get3A_63, %get3A_64] : memref<1x128xf32, #tpu.memory_space<vmem>>, vector<1x128xf32>
    %add3A_66 = vector.broadcast %get3A_65 : vector<1x128xf32> to vector<10000x128xf32>
    %add3A_67 = arith.addf %dot_general3A_62, %add3A_66 : vector<10000x128xf32>
    %get3A_68 = arith.constant 0 : index
    %get3A_69 = arith.constant 0 : index
    %get3A_70 = vector.load %arg9[%get3A_68, %get3A_69] : memref<1x128xf32, #tpu.memory_space<vmem>>, vector<1x128xf32>
    %get3A_71 = arith.constant 0 : index
    %get3A_72 = arith.constant 0 : index
    %get3A_73 = vector.load %arg10[%get3A_71, %get3A_72] : memref<1x128xf32, #tpu.memory_space<vmem>>, vector<1x128xf32>
    %reduce_sum3A_74 = arith.constant dense<0.000000e+00> : vector<128xf32>
    %reduce_sum3A_75 = vector.multi_reduction <add>, %add3A_67, %reduce_sum3A_74 [0] : vector<10000x128xf32> to vector<128xf32>
    %broadcast_in_dim3A_76 = vector.shape_cast %reduce_sum3A_75 : vector<128xf32> to vector<1x128xf32>
    %mul3A_77 = arith.constant 9.99999974E-5 : f32
    %mul3A_78 = vector.broadcast %mul3A_77 : f32 to vector<1x128xf32>
    %mul3A_79 = arith.mulf %broadcast_in_dim3A_76, %mul3A_78 : vector<1x128xf32>
    %sub3A_80 = vector.broadcast %mul3A_79 : vector<1x128xf32> to vector<10000x128xf32>
    %sub3A_81 = arith.subf %add3A_67, %sub3A_80 : vector<10000x128xf32>
    %mul3A_82 = arith.mulf %sub3A_81, %sub3A_81 : vector<10000x128xf32>
    %reduce_sum3A_83 = arith.constant dense<0.000000e+00> : vector<128xf32>
    %reduce_sum3A_84 = vector.multi_reduction <add>, %mul3A_82, %reduce_sum3A_83 [0] : vector<10000x128xf32> to vector<128xf32>
    %broadcast_in_dim3A_85 = vector.shape_cast %reduce_sum3A_84 : vector<128xf32> to vector<1x128xf32>
    %mul3A_86 = arith.constant 9.99999974E-5 : f32
    %mul3A_87 = vector.broadcast %mul3A_86 : f32 to vector<1x128xf32>
    %mul3A_88 = arith.mulf %broadcast_in_dim3A_85, %mul3A_87 : vector<1x128xf32>
    %mul3A_89 = vector.broadcast %get3A_70 : vector<1x128xf32> to vector<10000x128xf32>
    %mul3A_90 = arith.mulf %mul3A_89, %sub3A_81 : vector<10000x128xf32>
    %add3A_91 = arith.constant 9.99999974E-6 : f32
    %add3A_92 = vector.broadcast %add3A_91 : f32 to vector<1x128xf32>
    %add3A_93 = arith.addf %mul3A_88, %add3A_92 : vector<1x128xf32>
    %rsqrt3A_94 = math.rsqrt %add3A_93 : vector<1x128xf32>
    %mul3A_95 = vector.broadcast %rsqrt3A_94 : vector<1x128xf32> to vector<10000x128xf32>
    %mul3A_96 = arith.mulf %mul3A_90, %mul3A_95 : vector<10000x128xf32>
    %add3A_97 = vector.broadcast %get3A_73 : vector<1x128xf32> to vector<10000x128xf32>
    %add3A_98 = arith.addf %mul3A_96, %add3A_97 : vector<10000x128xf32>
    %max3A_99 = arith.constant 0.000000e+00 : f32
    %max3A_100 = vector.broadcast %max3A_99 : f32 to vector<10000x128xf32>
    %max3A_101 = arith.maximumf %add3A_98, %max3A_100 : vector<10000x128xf32>
    %add3A_102 = arith.addf %max3A_101, %get3A_1 : vector<10000x128xf32>
    %get3A_103 = arith.constant 0 : index
    %get3A_104 = arith.constant 0 : index
    %get3A_105 = vector.load %arg11[%get3A_103, %get3A_104] : memref<10000x1xi32, #tpu.memory_space<vmem>>, vector<10000x1xi32>
    %iota3A = tpu.iota {dimensions = array<i32: 1>} : vector<10000x128xi32>
    %eq3A = vector.broadcast %get3A_105 : vector<10000x1xi32> to vector<10000x128xi32>
    %eq3A_106 = arith.cmpi eq, %eq3A, %iota3A : vector<10000x128xi32>
    %convert_element_type3A = arith.extui %eq3A_106 : vector<10000x128xi1> to vector<10000x128xi32>
    %convert_element_type3A_107 = arith.sitofp %convert_element_type3A : vector<10000x128xi32> to vector<10000x128xf32>
    %dot_general3A_108 = arith.constant dense<0.000000e+00> : vector<128x128xf32>
    %dot_general3A_109 = tpu.matmul %convert_element_type3A_107, %add3A_102, %dot_general3A_108 {dimension_numbers = #tpu.dot_dimension_numbers<[0], [0], [1], [1], [0, 1, 1, 1], [], []>, transpose_lhs_hint = false} : vector<10000x128xf32>, vector<10000x128xf32>, vector<128x128xf32> -> vector<128x128xf32>
    %broadcast_in_dim3A_110 = arith.constant 1.000000e+00 : f32
    %broadcast_in_dim3A_111 = vector.broadcast %broadcast_in_dim3A_110 : f32 to vector<10000x1xf32>
    %dot_general3A_112 = arith.constant dense<0.000000e+00> : vector<128x1xf32>
    %dot_general3A_113 = tpu.matmul %convert_element_type3A_107, %broadcast_in_dim3A_111, %dot_general3A_112 {dimension_numbers = #tpu.dot_dimension_numbers<[0], [0], [1], [1], [0, 1, 1, 1], [], []>, transpose_lhs_hint = false} : vector<10000x128xf32>, vector<10000x1xf32>, vector<128x1xf32> -> vector<128x1xf32>
    %max3A_114 = arith.constant 1.000000e+00 : f32
    %max3A_115 = vector.broadcast %max3A_114 : f32 to vector<128x1xf32>
    %max3A_116 = arith.maximumf %dot_general3A_113, %max3A_115 : vector<128x1xf32>
    %div3A = vector.broadcast %max3A_116 : vector<128x1xf32> to vector<128x128xf32>
    %div3A_117 = arith.divf %dot_general3A_109, %div3A : vector<128x128xf32>
    %get3A_118 = arith.constant 0 : index
    %get3A_119 = arith.constant 0 : index
    %get3A_120 = vector.load %arg12[%get3A_118, %get3A_119] : memref<128x128xf32, #tpu.memory_space<vmem>>, vector<128x128xf32>
    %dot_general3A_121 = arith.constant dense<0.000000e+00> : vector<128x128xf32>
    %dot_general3A_122 = tpu.matmul %div3A_117, %get3A_120, %dot_general3A_121 {dimension_numbers = #tpu.dot_dimension_numbers<[1], [0], [0], [1], [0, 0, 1, 1], [], []>, transpose_lhs_hint = false} : vector<128x128xf32>, vector<128x128xf32>, vector<128x128xf32> -> vector<128x128xf32>
    %get3A_123 = arith.constant 0 : index
    %get3A_124 = arith.constant 0 : index
    %get3A_125 = vector.load %arg13[%get3A_123, %get3A_124] : memref<1x128xf32, #tpu.memory_space<vmem>>, vector<1x128xf32>
    %add3A_126 = vector.broadcast %get3A_125 : vector<1x128xf32> to vector<128x128xf32>
    %add3A_127 = arith.addf %dot_general3A_122, %add3A_126 : vector<128x128xf32>
    %swap3A = arith.constant 0 : index
    %swap3A_128 = arith.constant 0 : index
    %swap3A_129 = vector.load %arg14[%swap3A, %swap3A_128] : memref<128x128xf32, #tpu.memory_space<vmem>>, vector<128x128xf32>
    tpu.vector_store %arg14[%swap3A, %swap3A_128], %add3A_127 {strides = array<i32>} : memref<128x128xf32, #tpu.memory_space<vmem>>, vector<128x128xf32>,
    return
  }
}

</mosaic_0001>

<sc_bundles>
// kernel: kernel.10.cloned.1.call-start
scs
__scs_entry_jumppad:
0x0: {  	(pc) =	sbr.rel $0x88, $3  }
0x1: {  	(tag) =	ssettag $0x0;
	lr =	simm.s32 $0x1  }
0x2: {  	[smem:$0x3F91] =	sst lr;
	_ =	strace $0xD0000000  }
0x3: {  	_ = 	snop  }
0x4: {  	_ = 	snop  }
0x5: {  	_ = 	snop  }
0x6: {  	_ = 	snop  }
0x7: {  	_ = 	snop  }
__scs_overlays_trampoline_lowered:
0x8: {  	[smem:$0x3FA0] =	sst s0  }
0x9: {  	[smem:$0x3FA1] =	sst s1  }
0xa: {  	[smem:$0x3FA2] =	sst s2  }
0xb: {  	[smem:$0x3FA3] =	sst s3  }
0xc: {  	[smem:$0x3FA4] =	sst s4  }
0xd: {  	[smem:$0x3FA5] =	sst s5  }
0xe: {  	[smem:$0x3FA6] =	sst s6  }
0xf: {  	[smem:$0x3FA7] =	sst s7  }
0x10: {  	[smem:$0x3FA8] =	sst s8  }
0x11: {  	[smem:$0x3FA9] =	sst s9;
	s0 =	simm.s32 @!p0 $0x0  }
0x12: {  	s1 =	sld [smem:$0x3F8F];
	s0 =	simm.s32 @p0 $0x1  }
0x13: {  	[smem:$0x3FAA] =	sst s0;
	s0 =	simm.s32 @!p1 $0x0  }
0x14: {  	s2 =	sld [smem:$0x3F8E];
	s0 =	simm.s32 @p1 $0x1  }
0x15: {  	[smem:$0x3FAB] =	sst s0;
	s0 =	simm.s32 @!p2 $0x0  }
0x16: {  	s3 =	sld [smem:$0x3FDB];
	s0 =	simm.s32 @p2 $0x1  }
0x17: {  	s4 =	simm.s32 $0x1BF5;
	[smem:$0x3FAD] =	sst s0  }
0x18: {  	s0 =	sld [smem:$0x3F90];
	_ =	swait.ge [sflag:s4], $0x0  }
0x19: {  	s7 =	sld [smem:$0x3F91]  }
0x1a: {  	s8 =	sadd.s32 $0xFFFFE003, lr  }
0x1b: {  	s9 =	sadd.s32 $0xFFFFFEF7, lr;
	s5 =	simm.s32 $0xFFFFFFFF;
	p2 =	slt.u32 s8, $0xFFFFF086  }
0x1c: {  	p1 =	slt.u32 s9, $0xF7A;
	s5 =	simm.s32 @!p2 $0x0  }
0x1d: {  	s5 =	simm.s32 @p1 $0x1;
	p0 =	seq.s32 s7, s2  }
0x1e: {  	s7 =	smul.u32 @!p0 $0xF7A, s2;
	p2 =	seq.s32 @!p0 s5, $0x0  }
0x1f: {  	s9 =	smul.u32 $0xF7A, s1;
	s8 =	simm.s32 @!p0 $0x1BF5;
	p2 =	por !p2, p0  }
0x20: {  	[sflag:s8] =	ssyncset.s32 @!p0 $0xFFFFF086;
	s6 =	sadd.s32 @!p0 s3, s7;
	s7 =	simm.s32 @!p0 $0x108  }
0x21: {  	s3 =	sadd.s32 s3, s9;
	s6 =	sadd.s32 @!p0 $0x88, s6;
	s7 =	simm.s32 @p2 $0x1082  }
0x22: {  	[simem:s7], [sflag:s8] =	dma.local @!p0 [hbm:s6], $0xF7A  }
0x23: {  	s9 =	sor.u32 $0xD0000000, s2;
	s6 =	simm.s32 $0x108;
	_ =	swait.ge @!p0 [sflag:s8], $0x0  }
0x24: {  	s3 =	sadd.s32 $0x88, s3;
	s6 =	simm.s32 @!p1 $0x1082;
	[sflag:s4] =	ssyncset.s32 $0xFFFFF086  }
0x25: {  	[simem:s6], [sflag:s4] =	dma.local [hbm:s3], $0xF7A  }
0x26: {  	[smem:$0x3F91] =	sst s1;
	(tag) =	ssettag s2;
	_ =	strace s9  }
0x27: {  	s1 =	sld [smem:$0x3FA1]  }
0x28: {  	s2 =	sld [smem:$0x3FA2]  }
0x29: {  	s4 =	sld [smem:$0x3FA4]  }
0x2a: {  	p0 =	seq.s32 s5, $0x0;
	s5 =	sld [smem:$0x3FA5]  }
0x2b: {  	s6 =	sld [smem:$0x3FA6]  }
0x2c: {  	s7 =	sld [smem:$0x3FA7]  }
0x2d: {  	s3 =	simm.s32 $0x108;
	s8 =	sld [smem:$0x3FA8]  }
0x2e: {  	s3 =	simm.s32 @!p0 $0x1082;
	s9 =	sld [smem:$0x3FA9]  }
0x2f: {  	lr =	sadd.s32 s0, s3;
	s0 =	sld [smem:$0x3FA0]  }
0x30: {  	s3 =	sld [smem:$0x3FA3]  }
0x31: {  	[smem:$0x3FAC] =	sst s10  }
0x32: {  	s10 =	sld [smem:$0x3FAA];
	_ =	sdelay $0x3  }
0x33: {  	p0 =	seq.s32 s10, $0x1;
	s10 =	sld [smem:$0x3FAC];
	_ =	sdelay $0x3  }
0x34: {  	[smem:$0x3FAC] =	sst s10  }
0x35: {  	s10 =	sld [smem:$0x3FAB];
	_ =	sdelay $0x3  }
0x36: {  	p1 =	seq.s32 s10, $0x1;
	s10 =	sld [smem:$0x3FAC];
	_ =	sdelay $0x3  }
0x37: {  	[smem:$0x3FAC] =	sst s10  }
0x38: {  	s10 =	sld [smem:$0x3FAD]  }
0x39: {  	_ = 	snop;
	(pc) =	sbr.ind lr, $3  }
0x3a: {  	_ = 	snop  }
0x3b: {  	_ = 	snop  }
0x3c: {  	p2 =	seq.s32 s10, $0x1;
	s10 =	sld [smem:$0x3FAC]  }
0x3d: {  	_ =	shalt  }
0x3e: {  	_ =	shalt  }
0x3f: {  	_ =	shalt  }
0x40: {  	_ =	shalt  }
0x41: {  	_ =	shalt  }
0x42: {  	_ =	shalt  }
0x43: {  	_ =	shalt  }
0x44: {  	_ =	shalt  }
0x45: {  	_ =	shalt  }
0x46: {  	_ =	shalt  }
0x47: {  	_ =	shalt  }
0x48: {  	_ =	shalt  }
0x49: {  	_ =	shalt  }
0x4a: {  	_ =	shalt  }
0x4b: {  	_ =	shalt  }
0x4c: {  	_ =	shalt  }
0x4d: {  	_ =	shalt  }
0x4e: {  	_ =	shalt  }
0x4f: {  	_ =	shalt  }
0x50: {  	_ =	shalt  }
0x51: {  	_ =	shalt  }
0x52: {  	_ =	shalt  }
0x53: {  	_ =	shalt  }
0x54: {  	_ =	shalt  }
0x55: {  	_ =	shalt  }
0x56: {  	_ =	shalt  }
0x57: {  	_ =	shalt  }
0x58: {  	_ =	shalt  }
0x59: {  	_ =	shalt  }
0x5a: {  	_ =	shalt  }
0x5b: {  	_ =	shalt  }
0x5c: {  	_ =	shalt  }
0x5d: {  	_ =	shalt  }
0x5e: {  	_ =	shalt  }
0x5f: {  	_ =	shalt  }
0x60: {  	_ =	shalt  }
0x61: {  	_ =	shalt  }
0x62: {  	_ =	shalt  }
0x63: {  	_ =	shalt  }
0x64: {  	_ =	shalt  }
0x65: {  	_ =	shalt  }
0x66: {  	_ =	shalt  }
0x67: {  	_ =	shalt  }
0x68: {  	_ =	shalt  }
0x69: {  	_ =	shalt  }
0x6a: {  	_ =	shalt  }
0x6b: {  	_ =	shalt  }
0x6c: {  	_ =	shalt  }
0x6d: {  	_ =	shalt  }
0x6e: {  	_ =	shalt  }
0x6f: {  	_ =	shalt  }
0x70: {  	_ =	shalt  }
0x71: {  	_ =	shalt  }
0x72: {  	_ =	shalt  }
0x73: {  	_ =	shalt  }
0x74: {  	_ =	shalt  }
0x75: {  	_ =	shalt  }
0x76: {  	_ =	shalt  }
0x77: {  	_ =	shalt  }
0x78: {  	_ =	shalt  }
0x79: {  	_ =	shalt  }
0x7a: {  	_ =	shalt  }
0x7b: {  	_ =	shalt  }
0x7c: {  	_ =	shalt  }
0x7d: {  	_ =	shalt  }
0x7e: {  	_ =	shalt  }
0x7f: {  	_ =	shalt  }
0x80: {  	_ =	shalt  }
0x81: {  	_ =	shalt  }
0x82: {  	_ =	shalt  }
0x83: {  	_ =	shalt  }
0x84: {  	_ =	shalt  }
0x85: {  	_ =	shalt  }
0x86: {  	_ =	shalt  }
0x87: {  	_ =	shalt  }
.Lfunc_end0:
.L_simem_size_0:
called_computation.1_lowered:
.L_overlay_start_0:
0x88: {  	s2 =	sld [smem:$0x3FD9]  }
0x89: {  	s3 =	sld [smem:$0x3FFE];
	_ =	sdelay $0x1  }
0x8a: {  	s1 =	srdreg.scid  }
0x8b: {  	s0 =	sand.u32 $0x1, s1  }
0x8c: {  	s16 =	sshll.u32 s0, $0xA;
	s2 =	sadd.s32 s3, s2  }
0x8d: {  	s2 =	sadd.s32 s2, s16  }
0x8e: {  	[smem:$0x3FB8] =	sst s2  }
0x8f: {  	_ = 	snop  }
0x90: {  	(tm) =	ssettm $0x1  }
0x91: {  	s17 =	sld [smem:$0x3FFB];
	_ =	sdelay $0x3  }
0x92: {  	_ =	strace s17  }
0x93: {  	s2 =	sld [smem:$0x3FFC];
	_ =	sdelay $0x3  }
0x94: {  	_ =	strace s2  }
0x95: {  	s2 =	sld [smem:$0x3FFD];
	_ =	sdelay $0x3  }
0x96: {  	_ =	strace s2  }
0x97: {  	_ =	strace $0x8FFFFFFF  }
0x98: {  	s18 =	sld [smem:$0x3FDB];
	_ =	sdelay $0x1  }
0x99: {  	s19 =	simm.s32 $_scs_section_size  }
0x9a: {  	s4 =	simm.s32 $_size__tile_overlayer_lowered;
	s5 =	simm.s32 $_tile_overlayer_lowered  }
0x9b: {  	s22 =	simm.s32 $0x1BFF;
	s21 =	sshll.u32 s5, $0x1;
	s2 =	sadd.s32 s19, s18  }
0x9c: {  	s6 =	simm.s32 $0x0;
	s20 =	sshll.u32 s4, $0x1;
	s4 =	sadd.s32 s21, s2  }
0x9d: {  	[timem:s6], [sflag:s22] =	dma.local [hbm:s4], s20  }
0x9e: {  	_ =	swait.ge [sflag:s22], s20  }
0x9f: {  	s3 =	ssub.s32 $0x0, s20;
	[sflag:s22] =	ssyncset.done $0x0  }
0xa0: {  	[sflag:s22] =	ssyncadd.s32 s3;
	_ =	sdelay $0x1  }
0xa1: {  	s23 =	simm.s32 $0x1B8B  }
0xa2: {  	_ =	swait.ge [sflag:s23], $0x1  }
0xa3: {  	[sflag:s23] =	ssyncset.done $0x0  }
0xa4: {  	s25 =	simm.s32 $0x1B8E;
	s24 =	sld [smem:$0x3FFE];
	[sflag:s23] =	ssyncadd.s32 $0xFFFFFFFF  }
0xa5: {  	s26 =	simm.s32 $execute0_lowered;
	[smem:$0x3FD2] =	sst s25  }
0xa6: {  	s4 =	sshll.u32 s26, $0x1;
	_ =	strace $0x80000049;
	[dreg:$0x1] =	wrdreg $0xFFFFFFFF  }
0xa7: {  	s28 =	simm.s32 $_size_execute0_lowered;
	s2 =	sadd.s32 s2, s4;
	[dreg:$0x0] =	wrdreg $0x0  }
0xa8: {  	s4 =	sshll.u32 s28, $0x1;
	[dreg:$0x2] =	wrdreg s2  }
0xa9: {  	[dreg:$0x3] =	wrdreg s4  }
0xaa: {  	[dreg:$0x4] =	wrdreg $0xC0  }
0xab: {  	_ =	task [dreg:s6], $0x5FFFF  }
0xac: {  	[dreg:$0x1] =	wrdreg $0xFFFFFFFF  }
0xad: {  	[dreg:$0x0] =	wrdreg $0x60  }
0xae: {  	[dreg:$0x2] =	wrdreg s24  }
0xaf: {  	[dreg:$0x3] =	wrdreg $0xA4000  }
0xb0: {  	[dreg:$0x4] =	wrdreg $0x9  }
0xb1: {  	_ =	task.clear_ibuf [dreg:s6], $0x5FFFF;
	_ =	strace $0x90000049  }
0xb2: {  	s29 =	simm.s32 $0x9;
	_ =	strace $0x8000004B  }
0xb3: {  	_ =	swait.ge [sflag:s29], $0x1  }
0xb4: {  	[sflag:s29] =	ssyncadd.s32 $0xFFFFFFFF  }
0xb5: {  	_ =	strace $0x9000004B  }
0xb6: {  	_ =	sfence  }
0xb7: {  	s30 =	sld [smem:$0x0];
	_ =	sdelay $0x2  }
0xb8: {  	s31 =	sshll.u32 s1, $0xD;
	s1 =	sshrl.u32 s1, $0x2  }
0xb9: {  	s3 =	sand.u32 $0x4000, s31;
	s1 =	sadd.s32 s1, s30  }
0xba: {  	s0 =	sor.u32 s3, s0;
	s1 =	sshll.u32 s1, $0x11  }
0xbb: {  	s0 =	sor.u32 s1, s0  }
0xbc: {  	s0 =	sadd.s32 $0x8F2B, s0  }
0xbd: {  	[sflag:s0] =	ssyncadd.remote.s32 $0x1  }
0xbe: {  	_ =	sfence.sel $0xFFFF  }
0xbf: {  	[dreg:$0x0] =	wrdreg $0xFFFFFFFF;
	(pc) =	sbr.abs _section_cstart, $3  }
0xc0: {  	[dreg:$0x1] =	wrdreg $0xFFFFFFFF  }
0xc1: {  	_ =	task.clear_ibuf [dreg:s6], $0x2FFFF;
	_ =	strace $0x9FFFFFFF  }
0xc2: {  	(tm) =	ssettm $0x7FFFFFFF  }
0xc3: {  	_ =	shalt  }
tec
execute0_lowered:
.L_overlay_start_1:
0x0: {  	(tag) =	ssettag $0x1  }
0x1: {  	s0 =	srdreg.scid  }
0x2: {  	s1 =	rddreg [dreg:$0x0];
	s11 =	stileid.u32  }
0x3: {  	s2 =	rddreg [dreg:$0x1];
	s3 =	simm.s32 $0x0;
	s28 =	simm.s32 $0x100  }
0x4: {  	s29 =	simm.s32 $0x4400;
	s30 =	simm.s32 $0x1;
	s5 =	smul.u32 $0x13C00, s11  }
0x5: {  	s31 =	simm.s32 $0x6;
	s0 =	sand.u32 $0x1, s0;
	s6 =	smul.u32 $0x4F000, s11  }
0x6: {  	[smem:$0x7FF] =	sst s3;
	s7 =	sadd.s32 $0x2B400, s1;
	s19 =	smul.u32 $0xA000, s11  }
0x7: {  	s12 =	sshll.u32 s11, $0x1;
	s4 =	smul.u32 $0x13C000, s0;
	_ =	strace $0x8000004A  }
0x8: {  	s8 =	ssub.s32 $0x2, s0;
	s10 =	sor.u32 s0, s12;
	s0 =	smul.u32 $0x5000, s0  }
0x9: {  	s6 =	sshrl.u32 s6, $0x2;
	s9 =	sshrl.u32 s8, $0x1;
	s16 =	smul.u32 $0x5000, s10  }
0xa: {  	s10 =	simm.s32 $0x0;
	s4 =	sadd.s32 s5, s4;
	s13 =	ssub.s32 s8, s9  }
0xb: {  	s0 =	sadd.s32 s0, s19;
	s9 =	simm.s32 $0x380;
	s5 =	sshrl.u32 s4, $0x3  }
0xc: {  	s4 =	sadd.s32 $0x3C00, s1;
	s8 =	sshrl.u32 s16, $0x3;
	s25 =	sor.u32 $0x600, s0  }
0xd: {  	s0 =	sor.u32 $0x400, s0;
	s1 =	sadd.s32 s5, s1;
	s5 =	sadd.s32 s6, s2  }
0xe: {  	s14 =	sadd.s32 s7, s8;
	s26 =	sshrl.u32 s25, $0x3;
	s15 =	sadd.s32 $0x2000, s5  }
0xf: {  	s0 =	sshrl.u32 s0, $0x3;
	s17 =	sadd.s32 $0x4000, s5;
	[dreg:$0x3] =	wrdreg s15  }
0x10: {  	s25 =	simm.s32 $0x400;
	s18 =	sadd.s32 $0x6000, s5;
	[dreg:$0x4] =	wrdreg s17  }
0x11: {  	s6 =	simm.s32 $0x180;
	s20 =	sadd.s32 $0x8000, s5;
	[dreg:$0x5] =	wrdreg s18  }
0x12: {  	s8 =	simm.s32 $0x280;
	s21 =	sadd.s32 $0xA000, s5;
	[dreg:$0x6] =	wrdreg s20  }
0x13: {  	s22 =	sadd.s32 $0xC000, s5;
	s23 =	sadd.s32 $0xE000, s5;
	[dreg:$0x7] =	wrdreg s21  }
0x14: {  	s24 =	sadd.s32 $0x10000, s5;
	s16 =	sadd.s32 $0x40, s14;
	[dreg:$0x8] =	wrdreg s22  }
0x15: {  	s19 =	sadd.s32 s26, s7;
	s26 =	simm.s32 $0x200;
	[dreg:$0x9] =	wrdreg s23  }
0x16: {  	[dreg:$0xa] =	wrdreg s24;
	s15 =	sadd.s32 $0x12000, s5;
	s17 =	sadd.s32 $0x3F400, s1  }
0x17: {  	s18 =	smax.u32 s13, $0x1;
	s20 =	sadd.s32 s0, s7;
	s21 =	simm.s32 $0x8400  }
0x18: {  	s22 =	simm.s32 $0x5;
	s23 =	simm.s32 $0x3;
	s24 =	simm.s32 $0x80  }
0x19: {  	v0 =	vimm.f32 $0.0e+00;
	s1 =	simm.s32 $0x4;
	s0 =	simm.s32 $0x2;
	s7 =	simm.s32 $0x300  }
.LBB2_1:
0x1a: {  	s11 =	simm.s32 $0x0;
	s12 =	simm.s32 $0x200  }
.LBB2_2:
0x1b: {  	p0 =	sne.s32 s12, $0x7E00;
	[tilespmem:s11+$0x8470] =	vst v0  }
0x1c: {  	[tilespmem:s11+$0x8400] =	vst v0  }
0x1d: {  	[tilespmem:s11+$0x8410] =	vst v0  }
.Ltmp0:
0x1e: {  	[tilespmem:s11+$0x8420] =	vst v0;
	(pc) =	sbr.rel @p0 .LBB2_2-.Ltmp0, $4  }
0x1f: {  	[tilespmem:s11+$0x8430] =	vst v0  }
0x20: {  	[tilespmem:s11+$0x8440] =	vst v0  }
0x21: {  	[tilespmem:s11+$0x8450] =	vst v0  }
0x22: {  	[tilespmem:s11+$0x8460] =	vst v0;
	s11 =	sshra.s32 s12, $0x2;
	s12 =	sadd.s32 $0x200, s12  }
0x23: {  	[tilespmem:s11+$0x8470] =	vst v0  }
0x24: {  	[tilespmem:s11+$0x8400] =	vst v0  }
0x25: {  	[tilespmem:s11+$0x8410] =	vst v0  }
0x26: {  	[tilespmem:s11+$0x8420] =	vst v0  }
0x27: {  	[tilespmem:s11+$0x8430] =	vst v0  }
0x28: {  	[tilespmem:s11+$0x8440] =	vst v0  }
0x29: {  	[tilespmem:s11+$0x8450] =	vst v0  }
0x2a: {  	[tilespmem:s11+$0x8460] =	vst v0  }
0x2b: {  	[spmem:s5] =	stream.linear.scatter [tilespmem:s21], [sflag:$0x5], $0x2000, $0x38;
	[tilespmem:$0x1E000] =	vst v63  }
0x2c: {  	s12 =	rddreg [dreg:$0x3]  }
0x2d: {  	[spmem:s12] =	stream.linear.scatter [tilespmem:s21], [sflag:$0x5], $0x2000, $0x38;
	[tilespmem:$0x1E000] =	vst v63  }
0x2e: {  	s13 =	rddreg [dreg:$0x4]  }
0x2f: {  	[spmem:s13] =	stream.linear.scatter [tilespmem:s21], [sflag:$0x5], $0x2000, $0x38;
	[tilespmem:$0x1E000] =	vst v63  }
0x30: {  	s12 =	rddreg [dreg:$0x5]  }
0x31: {  	[spmem:s12] =	stream.linear.scatter [tilespmem:s21], [sflag:$0x5], $0x2000, $0x38;
	[tilespmem:$0x1E000] =	vst v63  }
0x32: {  	s13 =	rddreg [dreg:$0x6]  }
0x33: {  	[spmem:s13] =	stream.linear.scatter [tilespmem:s21], [sflag:$0x5], $0x2000, $0x38;
	[tilespmem:$0x1E000] =	vst v63  }
0x34: {  	s12 =	rddreg [dreg:$0x7]  }
0x35: {  	[spmem:s12] =	stream.linear.scatter [tilespmem:s21], [sflag:$0x5], $0x2000, $0x38;
	[tilespmem:$0x1E000] =	vst v63  }
0x36: {  	s13 =	rddreg [dreg:$0x8]  }
0x37: {  	[spmem:s13] =	stream.linear.scatter [tilespmem:s21], [sflag:$0x5], $0x2000, $0x38;
	[tilespmem:$0x1E000] =	vst v63  }
0x38: {  	s12 =	rddreg [dreg:$0x9]  }
0x39: {  	[spmem:s12] =	stream.linear.scatter [tilespmem:s21], [sflag:$0x5], $0x2000, $0x38;
	[tilespmem:$0x1E000] =	vst v63  }
0x3a: {  	s13 =	rddreg [dreg:$0xa]  }
0x3b: {  	[spmem:s13] =	stream.linear.scatter [tilespmem:s21], [sflag:$0x5], $0x2000, $0x38;
	[tilespmem:$0x1E000] =	vst v63  }
0x3c: {  	_ = 	snop  }
0x3d: {  	[spmem:s15] =	stream.linear.scatter [tilespmem:s21], [sflag:$0x5], $0x1C00, $0x38;
	[tilespmem:$0x1E000] =	vst v63  }
0x3e: {  	s12 =	simm.s32 $0x0  }
0x3f: {  	[tilespmem:s12], [sflag:$0x3] =	stream.linear.gather [hbm4b:s14+s12], $0x200, $0x38;
	[tilespmem:$0x1E000] =	vst v63  }
0x40: {  	_ =	swait.ge [sflag:s22], $0x2000  }
0x41: {  	[sflag:s22] =	ssyncset.done $0x0  }
0x42: {  	[sflag:s22] =	ssyncadd.s32 $0xFFFFE000  }
0x43: {  	_ =	swait.ge [sflag:s22], $0x2000  }
0x44: {  	[sflag:s22] =	ssyncset.done $0x0  }
0x45: {  	[sflag:s22] =	ssyncadd.s32 $0xFFFFE000  }
0x46: {  	_ =	swait.ge [sflag:s22], $0x2000  }
0x47: {  	[sflag:s22] =	ssyncset.done $0x0  }
0x48: {  	[sflag:s22] =	ssyncadd.s32 $0xFFFFE000  }
0x49: {  	_ =	swait.ge [sflag:s22], $0x2000  }
0x4a: {  	[sflag:s22] =	ssyncset.done $0x0  }
0x4b: {  	[sflag:s22] =	ssyncadd.s32 $0xFFFFE000  }
0x4c: {  	_ =	swait.ge [sflag:s22], $0x2000  }
0x4d: {  	[sflag:s22] =	ssyncset.done $0x0  }
0x4e: {  	[sflag:s22] =	ssyncadd.s32 $0xFFFFE000  }
0x4f: {  	_ =	swait.ge [sflag:s22], $0x2000  }
0x50: {  	[sflag:s22] =	ssyncset.done $0x0  }
0x51: {  	[sflag:s22] =	ssyncadd.s32 $0xFFFFE000  }
0x52: {  	_ =	swait.ge [sflag:s22], $0x2000  }
0x53: {  	[sflag:s22] =	ssyncset.done $0x0  }
0x54: {  	[sflag:s22] =	ssyncadd.s32 $0xFFFFE000  }
0x55: {  	_ =	swait.ge [sflag:s22], $0x2000  }
0x56: {  	[sflag:s22] =	ssyncset.done $0x0  }
0x57: {  	[sflag:s22] =	ssyncadd.s32 $0xFFFFE000  }
0x58: {  	_ =	swait.ge [sflag:s22], $0x2000  }
0x59: {  	[sflag:s22] =	ssyncset.done $0x0  }
0x5a: {  	[sflag:s22] =	ssyncadd.s32 $0xFFFFE000  }
0x5b: {  	_ =	swait.ge [sflag:s22], $0x1C00  }
0x5c: {  	[sflag:s22] =	ssyncset.done $0x0  }
0x5d: {  	[sflag:s22] =	ssyncadd.s32 $0xFFFFE400  }
0x5e: {  	_ =	swait.ge [sflag:s23], $0x200  }
0x5f: {  	[sflag:s23] =	ssyncset.done $0x0  }
0x60: {  	[sflag:s23] =	ssyncadd.s32 $0xFFFFFE00  }
0x61: {  	[tilespmem:s25], [sflag:$0x1] =	stream.indirect.gather [hbm4b:s4+s24], $0x80, s12, s24, $0xb8;
	[tilespmem:$0x1E000] =	vst v63  }
0x62: {  	_ = 	snop  }
0x63: {  	[tilespmem:s26], [sflag:$0x4] =	stream.linear.gather [hbm4b:s16+s12], $0x200, $0x38;
	[tilespmem:$0x1E000] =	vst v63  }
0x64: {  	[bflag:$0x0] =	sbarrier.arrive $0xFFFF  }
0x65: {  	[tilespmem:s29], [sflag:$0x2] =	stream.indirect.gather [hbm4b:s4+s24], $0x80, s28, s24, $0xb8;
	[tilespmem:$0x1E000] =	vst v63  }
0x66: {  	_ =	swait.ge [sflag:s30], $0x4000  }
0x67: {  	[sflag:s30] =	ssyncset.done $0x0  }
0x68: {  	[sflag:s30] =	ssyncadd.s32 $0xFFFFC000  }
0x69: {  	[spmem:s2] =	stream.indirect.scatter.add.f32 [tilespmem:s25], [sflag:$0x6], $0x80, s24, s24, $0xb8;
	[tilespmem:$0x1E000] =	vst v63  }
0x6a: {  	_ =	swait.ge [sflag:s31], $0x4000  }
0x6b: {  	[sflag:s31] =	ssyncset.done $0x0  }
0x6c: {  	[sflag:s31] =	ssyncadd.s32 $0xFFFFC000  }
0x6d: {  	_ =	swait.ge [sflag:s1], $0x200  }
0x6e: {  	[sflag:s1] =	ssyncset.done $0x0  }
0x6f: {  	[sflag:s1] =	ssyncadd.s32 $0xFFFFFE00  }
0x70: {  	[tilespmem:s25], [sflag:$0x1] =	stream.indirect.gather [hbm4b:s4+s24], $0x80, s26, s24, $0xb8;
	[tilespmem:$0x1E000] =	vst v63  }
0x71: {  	_ =	swait.ge [sflag:s0], $0x4000  }
0x72: {  	[sflag:s0] =	ssyncset.done $0x0  }
0x73: {  	[sflag:s0] =	ssyncadd.s32 $0xFFFFC000  }
0x74: {  	[spmem:s2] =	stream.indirect.scatter.add.f32 [tilespmem:s29], [sflag:$0x6], $0x80, s6, s24, $0xb8;
	[tilespmem:$0x1E000] =	vst v63  }
0x75: {  	_ =	swait.ge [sflag:s31], $0x4000  }
0x76: {  	[sflag:s31] =	ssyncset.done $0x0  }
0x77: {  	s13 =	sadd.s32 $0x0, s20;
	[sflag:s31] =	ssyncadd.s32 $0xFFFFC000  }
0x78: {  	[tilespmem:s3], [sflag:$0x3] =	stream.linear.gather [hbm4b:s13+s3], $0x200, $0x38;
	[tilespmem:$0x1E000] =	vst v63  }
0x79: {  	_ = 	snop  }
0x7a: {  	[tilespmem:s29], [sflag:$0x2] =	stream.indirect.gather [hbm4b:s4+s24], $0x80, s7, s24, $0xb8;
	[tilespmem:$0x1E000] =	vst v63  }
0x7b: {  	_ =	swait.ge [sflag:s30], $0x4000  }
0x7c: {  	[sflag:s30] =	ssyncset.done $0x0  }
0x7d: {  	[sflag:s30] =	ssyncadd.s32 $0xFFFFC000  }
0x7e: {  	[spmem:s2] =	stream.indirect.scatter.add.f32 [tilespmem:s25], [sflag:$0x6], $0x80, s8, s24, $0xb8;
	[tilespmem:$0x1E000] =	vst v63  }
0x7f: {  	_ =	swait.ge [sflag:s31], $0x4000  }
0x80: {  	[sflag:s31] =	ssyncset.done $0x0  }
0x81: {  	[sflag:s31] =	ssyncadd.s32 $0xFFFFC000  }
0x82: {  	_ =	swait.ge [sflag:s23], $0x200  }
0x83: {  	[sflag:s23] =	ssyncset.done $0x0  }
0x84: {  	[sflag:s23] =	ssyncadd.s32 $0xFFFFFE00  }
0x85: {  	[tilespmem:s25], [sflag:$0x1] =	stream.indirect.gather [hbm4b:s4+s24], $0x80, s3, s24, $0xb8;
	[tilespmem:$0x1E000] =	vst v63  }
0x86: {  	_ =	swait.ge [sflag:s0], $0x4000  }
0x87: {  	[sflag:s0] =	ssyncset.done $0x0  }
0x88: {  	[sflag:s0] =	ssyncadd.s32 $0xFFFFC000  }
0x89: {  	[spmem:s2] =	stream.indirect.scatter.add.f32 [tilespmem:s29], [sflag:$0x6], $0x80, s9, s24, $0xb8;
	[tilespmem:$0x1E000] =	vst v63  }
0x8a: {  	_ =	swait.ge [sflag:s31], $0x4000  }
0x8b: {  	[sflag:s31] =	ssyncset.done $0x0  }
0x8c: {  	s11 =	simm.s32 $0x80;
	s12 =	sadd.s32 $0x0, s19;
	[sflag:s31] =	ssyncadd.s32 $0xFFFFC000  }
.LBB2_4:
0x8d: {  	[tilespmem:s26], [sflag:$0x4] =	stream.linear.gather [hbm4b:s12+s3], $0x200, $0x38;
	[tilespmem:$0x1E000] =	vst v63  }
0x8e: {  	p0 =	sne.s32 s11, $0x900;
	s12 =	smov.u32 s11;
	s11 =	sadd.s32 $0x80, s11  }
0x8f: {  	[tilespmem:s29], [sflag:$0x2] =	stream.indirect.gather [hbm4b:s4+s24], $0x80, s28, s24, $0xb8;
	[tilespmem:$0x1E000] =	vst v63  }
0x90: {  	_ =	swait.ge [sflag:s30], $0x4000  }
0x91: {  	[sflag:s30] =	ssyncset.done $0x0  }
0x92: {  	[sflag:s30] =	ssyncadd.s32 $0xFFFFC000  }
0x93: {  	[spmem:s2] =	stream.indirect.scatter.add.f32 [tilespmem:s25], [sflag:$0x6], $0x80, s24, s24, $0xb8;
	[tilespmem:$0x1E000] =	vst v63  }
0x94: {  	_ =	swait.ge [sflag:s31], $0x4000  }
0x95: {  	[sflag:s31] =	ssyncset.done $0x0  }
0x96: {  	[sflag:s31] =	ssyncadd.s32 $0xFFFFC000  }
0x97: {  	_ =	swait.ge [sflag:s1], $0x200  }
0x98: {  	[sflag:s1] =	ssyncset.done $0x0  }
0x99: {  	[sflag:s1] =	ssyncadd.s32 $0xFFFFFE00  }
0x9a: {  	[tilespmem:s25], [sflag:$0x1] =	stream.indirect.gather [hbm4b:s4+s24], $0x80, s26, s24, $0xb8;
	[tilespmem:$0x1E000] =	vst v63  }
0x9b: {  	_ =	swait.ge [sflag:s0], $0x4000  }
0x9c: {  	[sflag:s0] =	ssyncset.done $0x0  }
0x9d: {  	[sflag:s0] =	ssyncadd.s32 $0xFFFFC000  }
0x9e: {  	[spmem:s2] =	stream.indirect.scatter.add.f32 [tilespmem:s29], [sflag:$0x6], $0x80, s6, s24, $0xb8;
	[tilespmem:$0x1E000] =	vst v63  }
0x9f: {  	_ =	swait.ge [sflag:s31], $0x4000  }
0xa0: {  	[sflag:s31] =	ssyncset.done $0x0  }
0xa1: {  	s13 =	sadd.s32 s12, s20;
	[sflag:s31] =	ssyncadd.s32 $0xFFFFC000  }
0xa2: {  	[tilespmem:s3], [sflag:$0x3] =	stream.linear.gather [hbm4b:s13+s3], $0x200, $0x38;
	[tilespmem:$0x1E000] =	vst v63  }
0xa3: {  	_ = 	snop  }
0xa4: {  	[tilespmem:s29], [sflag:$0x2] =	stream.indirect.gather [hbm4b:s4+s24], $0x80, s7, s24, $0xb8;
	[tilespmem:$0x1E000] =	vst v63  }
0xa5: {  	_ =	swait.ge [sflag:s30], $0x4000  }
0xa6: {  	[sflag:s30] =	ssyncset.done $0x0  }
0xa7: {  	[sflag:s30] =	ssyncadd.s32 $0xFFFFC000  }
0xa8: {  	[spmem:s2] =	stream.indirect.scatter.add.f32 [tilespmem:s25], [sflag:$0x6], $0x80, s8, s24, $0xb8;
	[tilespmem:$0x1E000] =	vst v63  }
0xa9: {  	_ =	swait.ge [sflag:s31], $0x4000  }
0xaa: {  	[sflag:s31] =	ssyncset.done $0x0  }
0xab: {  	[sflag:s31] =	ssyncadd.s32 $0xFFFFC000  }
0xac: {  	_ =	swait.ge [sflag:s23], $0x200  }
0xad: {  	[sflag:s23] =	ssyncset.done $0x0  }
0xae: {  	[sflag:s23] =	ssyncadd.s32 $0xFFFFFE00  }
0xaf: {  	[tilespmem:s25], [sflag:$0x1] =	stream.indirect.gather [hbm4b:s4+s24], $0x80, s3, s24, $0xb8;
	[tilespmem:$0x1E000] =	vst v63  }
0xb0: {  	_ =	swait.ge [sflag:s0], $0x4000  }
0xb1: {  	[sflag:s0] =	ssyncset.done $0x0  }
.Ltmp1:
0xb2: {  	[sflag:s0] =	ssyncadd.s32 $0xFFFFC000;
	(pc) =	sbr.rel @p0 .LBB2_4-.Ltmp1, $4  }
0xb3: {  	[spmem:s2] =	stream.indirect.scatter.add.f32 [tilespmem:s29], [sflag:$0x6], $0x80, s9, s24, $0xb8;
	[tilespmem:$0x1E000] =	vst v63  }
0xb4: {  	_ =	swait.ge [sflag:s31], $0x4000  }
0xb5: {  	[sflag:s31] =	ssyncset.done $0x0  }
0xb6: {  	s12 =	sadd.s32 s12, s19;
	[sflag:s31] =	ssyncadd.s32 $0xFFFFC000  }
0xb7: {  	[tilespmem:s26], [sflag:$0x4] =	stream.linear.gather [hbm4b:s12+s3], $0x200, $0x38;
	[tilespmem:$0x1E000] =	vst v63  }
0xb8: {  	_ = 	snop  }
0xb9: {  	[tilespmem:s29], [sflag:$0x2] =	stream.indirect.gather [hbm4b:s4+s24], $0x80, s28, s24, $0xb8;
	[tilespmem:$0x1E000] =	vst v63  }
0xba: {  	_ =	swait.ge [sflag:s30], $0x4000  }
0xbb: {  	[sflag:s30] =	ssyncset.done $0x0  }
0xbc: {  	[sflag:s30] =	ssyncadd.s32 $0xFFFFC000  }
0xbd: {  	[spmem:s2] =	stream.indirect.scatter.add.f32 [tilespmem:s25], [sflag:$0x6], $0x80, s24, s24, $0xb8;
	[tilespmem:$0x1E000] =	vst v63  }
0xbe: {  	_ =	swait.ge [sflag:s31], $0x4000  }
0xbf: {  	[sflag:s31] =	ssyncset.done $0x0  }
0xc0: {  	[sflag:s31] =	ssyncadd.s32 $0xFFFFC000  }
0xc1: {  	_ =	swait.ge [sflag:s1], $0x200  }
0xc2: {  	[sflag:s1] =	ssyncset.done $0x0  }
0xc3: {  	[sflag:s1] =	ssyncadd.s32 $0xFFFFFE00  }
0xc4: {  	[tilespmem:s25], [sflag:$0x1] =	stream.indirect.gather [hbm4b:s4+s24], $0x80, s26, s24, $0xb8;
	[tilespmem:$0x1E000] =	vst v63  }
0xc5: {  	_ =	swait.ge [sflag:s0], $0x4000  }
0xc6: {  	[sflag:s0] =	ssyncset.done $0x0  }
0xc7: {  	[sflag:s0] =	ssyncadd.s32 $0xFFFFC000  }
0xc8: {  	[spmem:s2] =	stream.indirect.scatter.add.f32 [tilespmem:s29], [sflag:$0x6], $0x80, s6, s24, $0xb8;
	[tilespmem:$0x1E000] =	vst v63  }
0xc9: {  	_ =	swait.ge [sflag:s31], $0x4000  }
0xca: {  	[sflag:s31] =	ssyncset.done $0x0  }
0xcb: {  	[sflag:s31] =	ssyncadd.s32 $0xFFFFC000  }
0xcc: {  	[tilespmem:s29], [sflag:$0x2] =	stream.indirect.gather [hbm4b:s4+s24], $0x80, s7, s24, $0xb8;
	[tilespmem:$0x1E000] =	vst v63  }
0xcd: {  	_ =	swait.ge [sflag:s30], $0x4000  }
0xce: {  	[sflag:s30] =	ssyncset.done $0x0  }
0xcf: {  	[sflag:s30] =	ssyncadd.s32 $0xFFFFC000  }
0xd0: {  	[spmem:s2] =	stream.indirect.scatter.add.f32 [tilespmem:s25], [sflag:$0x6], $0x80, s8, s24, $0xb8;
	[tilespmem:$0x1E000] =	vst v63  }
0xd1: {  	_ =	swait.ge [sflag:s31], $0x4000  }
0xd2: {  	[sflag:s31] =	ssyncset.done $0x0  }
0xd3: {  	[sflag:s31] =	ssyncadd.s32 $0xFFFFC000  }
0xd4: {  	_ =	swait.ge [sflag:s0], $0x4000  }
0xd5: {  	[sflag:s0] =	ssyncset.done $0x0  }
0xd6: {  	[sflag:s0] =	ssyncadd.s32 $0xFFFFC000  }
0xd7: {  	[spmem:s2] =	stream.indirect.scatter.add.f32 [tilespmem:s29], [sflag:$0x6], $0x80, s9, s24, $0xb8;
	[tilespmem:$0x1E000] =	vst v63  }
0xd8: {  	s11 =	stileid.u32;
	_ =	swait.ge [sflag:s31], $0x4000  }
0xd9: {  	s13 =	sshrl.u32 s5, $0x3;
	s10 =	sadd.s32 $0x1, s10;
	[sflag:s31] =	ssyncset.done $0x0  }
0xda: {  	s11 =	sshll.u32 s11, $0x6;
	p0 =	sne.s32 s10, s18;
	[sflag:s31] =	ssyncadd.s32 $0xFFFFC000  }
.Ltmp2:
0xdb: {  	s11 =	sor.u32 $0x1C06, s11;
	[bflag:$0x0] =	sbarrier.arrive $0xFFFF;
	(pc) =	sbr.rel @p0 .LBB2_1-.Ltmp2, $4  }
0xdc: {  	[hbm:s17], [sflag:s11] =	dma.local [spmem:s13], $0x2780  }
0xdd: {  	_ =	swait.ge [sflag:s31], $0x2780  }
0xde: {  	[sflag:s31] =	ssyncset.done $0x0  }
0xdf: {  	[sflag:s31] =	ssyncadd.s32 $0xFFFFD880  }
0xe0: {  	_ =	sfence.sel $0x180000  }
0xe1: {  	[bflag:$0x0] =	sbarrier.arrive $0xFFFF  }
0xe2: {  	_ =	strace $0x9000004A  }
0xe3: {  	s0 =	stileid.u32;
	[bflag:$0x2] =	sbarrier.arrive $0xFFFF  }
0xe4: {  	p0 =	sne.s32 s0, $0x0;
	s0 =	rddreg [dreg:$0x2]  }
0xe5: {  	s0 =	sadd.s32 @!p0 $0x100000, s0  }
0xe6: {  	[sflag:s0] =	ssyncadd.tile.s32 @!p0 $0x1;
	_ =	shalt  }
.Lfunc_end2:
_tile_overlayer_lowered:
.L_overlay_start_2:
0xe7: {  	(tag) =	ssettag $0x2  }
0xe8: {  	s0 =	rddreg [dreg:$0x0];
	s2 =	stileid.u32  }
0xe9: {  	s1 =	rddreg [dreg:$0x1];
	p0 =	sne.s32 s2, $0x0  }
0xea: {  	s3 =	rddreg [dreg:$0x2];
	[bflag:$0x3] =	sbarrier.arrive $0xFFFF;
	s2 =	simm.s32 @!p0 $0x1C06  }
0xeb: {  	[timem:s3], [sflag:s2] =	dma.local @!p0 [hbm:s0], s1  }
0xec: {  	s0 =	simm.s32 @!p0 $0x6  }
0xed: {  	_ =	swait.ge @!p0 [sflag:s0], s1  }
0xee: {  	s1 =	ssub.s32 @!p0 $0x0, s1;
	[sflag:s0] =	ssyncset.done @!p0 $0x0  }
0xef: {  	[sflag:s0] =	ssyncadd.s32 @!p0 s1  }
0xf0: {  	[bflag:$0x3] =	sbarrier.arrive $0xFFFF  }
0xf1: {  	_ =	shalt  }

// kernel: kernel.7.cloned.1.call-start
scs
__scs_entry_jumppad:
0x0: {  	(pc) =	sbr.rel $0x88, $3  }
0x1: {  	(tag) =	ssettag $0x0;
	lr =	simm.s32 $0x1  }
0x2: {  	[smem:$0x3F91] =	sst lr;
	_ =	strace $0xD0000000  }
0x3: {  	_ = 	snop  }
0x4: {  	_ = 	snop  }
0x5: {  	_ = 	snop  }
0x6: {  	_ = 	snop  }
0x7: {  	_ = 	snop  }
__scs_overlays_trampoline_lowered:
0x8: {  	[smem:$0x3FA0] =	sst s0  }
0x9: {  	[smem:$0x3FA1] =	sst s1  }
0xa: {  	[smem:$0x3FA2] =	sst s2  }
0xb: {  	[smem:$0x3FA3] =	sst s3  }
0xc: {  	[smem:$0x3FA4] =	sst s4  }
0xd: {  	[smem:$0x3FA5] =	sst s5  }
0xe: {  	[smem:$0x3FA6] =	sst s6  }
0xf: {  	[smem:$0x3FA7] =	sst s7  }
0x10: {  	[smem:$0x3FA8] =	sst s8  }
0x11: {  	[smem:$0x3FA9] =	sst s9;
	s0 =	simm.s32 @!p0 $0x0  }
0x12: {  	s1 =	sld [smem:$0x3F8F];
	s0 =	simm.s32 @p0 $0x1  }
0x13: {  	[smem:$0x3FAA] =	sst s0;
	s0 =	simm.s32 @!p1 $0x0  }
0x14: {  	s2 =	sld [smem:$0x3F8E];
	s0 =	simm.s32 @p1 $0x1  }
0x15: {  	[smem:$0x3FAB] =	sst s0;
	s0 =	simm.s32 @!p2 $0x0  }
0x16: {  	s3 =	sld [smem:$0x3FDB];
	s0 =	simm.s32 @p2 $0x1  }
0x17: {  	s4 =	simm.s32 $0x1BF5;
	[smem:$0x3FAD] =	sst s0  }
0x18: {  	s0 =	sld [smem:$0x3F90];
	_ =	swait.ge [sflag:s4], $0x0  }
0x19: {  	s7 =	sld [smem:$0x3F91]  }
0x1a: {  	s8 =	sadd.s32 $0xFFFFE003, lr  }
0x1b: {  	s9 =	sadd.s32 $0xFFFFFEF7, lr;
	s5 =	simm.s32 $0xFFFFFFFF;
	p2 =	slt.u32 s8, $0xFFFFF086  }
0x1c: {  	p1 =	slt.u32 s9, $0xF7A;
	s5 =	simm.s32 @!p2 $0x0  }
0x1d: {  	s5 =	simm.s32 @p1 $0x1;
	p0 =	seq.s32 s7, s2  }
0x1e: {  	s7 =	smul.u32 @!p0 $0xF7A, s2;
	p2 =	seq.s32 @!p0 s5, $0x0  }
0x1f: {  	s9 =	smul.u32 $0xF7A, s1;
	s8 =	simm.s32 @!p0 $0x1BF5;
	p2 =	por !p2, p0  }
0x20: {  	[sflag:s8] =	ssyncset.s32 @!p0 $0xFFFFF086;
	s6 =	sadd.s32 @!p0 s3, s7;
	s7 =	simm.s32 @!p0 $0x108  }
0x21: {  	s3 =	sadd.s32 s3, s9;
	s6 =	sadd.s32 @!p0 $0x88, s6;
	s7 =	simm.s32 @p2 $0x1082  }
0x22: {  	[simem:s7], [sflag:s8] =	dma.local @!p0 [hbm:s6], $0xF7A  }
0x23: {  	s9 =	sor.u32 $0xD0000000, s2;
	s6 =	simm.s32 $0x108;
	_ =	swait.ge @!p0 [sflag:s8], $0x0  }
0x24: {  	s3 =	sadd.s32 $0x88, s3;
	s6 =	simm.s32 @!p1 $0x1082;
	[sflag:s4] =	ssyncset.s32 $0xFFFFF086  }
0x25: {  	[simem:s6], [sflag:s4] =	dma.local [hbm:s3], $0xF7A  }
0x26: {  	[smem:$0x3F91] =	sst s1;
	(tag) =	ssettag s2;
	_ =	strace s9  }
0x27: {  	s1 =	sld [smem:$0x3FA1]  }
0x28: {  	s2 =	sld [smem:$0x3FA2]  }
0x29: {  	s4 =	sld [smem:$0x3FA4]  }
0x2a: {  	p0 =	seq.s32 s5, $0x0;
	s5 =	sld [smem:$0x3FA5]  }
0x2b: {  	s6 =	sld [smem:$0x3FA6]  }
0x2c: {  	s7 =	sld [smem:$0x3FA7]  }
0x2d: {  	s3 =	simm.s32 $0x108;
	s8 =	sld [smem:$0x3FA8]  }
0x2e: {  	s3 =	simm.s32 @!p0 $0x1082;
	s9 =	sld [smem:$0x3FA9]  }
0x2f: {  	lr =	sadd.s32 s0, s3;
	s0 =	sld [smem:$0x3FA0]  }
0x30: {  	s3 =	sld [smem:$0x3FA3]  }
0x31: {  	[smem:$0x3FAC] =	sst s10  }
0x32: {  	s10 =	sld [smem:$0x3FAA];
	_ =	sdelay $0x3  }
0x33: {  	p0 =	seq.s32 s10, $0x1;
	s10 =	sld [smem:$0x3FAC];
	_ =	sdelay $0x3  }
0x34: {  	[smem:$0x3FAC] =	sst s10  }
0x35: {  	s10 =	sld [smem:$0x3FAB];
	_ =	sdelay $0x3  }
0x36: {  	p1 =	seq.s32 s10, $0x1;
	s10 =	sld [smem:$0x3FAC];
	_ =	sdelay $0x3  }
0x37: {  	[smem:$0x3FAC] =	sst s10  }
0x38: {  	s10 =	sld [smem:$0x3FAD]  }
0x39: {  	_ = 	snop;
	(pc) =	sbr.ind lr, $3  }
0x3a: {  	_ = 	snop  }
0x3b: {  	_ = 	snop  }
0x3c: {  	p2 =	seq.s32 s10, $0x1;
	s10 =	sld [smem:$0x3FAC]  }
0x3d: {  	_ =	shalt  }
0x3e: {  	_ =	shalt  }
0x3f: {  	_ =	shalt  }
0x40: {  	_ =	shalt  }
0x41: {  	_ =	shalt  }
0x42: {  	_ =	shalt  }
0x43: {  	_ =	shalt  }
0x44: {  	_ =	shalt  }
0x45: {  	_ =	shalt  }
0x46: {  	_ =	shalt  }
0x47: {  	_ =	shalt  }
0x48: {  	_ =	shalt  }
0x49: {  	_ =	shalt  }
0x4a: {  	_ =	shalt  }
0x4b: {  	_ =	shalt  }
0x4c: {  	_ =	shalt  }
0x4d: {  	_ =	shalt  }
0x4e: {  	_ =	shalt  }
0x4f: {  	_ =	shalt  }
0x50: {  	_ =	shalt  }
0x51: {  	_ =	shalt  }
0x52: {  	_ =	shalt  }
0x53: {  	_ =	shalt  }
0x54: {  	_ =	shalt  }
0x55: {  	_ =	shalt  }
0x56: {  	_ =	shalt  }
0x57: {  	_ =	shalt  }
0x58: {  	_ =	shalt  }
0x59: {  	_ =	shalt  }
0x5a: {  	_ =	shalt  }
0x5b: {  	_ =	shalt  }
0x5c: {  	_ =	shalt  }
0x5d: {  	_ =	shalt  }
0x5e: {  	_ =	shalt  }
0x5f: {  	_ =	shalt  }
0x60: {  	_ =	shalt  }
0x61: {  	_ =	shalt  }
0x62: {  	_ =	shalt  }
0x63: {  	_ =	shalt  }
0x64: {  	_ =	shalt  }
0x65: {  	_ =	shalt  }
0x66: {  	_ =	shalt  }
0x67: {  	_ =	shalt  }
0x68: {  	_ =	shalt  }
0x69: {  	_ =	shalt  }
0x6a: {  	_ =	shalt  }
0x6b: {  	_ =	shalt  }
0x6c: {  	_ =	shalt  }
0x6d: {  	_ =	shalt  }
0x6e: {  	_ =	shalt  }
0x6f: {  	_ =	shalt  }
0x70: {  	_ =	shalt  }
0x71: {  	_ =	shalt  }
0x72: {  	_ =	shalt  }
0x73: {  	_ =	shalt  }
0x74: {  	_ =	shalt  }
0x75: {  	_ =	shalt  }
0x76: {  	_ =	shalt  }
0x77: {  	_ =	shalt  }
0x78: {  	_ =	shalt  }
0x79: {  	_ =	shalt  }
0x7a: {  	_ =	shalt  }
0x7b: {  	_ =	shalt  }
0x7c: {  	_ =	shalt  }
0x7d: {  	_ =	shalt  }
0x7e: {  	_ =	shalt  }
0x7f: {  	_ =	shalt  }
0x80: {  	_ =	shalt  }
0x81: {  	_ =	shalt  }
0x82: {  	_ =	shalt  }
0x83: {  	_ =	shalt  }
0x84: {  	_ =	shalt  }
0x85: {  	_ =	shalt  }
0x86: {  	_ =	shalt  }
0x87: {  	_ =	shalt  }
.Lfunc_end0:
.L_simem_size_0:
called_computation_lowered:
.L_overlay_start_0:
0x88: {  	s2 =	sld [smem:$0x3FD9]  }
0x89: {  	s3 =	sld [smem:$0x3FFE];
	_ =	sdelay $0x1  }
0x8a: {  	s1 =	srdreg.scid  }
0x8b: {  	s0 =	sand.u32 $0x1, s1  }
0x8c: {  	s16 =	sshll.u32 s0, $0xA;
	s2 =	sadd.s32 s3, s2  }
0x8d: {  	s2 =	sadd.s32 s2, s16  }
0x8e: {  	[smem:$0x3FB8] =	sst s2  }
0x8f: {  	_ = 	snop  }
0x90: {  	(tm) =	ssettm $0x1  }
0x91: {  	s17 =	sld [smem:$0x3FFB];
	_ =	sdelay $0x3  }
0x92: {  	_ =	strace s17  }
0x93: {  	s2 =	sld [smem:$0x3FFC];
	_ =	sdelay $0x3  }
0x94: {  	_ =	strace s2  }
0x95: {  	s2 =	sld [smem:$0x3FFD];
	_ =	sdelay $0x3  }
0x96: {  	_ =	strace s2  }
0x97: {  	_ =	strace $0x8FFFFFFF  }
0x98: {  	s18 =	sld [smem:$0x3FDB];
	_ =	sdelay $0x1  }
0x99: {  	s19 =	simm.s32 $_scs_section_size  }
0x9a: {  	s4 =	simm.s32 $_size__tile_overlayer_lowered;
	s5 =	simm.s32 $_tile_overlayer_lowered  }
0x9b: {  	s22 =	simm.s32 $0x1BFF;
	s21 =	sshll.u32 s5, $0x1;
	s2 =	sadd.s32 s19, s18  }
0x9c: {  	s6 =	simm.s32 $0x0;
	s20 =	sshll.u32 s4, $0x1;
	s4 =	sadd.s32 s21, s2  }
0x9d: {  	[timem:s6], [sflag:s22] =	dma.local [hbm:s4], s20  }
0x9e: {  	_ =	swait.ge [sflag:s22], s20  }
0x9f: {  	s3 =	ssub.s32 $0x0, s20;
	[sflag:s22] =	ssyncset.done $0x0  }
0xa0: {  	[sflag:s22] =	ssyncadd.s32 s3;
	_ =	sdelay $0x1  }
0xa1: {  	s23 =	simm.s32 $0x1B8B  }
0xa2: {  	_ =	swait.ge [sflag:s23], $0x1  }
0xa3: {  	[sflag:s23] =	ssyncset.done $0x0  }
0xa4: {  	s25 =	simm.s32 $0x1B8E;
	s24 =	sld [smem:$0x3FFE];
	[sflag:s23] =	ssyncadd.s32 $0xFFFFFFFF  }
0xa5: {  	s26 =	simm.s32 $execute0_lowered;
	[smem:$0x3FD2] =	sst s25  }
0xa6: {  	s4 =	sshll.u32 s26, $0x1;
	_ =	strace $0x80000046;
	[dreg:$0x1] =	wrdreg $0xFFFFFFFF  }
0xa7: {  	s28 =	simm.s32 $_size_execute0_lowered;
	s2 =	sadd.s32 s2, s4;
	[dreg:$0x0] =	wrdreg $0x0  }
0xa8: {  	s4 =	sshll.u32 s28, $0x1;
	[dreg:$0x2] =	wrdreg s2  }
0xa9: {  	[dreg:$0x3] =	wrdreg s4  }
0xaa: {  	[dreg:$0x4] =	wrdreg $0xC0  }
0xab: {  	_ =	task [dreg:s6], $0x5FFFF  }
0xac: {  	[dreg:$0x1] =	wrdreg $0xFFFFFFFF  }
0xad: {  	[dreg:$0x0] =	wrdreg $0x60  }
0xae: {  	[dreg:$0x2] =	wrdreg s24  }
0xaf: {  	[dreg:$0x3] =	wrdreg $0xA4000  }
0xb0: {  	[dreg:$0x4] =	wrdreg $0x9  }
0xb1: {  	_ =	task.clear_ibuf [dreg:s6], $0x5FFFF;
	_ =	strace $0x90000046  }
0xb2: {  	s29 =	simm.s32 $0x9;
	_ =	strace $0x80000048  }
0xb3: {  	_ =	swait.ge [sflag:s29], $0x1  }
0xb4: {  	[sflag:s29] =	ssyncadd.s32 $0xFFFFFFFF  }
0xb5: {  	_ =	strace $0x90000048  }
0xb6: {  	_ =	sfence  }
0xb7: {  	s30 =	sld [smem:$0x0];
	_ =	sdelay $0x2  }
0xb8: {  	s31 =	sshll.u32 s1, $0xD;
	s1 =	sshrl.u32 s1, $0x2  }
0xb9: {  	s3 =	sand.u32 $0x4000, s31;
	s1 =	sadd.s32 s1, s30  }
0xba: {  	s0 =	sor.u32 s3, s0;
	s1 =	sshll.u32 s1, $0x11  }
0xbb: {  	s0 =	sor.u32 s1, s0  }
0xbc: {  	s0 =	sadd.s32 $0x8F2B, s0  }
0xbd: {  	[sflag:s0] =	ssyncadd.remote.s32 $0x1  }
0xbe: {  	_ =	sfence.sel $0xFFFF  }
0xbf: {  	[dreg:$0x0] =	wrdreg $0xFFFFFFFF;
	(pc) =	sbr.abs _section_cstart, $3  }
0xc0: {  	[dreg:$0x1] =	wrdreg $0xFFFFFFFF  }
0xc1: {  	_ =	task.clear_ibuf [dreg:s6], $0x2FFFF;
	_ =	strace $0x9FFFFFFF  }
0xc2: {  	(tm) =	ssettm $0x7FFFFFFF  }
0xc3: {  	_ =	shalt  }
tec
execute0_lowered:
.L_overlay_start_1:
0x0: {  	(tag) =	ssettag $0x1  }
0x1: {  	s0 =	srdreg.scid  }
0x2: {  	s1 =	rddreg [dreg:$0x0];
	s11 =	stileid.u32  }
0x3: {  	s2 =	rddreg [dreg:$0x1];
	s3 =	simm.s32 $0x0;
	s28 =	simm.s32 $0x100  }
0x4: {  	s29 =	simm.s32 $0x4400;
	s30 =	simm.s32 $0x1;
	s5 =	smul.u32 $0x13C00, s11  }
0x5: {  	s31 =	simm.s32 $0x6;
	s0 =	sand.u32 $0x1, s0;
	s6 =	smul.u32 $0x4F000, s11  }
0x6: {  	[smem:$0x7FF] =	sst s3;
	s7 =	sadd.s32 $0x2B400, s1;
	s19 =	smul.u32 $0xA000, s11  }
0x7: {  	s12 =	sshll.u32 s11, $0x1;
	s4 =	smul.u32 $0x13C000, s0;
	_ =	strace $0x80000047  }
0x8: {  	s8 =	ssub.s32 $0x2, s0;
	s10 =	sor.u32 s0, s12;
	s0 =	smul.u32 $0x5000, s0  }
0x9: {  	s6 =	sshrl.u32 s6, $0x2;
	s9 =	sshrl.u32 s8, $0x1;
	s16 =	smul.u32 $0x5000, s10  }
0xa: {  	s10 =	simm.s32 $0x0;
	s4 =	sadd.s32 s5, s4;
	s13 =	ssub.s32 s8, s9  }
0xb: {  	s0 =	sadd.s32 s0, s19;
	s9 =	simm.s32 $0x380;
	s5 =	sshrl.u32 s4, $0x3  }
0xc: {  	s4 =	sadd.s32 $0x3C00, s1;
	s8 =	sshrl.u32 s16, $0x3;
	s25 =	sor.u32 $0x600, s0  }
0xd: {  	s0 =	sor.u32 $0x400, s0;
	s1 =	sadd.s32 s5, s1;
	s5 =	sadd.s32 s6, s2  }
0xe: {  	s14 =	sadd.s32 s7, s8;
	s26 =	sshrl.u32 s25, $0x3;
	s15 =	sadd.s32 $0x2000, s5  }
0xf: {  	s0 =	sshrl.u32 s0, $0x3;
	s17 =	sadd.s32 $0x4000, s5;
	[dreg:$0x3] =	wrdreg s15  }
0x10: {  	s25 =	simm.s32 $0x400;
	s18 =	sadd.s32 $0x6000, s5;
	[dreg:$0x4] =	wrdreg s17  }
0x11: {  	s6 =	simm.s32 $0x180;
	s20 =	sadd.s32 $0x8000, s5;
	[dreg:$0x5] =	wrdreg s18  }
0x12: {  	s8 =	simm.s32 $0x280;
	s21 =	sadd.s32 $0xA000, s5;
	[dreg:$0x6] =	wrdreg s20  }
0x13: {  	s22 =	sadd.s32 $0xC000, s5;
	s23 =	sadd.s32 $0xE000, s5;
	[dreg:$0x7] =	wrdreg s21  }
0x14: {  	s24 =	sadd.s32 $0x10000, s5;
	s16 =	sadd.s32 $0x40, s14;
	[dreg:$0x8] =	wrdreg s22  }
0x15: {  	s19 =	sadd.s32 s26, s7;
	s26 =	simm.s32 $0x200;
	[dreg:$0x9] =	wrdreg s23  }
0x16: {  	[dreg:$0xa] =	wrdreg s24;
	s15 =	sadd.s32 $0x12000, s5;
	s17 =	sadd.s32 $0x3F400, s1  }
0x17: {  	s18 =	smax.u32 s13, $0x1;
	s20 =	sadd.s32 s0, s7;
	s21 =	simm.s32 $0x8400  }
0x18: {  	s22 =	simm.s32 $0x5;
	s23 =	simm.s32 $0x3;
	s24 =	simm.s32 $0x80  }
0x19: {  	v0 =	vimm.f32 $0.0e+00;
	s1 =	simm.s32 $0x4;
	s0 =	simm.s32 $0x2;
	s7 =	simm.s32 $0x300  }
.LBB2_1:
0x1a: {  	s11 =	simm.s32 $0x0;
	s12 =	simm.s32 $0x200  }
.LBB2_2:
0x1b: {  	p0 =	sne.s32 s12, $0x7E00;
	[tilespmem:s11+$0x8470] =	vst v0  }
0x1c: {  	[tilespmem:s11+$0x8400] =	vst v0  }
0x1d: {  	[tilespmem:s11+$0x8410] =	vst v0  }
.Ltmp0:
0x1e: {  	[tilespmem:s11+$0x8420] =	vst v0;
	(pc) =	sbr.rel @p0 .LBB2_2-.Ltmp0, $4  }
0x1f: {  	[tilespmem:s11+$0x8430] =	vst v0  }
0x20: {  	[tilespmem:s11+$0x8440] =	vst v0  }
0x21: {  	[tilespmem:s11+$0x8450] =	vst v0  }
0x22: {  	[tilespmem:s11+$0x8460] =	vst v0;
	s11 =	sshra.s32 s12, $0x2;
	s12 =	sadd.s32 $0x200, s12  }
0x23: {  	[tilespmem:s11+$0x8470] =	vst v0  }
0x24: {  	[tilespmem:s11+$0x8400] =	vst v0  }
0x25: {  	[tilespmem:s11+$0x8410] =	vst v0  }
0x26: {  	[tilespmem:s11+$0x8420] =	vst v0  }
0x27: {  	[tilespmem:s11+$0x8430] =	vst v0  }
0x28: {  	[tilespmem:s11+$0x8440] =	vst v0  }
0x29: {  	[tilespmem:s11+$0x8450] =	vst v0  }
0x2a: {  	[tilespmem:s11+$0x8460] =	vst v0  }
0x2b: {  	[spmem:s5] =	stream.linear.scatter [tilespmem:s21], [sflag:$0x5], $0x2000, $0x38;
	[tilespmem:$0x1E000] =	vst v63  }
0x2c: {  	s12 =	rddreg [dreg:$0x3]  }
0x2d: {  	[spmem:s12] =	stream.linear.scatter [tilespmem:s21], [sflag:$0x5], $0x2000, $0x38;
	[tilespmem:$0x1E000] =	vst v63  }
0x2e: {  	s13 =	rddreg [dreg:$0x4]  }
0x2f: {  	[spmem:s13] =	stream.linear.scatter [tilespmem:s21], [sflag:$0x5], $0x2000, $0x38;
	[tilespmem:$0x1E000] =	vst v63  }
0x30: {  	s12 =	rddreg [dreg:$0x5]  }
0x31: {  	[spmem:s12] =	stream.linear.scatter [tilespmem:s21], [sflag:$0x5], $0x2000, $0x38;
	[tilespmem:$0x1E000] =	vst v63  }
0x32: {  	s13 =	rddreg [dreg:$0x6]  }
0x33: {  	[spmem:s13] =	stream.linear.scatter [tilespmem:s21], [sflag:$0x5], $0x2000, $0x38;
	[tilespmem:$0x1E000] =	vst v63  }
0x34: {  	s12 =	rddreg [dreg:$0x7]  }
0x35: {  	[spmem:s12] =	stream.linear.scatter [tilespmem:s21], [sflag:$0x5], $0x2000, $0x38;
	[tilespmem:$0x1E000] =	vst v63  }
0x36: {  	s13 =	rddreg [dreg:$0x8]  }
0x37: {  	[spmem:s13] =	stream.linear.scatter [tilespmem:s21], [sflag:$0x5], $0x2000, $0x38;
	[tilespmem:$0x1E000] =	vst v63  }
0x38: {  	s12 =	rddreg [dreg:$0x9]  }
0x39: {  	[spmem:s12] =	stream.linear.scatter [tilespmem:s21], [sflag:$0x5], $0x2000, $0x38;
	[tilespmem:$0x1E000] =	vst v63  }
0x3a: {  	s13 =	rddreg [dreg:$0xa]  }
0x3b: {  	[spmem:s13] =	stream.linear.scatter [tilespmem:s21], [sflag:$0x5], $0x2000, $0x38;
	[tilespmem:$0x1E000] =	vst v63  }
0x3c: {  	_ = 	snop  }
0x3d: {  	[spmem:s15] =	stream.linear.scatter [tilespmem:s21], [sflag:$0x5], $0x1C00, $0x38;
	[tilespmem:$0x1E000] =	vst v63  }
0x3e: {  	s12 =	simm.s32 $0x0  }
0x3f: {  	[tilespmem:s12], [sflag:$0x3] =	stream.linear.gather [hbm4b:s14+s12], $0x200, $0x38;
	[tilespmem:$0x1E000] =	vst v63  }
0x40: {  	_ =	swait.ge [sflag:s22], $0x2000  }
0x41: {  	[sflag:s22] =	ssyncset.done $0x0  }
0x42: {  	[sflag:s22] =	ssyncadd.s32 $0xFFFFE000  }
0x43: {  	_ =	swait.ge [sflag:s22], $0x2000  }
0x44: {  	[sflag:s22] =	ssyncset.done $0x0  }
0x45: {  	[sflag:s22] =	ssyncadd.s32 $0xFFFFE000  }
0x46: {  	_ =	swait.ge [sflag:s22], $0x2000  }
0x47: {  	[sflag:s22] =	ssyncset.done $0x0  }
0x48: {  	[sflag:s22] =	ssyncadd.s32 $0xFFFFE000  }
0x49: {  	_ =	swait.ge [sflag:s22], $0x2000  }
0x4a: {  	[sflag:s22] =	ssyncset.done $0x0  }
0x4b: {  	[sflag:s22] =	ssyncadd.s32 $0xFFFFE000  }
0x4c: {  	_ =	swait.ge [sflag:s22], $0x2000  }
0x4d: {  	[sflag:s22] =	ssyncset.done $0x0  }
0x4e: {  	[sflag:s22] =	ssyncadd.s32 $0xFFFFE000  }
0x4f: {  	_ =	swait.ge [sflag:s22], $0x2000  }
0x50: {  	[sflag:s22] =	ssyncset.done $0x0  }
0x51: {  	[sflag:s22] =	ssyncadd.s32 $0xFFFFE000  }
0x52: {  	_ =	swait.ge [sflag:s22], $0x2000  }
0x53: {  	[sflag:s22] =	ssyncset.done $0x0  }
0x54: {  	[sflag:s22] =	ssyncadd.s32 $0xFFFFE000  }
0x55: {  	_ =	swait.ge [sflag:s22], $0x2000  }
0x56: {  	[sflag:s22] =	ssyncset.done $0x0  }
0x57: {  	[sflag:s22] =	ssyncadd.s32 $0xFFFFE000  }
0x58: {  	_ =	swait.ge [sflag:s22], $0x2000  }
0x59: {  	[sflag:s22] =	ssyncset.done $0x0  }
0x5a: {  	[sflag:s22] =	ssyncadd.s32 $0xFFFFE000  }
0x5b: {  	_ =	swait.ge [sflag:s22], $0x1C00  }
0x5c: {  	[sflag:s22] =	ssyncset.done $0x0  }
0x5d: {  	[sflag:s22] =	ssyncadd.s32 $0xFFFFE400  }
0x5e: {  	_ =	swait.ge [sflag:s23], $0x200  }
0x5f: {  	[sflag:s23] =	ssyncset.done $0x0  }
0x60: {  	[sflag:s23] =	ssyncadd.s32 $0xFFFFFE00  }
0x61: {  	[tilespmem:s25], [sflag:$0x1] =	stream.indirect.gather [hbm4b:s4+s24], $0x80, s12, s24, $0xb8;
	[tilespmem:$0x1E000] =	vst v63  }
0x62: {  	_ = 	snop  }
0x63: {  	[tilespmem:s26], [sflag:$0x4] =	stream.linear.gather [hbm4b:s16+s12], $0x200, $0x38;
	[tilespmem:$0x1E000] =	vst v63  }
0x64: {  	[bflag:$0x0] =	sbarrier.arrive $0xFFFF  }
0x65: {  	[tilespmem:s29], [sflag:$0x2] =	stream.indirect.gather [hbm4b:s4+s24], $0x80, s28, s24, $0xb8;
	[tilespmem:$0x1E000] =	vst v63  }
0x66: {  	_ =	swait.ge [sflag:s30], $0x4000  }
0x67: {  	[sflag:s30] =	ssyncset.done $0x0  }
0x68: {  	[sflag:s30] =	ssyncadd.s32 $0xFFFFC000  }
0x69: {  	[spmem:s2] =	stream.indirect.scatter.add.f32 [tilespmem:s25], [sflag:$0x6], $0x80, s24, s24, $0xb8;
	[tilespmem:$0x1E000] =	vst v63  }
0x6a: {  	_ =	swait.ge [sflag:s31], $0x4000  }
0x6b: {  	[sflag:s31] =	ssyncset.done $0x0  }
0x6c: {  	[sflag:s31] =	ssyncadd.s32 $0xFFFFC000  }
0x6d: {  	_ =	swait.ge [sflag:s1], $0x200  }
0x6e: {  	[sflag:s1] =	ssyncset.done $0x0  }
0x6f: {  	[sflag:s1] =	ssyncadd.s32 $0xFFFFFE00  }
0x70: {  	[tilespmem:s25], [sflag:$0x1] =	stream.indirect.gather [hbm4b:s4+s24], $0x80, s26, s24, $0xb8;
	[tilespmem:$0x1E000] =	vst v63  }
0x71: {  	_ =	swait.ge [sflag:s0], $0x4000  }
0x72: {  	[sflag:s0] =	ssyncset.done $0x0  }
0x73: {  	[sflag:s0] =	ssyncadd.s32 $0xFFFFC000  }
0x74: {  	[spmem:s2] =	stream.indirect.scatter.add.f32 [tilespmem:s29], [sflag:$0x6], $0x80, s6, s24, $0xb8;
	[tilespmem:$0x1E000] =	vst v63  }
0x75: {  	_ =	swait.ge [sflag:s31], $0x4000  }
0x76: {  	[sflag:s31] =	ssyncset.done $0x0  }
0x77: {  	s13 =	sadd.s32 $0x0, s20;
	[sflag:s31] =	ssyncadd.s32 $0xFFFFC000  }
0x78: {  	[tilespmem:s3], [sflag:$0x3] =	stream.linear.gather [hbm4b:s13+s3], $0x200, $0x38;
	[tilespmem:$0x1E000] =	vst v63  }
0x79: {  	_ = 	snop  }
0x7a: {  	[tilespmem:s29], [sflag:$0x2] =	stream.indirect.gather [hbm4b:s4+s24], $0x80, s7, s24, $0xb8;
	[tilespmem:$0x1E000] =	vst v63  }
0x7b: {  	_ =	swait.ge [sflag:s30], $0x4000  }
0x7c: {  	[sflag:s30] =	ssyncset.done $0x0  }
0x7d: {  	[sflag:s30] =	ssyncadd.s32 $0xFFFFC000  }
0x7e: {  	[spmem:s2] =	stream.indirect.scatter.add.f32 [tilespmem:s25], [sflag:$0x6], $0x80, s8, s24, $0xb8;
	[tilespmem:$0x1E000] =	vst v63  }
0x7f: {  	_ =	swait.ge [sflag:s31], $0x4000  }
0x80: {  	[sflag:s31] =	ssyncset.done $0x0  }
0x81: {  	[sflag:s31] =	ssyncadd.s32 $0xFFFFC000  }
0x82: {  	_ =	swait.ge [sflag:s23], $0x200  }
0x83: {  	[sflag:s23] =	ssyncset.done $0x0  }
0x84: {  	[sflag:s23] =	ssyncadd.s32 $0xFFFFFE00  }
0x85: {  	[tilespmem:s25], [sflag:$0x1] =	stream.indirect.gather [hbm4b:s4+s24], $0x80, s3, s24, $0xb8;
	[tilespmem:$0x1E000] =	vst v63  }
0x86: {  	_ =	swait.ge [sflag:s0], $0x4000  }
0x87: {  	[sflag:s0] =	ssyncset.done $0x0  }
0x88: {  	[sflag:s0] =	ssyncadd.s32 $0xFFFFC000  }
0x89: {  	[spmem:s2] =	stream.indirect.scatter.add.f32 [tilespmem:s29], [sflag:$0x6], $0x80, s9, s24, $0xb8;
	[tilespmem:$0x1E000] =	vst v63  }
0x8a: {  	_ =	swait.ge [sflag:s31], $0x4000  }
0x8b: {  	[sflag:s31] =	ssyncset.done $0x0  }
0x8c: {  	s11 =	simm.s32 $0x80;
	s12 =	sadd.s32 $0x0, s19;
	[sflag:s31] =	ssyncadd.s32 $0xFFFFC000  }
.LBB2_4:
0x8d: {  	[tilespmem:s26], [sflag:$0x4] =	stream.linear.gather [hbm4b:s12+s3], $0x200, $0x38;
	[tilespmem:$0x1E000] =	vst v63  }
0x8e: {  	p0 =	sne.s32 s11, $0x900;
	s12 =	smov.u32 s11;
	s11 =	sadd.s32 $0x80, s11  }
0x8f: {  	[tilespmem:s29], [sflag:$0x2] =	stream.indirect.gather [hbm4b:s4+s24], $0x80, s28, s24, $0xb8;
	[tilespmem:$0x1E000] =	vst v63  }
0x90: {  	_ =	swait.ge [sflag:s30], $0x4000  }
0x91: {  	[sflag:s30] =	ssyncset.done $0x0  }
0x92: {  	[sflag:s30] =	ssyncadd.s32 $0xFFFFC000  }
0x93: {  	[spmem:s2] =	stream.indirect.scatter.add.f32 [tilespmem:s25], [sflag:$0x6], $0x80, s24, s24, $0xb8;
	[tilespmem:$0x1E000] =	vst v63  }
0x94: {  	_ =	swait.ge [sflag:s31], $0x4000  }
0x95: {  	[sflag:s31] =	ssyncset.done $0x0  }
0x96: {  	[sflag:s31] =	ssyncadd.s32 $0xFFFFC000  }
0x97: {  	_ =	swait.ge [sflag:s1], $0x200  }
0x98: {  	[sflag:s1] =	ssyncset.done $0x0  }
0x99: {  	[sflag:s1] =	ssyncadd.s32 $0xFFFFFE00  }
0x9a: {  	[tilespmem:s25], [sflag:$0x1] =	stream.indirect.gather [hbm4b:s4+s24], $0x80, s26, s24, $0xb8;
	[tilespmem:$0x1E000] =	vst v63  }
0x9b: {  	_ =	swait.ge [sflag:s0], $0x4000  }
0x9c: {  	[sflag:s0] =	ssyncset.done $0x0  }
0x9d: {  	[sflag:s0] =	ssyncadd.s32 $0xFFFFC000  }
0x9e: {  	[spmem:s2] =	stream.indirect.scatter.add.f32 [tilespmem:s29], [sflag:$0x6], $0x80, s6, s24, $0xb8;
	[tilespmem:$0x1E000] =	vst v63  }
0x9f: {  	_ =	swait.ge [sflag:s31], $0x4000  }
0xa0: {  	[sflag:s31] =	ssyncset.done $0x0  }
0xa1: {  	s13 =	sadd.s32 s12, s20;
	[sflag:s31] =	ssyncadd.s32 $0xFFFFC000  }
0xa2: {  	[tilespmem:s3], [sflag:$0x3] =	stream.linear.gather [hbm4b:s13+s3], $0x200, $0x38;
	[tilespmem:$0x1E000] =	vst v63  }
0xa3: {  	_ = 	snop  }
0xa4: {  	[tilespmem:s29], [sflag:$0x2] =	stream.indirect.gather [hbm4b:s4+s24], $0x80, s7, s24, $0xb8;
	[tilespmem:$0x1E000] =	vst v63  }
0xa5: {  	_ =	swait.ge [sflag:s30], $0x4000  }
0xa6: {  	[sflag:s30] =	ssyncset.done $0x0  }
0xa7: {  	[sflag:s30] =	ssyncadd.s32 $0xFFFFC000  }
0xa8: {  	[spmem:s2] =	stream.indirect.scatter.add.f32 [tilespmem:s25], [sflag:$0x6], $0x80, s8, s24, $0xb8;
	[tilespmem:$0x1E000] =	vst v63  }
0xa9: {  	_ =	swait.ge [sflag:s31], $0x4000  }
0xaa: {  	[sflag:s31] =	ssyncset.done $0x0  }
0xab: {  	[sflag:s31] =	ssyncadd.s32 $0xFFFFC000  }
0xac: {  	_ =	swait.ge [sflag:s23], $0x200  }
0xad: {  	[sflag:s23] =	ssyncset.done $0x0  }
0xae: {  	[sflag:s23] =	ssyncadd.s32 $0xFFFFFE00  }
0xaf: {  	[tilespmem:s25], [sflag:$0x1] =	stream.indirect.gather [hbm4b:s4+s24], $0x80, s3, s24, $0xb8;
	[tilespmem:$0x1E000] =	vst v63  }
0xb0: {  	_ =	swait.ge [sflag:s0], $0x4000  }
0xb1: {  	[sflag:s0] =	ssyncset.done $0x0  }
.Ltmp1:
0xb2: {  	[sflag:s0] =	ssyncadd.s32 $0xFFFFC000;
	(pc) =	sbr.rel @p0 .LBB2_4-.Ltmp1, $4  }
0xb3: {  	[spmem:s2] =	stream.indirect.scatter.add.f32 [tilespmem:s29], [sflag:$0x6], $0x80, s9, s24, $0xb8;
	[tilespmem:$0x1E000] =	vst v63  }
0xb4: {  	_ =	swait.ge [sflag:s31], $0x4000  }
0xb5: {  	[sflag:s31] =	ssyncset.done $0x0  }
0xb6: {  	s12 =	sadd.s32 s12, s19;
	[sflag:s31] =	ssyncadd.s32 $0xFFFFC000  }
0xb7: {  	[tilespmem:s26], [sflag:$0x4] =	stream.linear.gather [hbm4b:s12+s3], $0x200, $0x38;
	[tilespmem:$0x1E000] =	vst v63  }
0xb8: {  	_ = 	snop  }
0xb9: {  	[tilespmem:s29], [sflag:$0x2] =	stream.indirect.gather [hbm4b:s4+s24], $0x80, s28, s24, $0xb8;
	[tilespmem:$0x1E000] =	vst v63  }
0xba: {  	_ =	swait.ge [sflag:s30], $0x4000  }
0xbb: {  	[sflag:s30] =	ssyncset.done $0x0  }
0xbc: {  	[sflag:s30] =	ssyncadd.s32 $0xFFFFC000  }
0xbd: {  	[spmem:s2] =	stream.indirect.scatter.add.f32 [tilespmem:s25], [sflag:$0x6], $0x80, s24, s24, $0xb8;
	[tilespmem:$0x1E000] =	vst v63  }
0xbe: {  	_ =	swait.ge [sflag:s31], $0x4000  }
0xbf: {  	[sflag:s31] =	ssyncset.done $0x0  }
0xc0: {  	[sflag:s31] =	ssyncadd.s32 $0xFFFFC000  }
0xc1: {  	_ =	swait.ge [sflag:s1], $0x200  }
0xc2: {  	[sflag:s1] =	ssyncset.done $0x0  }
0xc3: {  	[sflag:s1] =	ssyncadd.s32 $0xFFFFFE00  }
0xc4: {  	[tilespmem:s25], [sflag:$0x1] =	stream.indirect.gather [hbm4b:s4+s24], $0x80, s26, s24, $0xb8;
	[tilespmem:$0x1E000] =	vst v63  }
0xc5: {  	_ =	swait.ge [sflag:s0], $0x4000  }
0xc6: {  	[sflag:s0] =	ssyncset.done $0x0  }
0xc7: {  	[sflag:s0] =	ssyncadd.s32 $0xFFFFC000  }
0xc8: {  	[spmem:s2] =	stream.indirect.scatter.add.f32 [tilespmem:s29], [sflag:$0x6], $0x80, s6, s24, $0xb8;
	[tilespmem:$0x1E000] =	vst v63  }
0xc9: {  	_ =	swait.ge [sflag:s31], $0x4000  }
0xca: {  	[sflag:s31] =	ssyncset.done $0x0  }
0xcb: {  	[sflag:s31] =	ssyncadd.s32 $0xFFFFC000  }
0xcc: {  	[tilespmem:s29], [sflag:$0x2] =	stream.indirect.gather [hbm4b:s4+s24], $0x80, s7, s24, $0xb8;
	[tilespmem:$0x1E000] =	vst v63  }
0xcd: {  	_ =	swait.ge [sflag:s30], $0x4000  }
0xce: {  	[sflag:s30] =	ssyncset.done $0x0  }
0xcf: {  	[sflag:s30] =	ssyncadd.s32 $0xFFFFC000  }
0xd0: {  	[spmem:s2] =	stream.indirect.scatter.add.f32 [tilespmem:s25], [sflag:$0x6], $0x80, s8, s24, $0xb8;
	[tilespmem:$0x1E000] =	vst v63  }
0xd1: {  	_ =	swait.ge [sflag:s31], $0x4000  }
0xd2: {  	[sflag:s31] =	ssyncset.done $0x0  }
0xd3: {  	[sflag:s31] =	ssyncadd.s32 $0xFFFFC000  }
0xd4: {  	_ =	swait.ge [sflag:s0], $0x4000  }
0xd5: {  	[sflag:s0] =	ssyncset.done $0x0  }
0xd6: {  	[sflag:s0] =	ssyncadd.s32 $0xFFFFC000  }
0xd7: {  	[spmem:s2] =	stream.indirect.scatter.add.f32 [tilespmem:s29], [sflag:$0x6], $0x80, s9, s24, $0xb8;
	[tilespmem:$0x1E000] =	vst v63  }
0xd8: {  	s11 =	stileid.u32;
	_ =	swait.ge [sflag:s31], $0x4000  }
0xd9: {  	s13 =	sshrl.u32 s5, $0x3;
	s10 =	sadd.s32 $0x1, s10;
	[sflag:s31] =	ssyncset.done $0x0  }
0xda: {  	s11 =	sshll.u32 s11, $0x6;
	p0 =	sne.s32 s10, s18;
	[sflag:s31] =	ssyncadd.s32 $0xFFFFC000  }
.Ltmp2:
0xdb: {  	s11 =	sor.u32 $0x1C06, s11;
	[bflag:$0x0] =	sbarrier.arrive $0xFFFF;
	(pc) =	sbr.rel @p0 .LBB2_1-.Ltmp2, $4  }
0xdc: {  	[hbm:s17], [sflag:s11] =	dma.local [spmem:s13], $0x2780  }
0xdd: {  	_ =	swait.ge [sflag:s31], $0x2780  }
0xde: {  	[sflag:s31] =	ssyncset.done $0x0  }
0xdf: {  	[sflag:s31] =	ssyncadd.s32 $0xFFFFD880  }
0xe0: {  	_ =	sfence.sel $0x180000  }
0xe1: {  	[bflag:$0x0] =	sbarrier.arrive $0xFFFF  }
0xe2: {  	_ =	strace $0x90000047  }
0xe3: {  	s0 =	stileid.u32;
	[bflag:$0x2] =	sbarrier.arrive $0xFFFF  }
0xe4: {  	p0 =	sne.s32 s0, $0x0;
	s0 =	rddreg [dreg:$0x2]  }
0xe5: {  	s0 =	sadd.s32 @!p0 $0x100000, s0  }
0xe6: {  	[sflag:s0] =	ssyncadd.tile.s32 @!p0 $0x1;
	_ =	shalt  }
.Lfunc_end2:
_tile_overlayer_lowered:
.L_overlay_start_2:
0xe7: {  	(tag) =	ssettag $0x2  }
0xe8: {  	s0 =	rddreg [dreg:$0x0];
	s2 =	stileid.u32  }
0xe9: {  	s1 =	rddreg [dreg:$0x1];
	p0 =	sne.s32 s2, $0x0  }
0xea: {  	s3 =	rddreg [dreg:$0x2];
	[bflag:$0x3] =	sbarrier.arrive $0xFFFF;
	s2 =	simm.s32 @!p0 $0x1C06  }
0xeb: {  	[timem:s3], [sflag:s2] =	dma.local @!p0 [hbm:s0], s1  }
0xec: {  	s0 =	simm.s32 @!p0 $0x6  }
0xed: {  	_ =	swait.ge @!p0 [sflag:s0], s1  }
0xee: {  	s1 =	ssub.s32 @!p0 $0x0, s1;
	[sflag:s0] =	ssyncset.done @!p0 $0x0  }
0xef: {  	[sflag:s0] =	ssyncadd.s32 @!p0 s1  }
0xf0: {  	[bflag:$0x3] =	sbarrier.arrive $0xFFFF  }
0xf1: {  	_ =	shalt  }

</sc_bundles>
